<compile_context>
chip_gen: v7x
topology: tpu7x:2x2x1
jax: 0.10.2.dev20260603
libtpu: 0.0.44.dev20260713+nightly
codegen_flags: <defaults>
</compile_context>

<pallas_src>
import functools

import jax
import jax.numpy as jnp
from jax import lax
from jax.experimental import pallas as pl
from jax.experimental.pallas import tpu as pltpu
from jax.experimental.pallas import tpu_sc as plsc

N = 10000
NP = 10240
E = 320000
ET = E + N
NW = 32
B = 16
NCH = 16
CT = -(-ET // (NCH * B))
EP = NCH * B * CT
EPS = 1e-5

_GDN = lax.GatherDimensionNumbers(offset_dims=(), collapsed_slice_dims=(0,),
                                  start_index_map=(0,))


def _permute(v, idx16):
    return lax.gather(v, idx16[:, None], _GDN, (1,),
                      mode=lax.GatherScatterMode.PROMISE_IN_BOUNDS)



def _edge_body(src_hbm, dst_hbm, asad_hbm, z_hbm, dp_hbm, agg_hbm,
               src_v, dst_v, as_v, ad_v, den_v, rowA_v, rowB_v, zb_v,
               diA_v, diB_v, agg_sh):
    c = lax.axis_index("c")
    s = lax.axis_index("s")

    pltpu.sync_copy(src_hbm.at[s], src_v)
    pltpu.sync_copy(dst_hbm.at[s], dst_v)
    pltpu.sync_copy(asad_hbm.at[0], as_v)
    pltpu.sync_copy(asad_hbm.at[1], ad_v)

    def xform(t, _):
        src_v[t, :] = src_v[t, :] * 2 + c
        return 0
    lax.fori_loop(0, CT, xform, 0)

    neg = jnp.full((16,), -3.0e38, jnp.float32)
    zero16 = jnp.zeros((16,), jnp.float32)

    def zmax_body(i, carry):
        ma, md = carry
        sl = pl.ds(i * 16, 16)
        den_v[sl] = zero16
        ma = jnp.maximum(ma, as_v[sl])
        md = jnp.maximum(md, ad_v[sl])
        return ma, md

    ma, md = lax.fori_loop(0, NP // 16, zmax_body, (neg, neg))

    iota16 = lax.iota(jnp.int32, 16)
    def _allmax(v):
        for sh in (1, 2, 4, 8):
            v = jnp.maximum(v, _permute(v, jnp.bitwise_xor(iota16, sh)))
        return v

    G = _allmax(ma) + _allmax(md)

    rows_per_tile = NP // 16
    def zb_zero(i, _):
        zb_v[i % 64, pl.ds((i // 64) * 16, 16)] = zero16
        return 0
    lax.fori_loop(0, 64 * 4, zb_zero, 0)

    def agg_zero(j, _):
        pltpu.sync_copy(zb_v, agg_sh.at[pl.ds(s * rows_per_tile + j * 64, 64)])
        return 0
    lax.fori_loop(0, rows_per_tile // 64, agg_zero, 0)

    plsc.subcore_barrier()

    def gather_scale(t, buf, dibuf):
        srcr = src_v[t, :]
        src16 = lax.shift_right_logical(srcr, 1)
        dst16 = dst_v[t, :]
        a_s = plsc.load_gather(as_v, [src16])
        a_d = plsc.load_gather(ad_v, [dst16])
        al = a_s + a_d
        al = jnp.where(al >= 0.0, al, al * 0.2)
        w = jnp.exp(al - G)
        plsc.addupdate_scatter(den_v, [dst16], w)
        dibuf[...] = dst16
        pltpu.sync_copy(z_hbm.at[src_v.at[t]], buf)
        for i in range(B):
            wb = _permute(w, jnp.full((16,), i, jnp.int32))
            for j in range(4):
                sl = pl.ds(j * 16, 16)
                buf[i, sl] = buf[i, sl] * wb

    gather_scale(0, rowA_v, diA_v)

    def pair(u, _):
        gather_scale(2 * u + 1, rowB_v, diB_v)
        pltpu.sync_copy(rowA_v, agg_sh.at[diA_v], add=True)

        @pl.when(2 * u + 2 < CT)
        def _():
            gather_scale(2 * u + 2, rowA_v, diA_v)
        pltpu.sync_copy(rowB_v, agg_sh.at[diB_v], add=True)
        return 0

    lax.fori_loop(0, CT // 2, pair, 0)

    plsc.subcore_barrier()

    @pl.when(c == 0)
    def _():
        pltpu.sync_copy(den_v, dp_hbm.at[s])

    def agg_out(j, _):
        r0 = s * rows_per_tile + j * 64
        pltpu.sync_copy(agg_sh.at[pl.ds(r0, 64)], zb_v)
        pltpu.sync_copy(zb_v, agg_hbm.at[pl.ds(r0, 64), c])
        return 0
    lax.fori_loop(0, rows_per_tile // 64, agg_out, 0)


@jax.jit
def _edge_pass(srcg, dstg, asad, z):
    mesh = plsc.VectorSubcoreMesh(core_axis_name="c", subcore_axis_name="s",
                                  num_cores=2, num_subcores=16)
    f = pl.kernel(
        _edge_body,
        out_type=(
            jax.ShapeDtypeStruct((NCH, NP), jnp.float32),
            jax.ShapeDtypeStruct((NP, 2, 64), jnp.float32),
        ),
        mesh=mesh,
        compiler_params=pltpu.CompilerParams(needs_layout_passes=False,
                                             use_tc_tiling_on_sc=False),
        scratch_types=[
            pltpu.VMEM((CT, B), jnp.int32),
            pltpu.VMEM((CT, B), jnp.int32),
            pltpu.VMEM((NP,), jnp.float32),
            pltpu.VMEM((NP,), jnp.float32),
            pltpu.VMEM((NP,), jnp.float32),
            pltpu.VMEM((B, 64), jnp.float32),
            pltpu.VMEM((B, 64), jnp.float32),
            pltpu.VMEM((64, 64), jnp.float32),
            pltpu.VMEM((B,), jnp.int32),
            pltpu.VMEM((B,), jnp.int32),
            pltpu.VMEM_SHARED((NP, 64), jnp.float32),
        ],
    )
    return f(srcg, dstg, asad, z.reshape(2 * NP, 64))



def _prep_body(ws_ref, wd_ref, as_ref, ad_ref, o_ref):
    r0 = lax.dot_general(as_ref[...], ws_ref[...], (((1,), (1,)), ((), ())),
                         preferred_element_type=jnp.float32)
    r1 = lax.dot_general(ad_ref[...], wd_ref[...], (((1,), (1,)), ((), ())),
                         preferred_element_type=jnp.float32)
    o_ref[...] = jnp.concatenate(
        [r0, r1, jnp.zeros((6, 128), jnp.float32)], axis=0)


def _prep(Ws, Wd, a_s, a_d):
    H = Ws.shape[1]
    return pl.pallas_call(
        _prep_body,
        out_shape=jax.ShapeDtypeStruct((8, 128), jnp.float32),
    )(Ws, Wd, a_s.reshape(1, H), a_d.reshape(1, H))


def _asad_body(x_ref, v_ref, o_ref):
    o_ref[...] = lax.dot_general(
        v_ref[...], x_ref[...], (((1,), (1,)), ((), ())),
        preferred_element_type=jnp.float32)


def _asad(xp, v2, bm=1024):
    return pl.pallas_call(
        _asad_body,
        grid=(NP // bm,),
        in_specs=[
            pl.BlockSpec((bm, 128), lambda m: (m, 0)),
            pl.BlockSpec((8, 128), lambda m: (0, 0)),
        ],
        out_specs=pl.BlockSpec((8, bm), lambda m: (0, m)),
        out_shape=jax.ShapeDtypeStruct((8, NP), jnp.float32),
    )(xp, v2)


def _k3_body(ap_ref, dp_ref, w_ref, b_ref, o_ref):
    a = ap_ref[...]
    dn = jnp.sum(dp_ref[...], axis=0)
    z = a * (1.0 / (dn + 1e-16))[:, None]
    y = jnp.dot(z, w_ref[...], preferred_element_type=jnp.float32) + b_ref[...]
    o_ref[...] = jnp.maximum(y, 0.0)


def _k3(agg_parts, denom_parts, W, b, bm=512):
    H = W.shape[1]
    return pl.pallas_call(
        _k3_body,
        grid=(NP // bm,),
        in_specs=[
            pl.BlockSpec((bm, 128), lambda m: (m, 0)),
            pl.BlockSpec((NCH, bm), lambda m: (0, m)),
            pl.BlockSpec((128, H), lambda m: (0, 0)),
            pl.BlockSpec((1, H), lambda m: (0, 0)),
        ],
        out_specs=pl.BlockSpec((bm, H), lambda m: (m, 0)),
        out_shape=jax.ShapeDtypeStruct((NP, H), jnp.float32),
    )(agg_parts, denom_parts, W, b.reshape(1, H))


def _mm_body(a_ref, w_ref, b_ref, o_ref):
    k = pl.program_id(2)

    @pl.when(k == 0)
    def _():
        o_ref[...] = jnp.broadcast_to(b_ref[...], o_ref.shape)

    o_ref[...] += jnp.dot(a_ref[...], w_ref[...],
                          preferred_element_type=jnp.float32)


def _mm(a, w, b, bm=512, bn=512, bk=512):
    M, K = a.shape
    _, Nf = w.shape
    bn = min(bn, Nf)
    bk = min(bk, K)
    nk = K // bk
    return pl.pallas_call(
        _mm_body,
        grid=(M // bm, Nf // bn, nk),
        in_specs=[
            pl.BlockSpec((bm, bk), lambda m, n, k: (m, k)),
            pl.BlockSpec((bk, bn), lambda m, n, k: (k, n)),
            pl.BlockSpec((1, bn), lambda m, n, k: (0, n)),
        ],
        out_specs=pl.BlockSpec((bm, bn), lambda m, n, k: (m, n)),
        out_shape=jax.ShapeDtypeStruct((M, Nf), jnp.float32),
        compiler_params=pltpu.CompilerParams(
            dimension_semantics=("parallel", "parallel", "arbitrary")),
    )(a, w, b.reshape(1, Nf))


def _stats_body(y_ref, s_ref, *, bm, nm):
    n_i, m_i = pl.program_id(0), pl.program_id(1)

    @pl.when(m_i == 0)
    def _():
        s_ref[...] = jnp.zeros_like(s_ref)

    rows = m_i * bm + lax.broadcasted_iota(jnp.int32, (bm, 1), 0)
    yb = jnp.where(rows < N, y_ref[...], 0.0)
    s0 = jnp.sum(yb, axis=0, keepdims=True)
    s1 = jnp.sum(yb * yb, axis=0, keepdims=True)
    bn = s0.shape[1]
    s_ref[...] += jnp.concatenate(
        [s0, s1, jnp.zeros((6, bn), jnp.float32)], axis=0)


def _stats(y, bm=1024, bn=1024):
    M, F = y.shape
    bn = min(bn, F)
    nm = M // bm
    return pl.pallas_call(
        functools.partial(_stats_body, bm=bm, nm=nm),
        grid=(F // bn, nm),
        in_specs=[pl.BlockSpec((bm, bn), lambda n, m: (m, n))],
        out_specs=pl.BlockSpec((8, bn), lambda n, m: (0, n)),
        out_shape=jax.ShapeDtypeStruct((8, F), jnp.float32),
        compiler_params=pltpu.CompilerParams(
            dimension_semantics=("parallel", "arbitrary")),
    )(y)


def _bn_body(y_ref, s_ref, g_ref, b_ref, o_ref):
    mean = s_ref[0:1, :] * (1.0 / N)
    var = s_ref[1:2, :] * (1.0 / N) - mean * mean
    scale = g_ref[...] * lax.rsqrt(var + EPS)
    o_ref[...] = jnp.maximum((y_ref[...] - mean) * scale + b_ref[...], 0.0)


def _bn(y, s, g, b, bm=1024, bn=1024):
    M, F = y.shape
    bn = min(bn, F)
    return pl.pallas_call(
        _bn_body,
        grid=(M // bm, F // bn),
        in_specs=[
            pl.BlockSpec((bm, bn), lambda m, n: (m, n)),
            pl.BlockSpec((8, bn), lambda m, n: (0, n)),
            pl.BlockSpec((1, bn), lambda m, n: (0, n)),
            pl.BlockSpec((1, bn), lambda m, n: (0, n)),
        ],
        out_specs=pl.BlockSpec((bm, bn), lambda m, n: (m, n)),
        out_shape=jax.ShapeDtypeStruct((M, F), jnp.float32),
    )(y, s, g.reshape(1, F), b.reshape(1, F))


def _lsm_body(z_ref, o_ref):
    z = z_ref[...]
    mx = jnp.max(z, axis=1, keepdims=True)
    e = jnp.exp(z - mx)
    lse = jnp.log(jnp.sum(e, axis=1, keepdims=True))
    o_ref[...] = z - mx - lse


def _lsm(z, bm=1024):
    M, F = z.shape
    return pl.pallas_call(
        _lsm_body,
        grid=(M // bm,),
        in_specs=[pl.BlockSpec((bm, F), lambda m: (m, 0))],
        out_specs=pl.BlockSpec((bm, F), lambda m: (m, 0)),
        out_shape=jax.ShapeDtypeStruct((M, F), jnp.float32),
    )(z)



def _gat_layer(zp, srcg, dstg, Ws, Wd, a_s, a_d, b):
    v2 = _prep(Ws, Wd, a_s, a_d)
    asad8 = _asad(zp, v2)
    denom_parts, agg3 = _edge_pass(srcg, dstg, asad8[:2], zp)
    return _k3(agg3.reshape(NP, 128), denom_parts, Ws, b)


def kernel(x, edge_index, W_src1, W_dst1, att_src1, att_dst1, bg1,
           W_src2, W_dst2, att_src2, att_dst2, bg2,
           Wf1, bf1, g1, be1, Wf2, bf2, g2, be2, Wf3, bf3, g3, be3,
           Wf4, bf4):
    xp = jnp.pad(x, ((0, NP - N), (0, 0)))
    loop = jnp.arange(N, dtype=edge_index.dtype)
    pad = jnp.full((EP - ET,), N, edge_index.dtype)
    srcg = jnp.concatenate([edge_index[0], loop, pad]).reshape(NCH, CT, B)
    dstg = jnp.concatenate([edge_index[1], loop, pad]).reshape(NCH, CT, B)

    h = _gat_layer(xp, srcg, dstg, W_src1, W_dst1, att_src1, att_dst1, bg1)
    h = _gat_layer(h, srcg, dstg, W_src2, W_dst2, att_src2, att_dst2, bg2)

    F1p = 4096
    Wf1p = jnp.pad(Wf1, ((0, 0), (0, F1p - Wf1.shape[1])))
    bf1p = jnp.pad(bf1, (0, F1p - bf1.shape[0]))
    g1p = jnp.pad(g1, (0, F1p - g1.shape[0]))
    be1p = jnp.pad(be1, (0, F1p - be1.shape[0]))
    Wf2p = jnp.pad(Wf2, ((0, F1p - Wf2.shape[0]), (0, 0)))

    y = _mm(h, Wf1p, bf1p)
    y = _bn(y, _stats(y), g1p, be1p)
    y = _mm(y, Wf2p, bf2)
    y = _bn(y, _stats(y), g2, be2)
    y = _mm(y, Wf3, bf3)
    y = _bn(y, _stats(y), g3, be3)

    OUTP = 128
    Wf4p = jnp.pad(Wf4, ((0, 0), (0, OUTP - Wf4.shape[1])))
    bf4p = jnp.pad(bf4, (0, OUTP - bf4.shape[0]), constant_values=-1e9)
    y = _mm(y, Wf4p, bf4p, bn=128, bk=256)
    out = _lsm(y)
    return out[:N, :Wf4.shape[1]]

# --- scband reference (transcript-rebuilt; emitter-appended) ---
"""Pipeline reference for scband-homo-gat-37709812859000 (READ-ONLY COPY).

The authoritative reference and input builder live on the scoring server;
editing this copy changes nothing except your own understanding.
"""

import jax, jax.numpy as jnp
import numpy as np

N = 10000
E = 320000
D = 128
H1 = 128
H2 = 1024
F1 = 4092
F2 = 1024
F3 = 256
OUT = 40
EPS = 1e-5


def setup_inputs(seed: int = 0):
    key = jax.random.key(seed)
    ks = jax.random.split(key, 32)
    s = 0.05
    inp = {}
    inp['x'] = jax.random.normal(ks[0], (N, D), jnp.float32)
    inp['edge_index'] = jax.random.randint(ks[1], (2, E), 0, N, dtype=jnp.int32)
    inp['W_src1'] = jax.random.normal(ks[2], (D, H1), jnp.float32) * s
    inp['W_dst1'] = jax.random.normal(ks[3], (D, H1), jnp.float32) * s
    inp['att_src1'] = jax.random.normal(ks[4], (H1,), jnp.float32) * s
    inp['att_dst1'] = jax.random.normal(ks[5], (H1,), jnp.float32) * s
    inp['bg1'] = jnp.zeros((H1,), jnp.float32)
    inp['W_src2'] = jax.random.normal(ks[6], (H1, H2), jnp.float32) * s
    inp['W_dst2'] = jax.random.normal(ks[7], (H1, H2), jnp.float32) * s
    inp['att_src2'] = jax.random.normal(ks[8], (H2,), jnp.float32) * s
    inp['att_dst2'] = jax.random.normal(ks[9], (H2,), jnp.float32) * s
    inp['bg2'] = jnp.zeros((H2,), jnp.float32)
    inp['Wf1'] = jax.random.normal(ks[10], (H2, F1), jnp.float32) * s
    inp['bf1'] = jnp.zeros((F1,), jnp.float32)
    inp['g1'] = jnp.ones((F1,), jnp.float32)
    inp['be1'] = jnp.zeros((F1,), jnp.float32)
    inp['Wf2'] = jax.random.normal(ks[11], (F1, F2), jnp.float32) * s
    inp['bf2'] = jnp.zeros((F2,), jnp.float32)
    inp['g2'] = jnp.ones((F2,), jnp.float32)
    inp['be2'] = jnp.zeros((F2,), jnp.float32)
    inp['Wf3'] = jax.random.normal(ks[12], (F2, F3), jnp.float32) * s
    inp['bf3'] = jnp.zeros((F3,), jnp.float32)
    inp['g3'] = jnp.ones((F3,), jnp.float32)
    inp['be3'] = jnp.zeros((F3,), jnp.float32)
    inp['Wf4'] = jax.random.normal(ks[13], (F3, OUT), jnp.float32) * s
    inp['bf4'] = jnp.zeros((OUT,), jnp.float32)
    return inp


def _gat_conv(x, src, dst, Ws, Wd, a_s, a_d, b):
    n = x.shape[0]
    hs = x @ Ws
    hd = x @ Wd
    a_src = (hs * a_s).sum(-1)
    a_dst = (hd * a_d).sum(-1)
    alpha = a_src[src] + a_dst[dst]
    alpha = jax.nn.leaky_relu(alpha, 0.2)
    amax = jax.ops.segment_max(alpha, dst, num_segments=n)
    amax = jax.lax.stop_gradient(jnp.where(jnp.isfinite(amax), amax, 0.0))
    ex = jnp.exp(alpha - amax[dst])
    denom = jax.ops.segment_sum(ex, dst, num_segments=n)
    coef = ex / (denom[dst] + 1e-16)
    out = jax.ops.segment_sum(hs[src] * coef[:, None], dst, num_segments=n)
    return out + b


def _bn(x, g, b):
    m = x.mean(axis=0)
    v = x.var(axis=0)
    return g * (x - m) / jnp.sqrt(v + EPS) + b


def reference(x, edge_index, W_src1, W_dst1, att_src1, att_dst1, bg1, W_src2, W_dst2, att_src2, att_dst2, bg2, Wf1, bf1, g1, be1, Wf2, bf2, g2, be2, Wf3, bf3, g3, be3, Wf4, bf4):
    n = x.shape[0]
    loop = jnp.arange(n, dtype=edge_index.dtype)
    src = jnp.concatenate([edge_index[0], loop])
    dst = jnp.concatenate([edge_index[1], loop])
    h = jax.nn.relu(_gat_conv(x, src, dst, W_src1, W_dst1, att_src1, att_dst1, bg1))
    h = jax.nn.relu(_gat_conv(h, src, dst, W_src2, W_dst2, att_src2, att_dst2, bg2))
    h = jax.nn.relu(_bn(h @ Wf1 + bf1, g1, be1))
    h = jax.nn.relu(_bn(h @ Wf2 + bf2, g2, be2))
    h = jax.nn.relu(_bn(h @ Wf3 + bf3, g3, be3))
    h = h @ Wf4 + bf4
    return jax.nn.log_softmax(h, axis=-1)

if __name__ == "__main__":
    import jax
    _d = setup_inputs()
    print(jax.jit(kernel)(*tuple(_d.values())))

</pallas_src>

<mosaic_0001>
#map = affine_map<(d0, d1) -> (0, 0, 0)>
#map1 = affine_map<(d0, d1) -> (0, 0)>
module attributes {stable_mosaic.version = 14 : i64} {
  func.func @_edge_body(%arg0: i32, %arg1: i32, %arg2: memref<16x1290x16xi32, #tpu.memory_space<hbm>>, %arg3: memref<16x1290x16xi32, #tpu.memory_space<hbm>>, %arg4: memref<2x10240xf32, #tpu.memory_space<hbm>>, %arg5: memref<20480x64xf32, #tpu.memory_space<hbm>>, %arg6: memref<16x10240xf32, #tpu.memory_space<hbm>>, %arg7: memref<10240x2x64xf32, #tpu.memory_space<hbm>>, %arg8: memref<1290x16xi32, #tpu.memory_space<vmem>>, %arg9: memref<1290x16xi32, #tpu.memory_space<vmem>>, %arg10: memref<10240xf32, #tpu.memory_space<vmem>>, %arg11: memref<10240xf32, #tpu.memory_space<vmem>>, %arg12: memref<10240xf32, #tpu.memory_space<vmem>>, %arg13: memref<16x64xf32, #tpu.memory_space<vmem>>, %arg14: memref<16x64xf32, #tpu.memory_space<vmem>>, %arg15: memref<64x64xf32, #tpu.memory_space<vmem>>, %arg16: memref<16xi32, #tpu.memory_space<vmem>>, %arg17: memref<16xi32, #tpu.memory_space<vmem>>, %arg18: memref<10240x64xf32, #tpu.memory_space<vmem_shared>>) attributes {dimension_semantics = [#tpu.dimension_semantics<core_parallel>, #tpu.dimension_semantics<subcore_parallel>], iteration_bounds = array<i64: 2, 16>, scalar_prefetch = 0 : i64, scratch_operands = 11 : i64, tpu.core_type = #tpu.core_type<sc_vector_subcore>, window_params = [{transform_indices = #map}, {transform_indices = #map}, {transform_indices = #map1}, {transform_indices = #map1}, {transform_indices = #map1}, {transform_indices = #map}]} {
    "tpu.region"() ({
      %run_scoped3A_774 = tpu.sem_alloc : memref<!tpu.dma_semaphore, #tpu.memory_space<semaphore_mem>>
      %dma_start3A = arith.constant 0 : i32
      %dma_start3A_775 = arith.constant 0 : i32
      %dma_start3A_776 = tpu.memref_slice %arg2[%arg1, %dma_start3A, %dma_start3A_775] : memref<16x1290x16xi32, #tpu.memory_space<hbm>> -> memref<1x1290x16xi32, #tpu.memory_space<hbm>>
      %dma_start3A_777 = tpu.memref_squeeze %dma_start3A_776 : memref<1x1290x16xi32, #tpu.memory_space<hbm>> -> memref<1290x16xi32, #tpu.memory_space<hbm>>
      %dma_start3A_778 = arith.constant 0 : i32
      %dma_start3A_779 = arith.constant 0 : i32
      %dma_start3A_780 = tpu.memref_slice %arg2[%arg1, %dma_start3A_778, %dma_start3A_779] : memref<16x1290x16xi32, #tpu.memory_space<hbm>> -> memref<1x1290x16xi32, #tpu.memory_space<hbm>>
      %dma_start3A_781 = tpu.memref_squeeze %dma_start3A_780 : memref<1x1290x16xi32, #tpu.memory_space<hbm>> -> memref<1290x16xi32, #tpu.memory_space<hbm>>
      tpu.enqueue_dma source(%dma_start3A_781 : memref<1290x16xi32, #tpu.memory_space<hbm>>) target(%arg8 : memref<1290x16xi32, #tpu.memory_space<vmem>>) target_semaphore(%run_scoped3A_774 : memref<!tpu.dma_semaphore, #tpu.memory_space<semaphore_mem>>)
      %dma_wait3A = arith.constant 0 : i32
      %dma_wait3A_782 = arith.constant 0 : i32
      %dma_wait3A_783 = tpu.memref_slice %arg2[%arg1, %dma_wait3A, %dma_wait3A_782] : memref<16x1290x16xi32, #tpu.memory_space<hbm>> -> memref<1x1290x16xi32, #tpu.memory_space<hbm>>
      %dma_wait3A_784 = tpu.memref_squeeze %dma_wait3A_783 : memref<1x1290x16xi32, #tpu.memory_space<hbm>> -> memref<1290x16xi32, #tpu.memory_space<hbm>>
      %dma_wait3A_785 = arith.constant 0 : i32
      %dma_wait3A_786 = arith.constant 0 : i32
      %dma_wait3A_787 = tpu.memref_slice %arg2[%arg1, %dma_wait3A_785, %dma_wait3A_786] : memref<16x1290x16xi32, #tpu.memory_space<hbm>> -> memref<1x1290x16xi32, #tpu.memory_space<hbm>>
      %dma_wait3A_788 = tpu.memref_squeeze %dma_wait3A_787 : memref<1x1290x16xi32, #tpu.memory_space<hbm>> -> memref<1290x16xi32, #tpu.memory_space<hbm>>
      tpu.wait_dma2 semaphore(%run_scoped3A_774 : memref<!tpu.dma_semaphore, #tpu.memory_space<semaphore_mem>>) src(%dma_wait3A_788 : memref<1290x16xi32, #tpu.memory_space<hbm>>) dst(%arg8 : memref<1290x16xi32, #tpu.memory_space<vmem>>)
      tpu.yield
    }) : () -> ()
    "tpu.region"() ({
      %run_scoped3A_774 = tpu.sem_alloc : memref<!tpu.dma_semaphore, #tpu.memory_space<semaphore_mem>>
      %dma_start3A = arith.constant 0 : i32
      %dma_start3A_775 = arith.constant 0 : i32
      %dma_start3A_776 = tpu.memref_slice %arg3[%arg1, %dma_start3A, %dma_start3A_775] : memref<16x1290x16xi32, #tpu.memory_space<hbm>> -> memref<1x1290x16xi32, #tpu.memory_space<hbm>>
      %dma_start3A_777 = tpu.memref_squeeze %dma_start3A_776 : memref<1x1290x16xi32, #tpu.memory_space<hbm>> -> memref<1290x16xi32, #tpu.memory_space<hbm>>
      %dma_start3A_778 = arith.constant 0 : i32
      %dma_start3A_779 = arith.constant 0 : i32
      %dma_start3A_780 = tpu.memref_slice %arg3[%arg1, %dma_start3A_778, %dma_start3A_779] : memref<16x1290x16xi32, #tpu.memory_space<hbm>> -> memref<1x1290x16xi32, #tpu.memory_space<hbm>>
      %dma_start3A_781 = tpu.memref_squeeze %dma_start3A_780 : memref<1x1290x16xi32, #tpu.memory_space<hbm>> -> memref<1290x16xi32, #tpu.memory_space<hbm>>
      tpu.enqueue_dma source(%dma_start3A_781 : memref<1290x16xi32, #tpu.memory_space<hbm>>) target(%arg9 : memref<1290x16xi32, #tpu.memory_space<vmem>>) target_semaphore(%run_scoped3A_774 : memref<!tpu.dma_semaphore, #tpu.memory_space<semaphore_mem>>)
      %dma_wait3A = arith.constant 0 : i32
      %dma_wait3A_782 = arith.constant 0 : i32
      %dma_wait3A_783 = tpu.memref_slice %arg3[%arg1, %dma_wait3A, %dma_wait3A_782] : memref<16x1290x16xi32, #tpu.memory_space<hbm>> -> memref<1x1290x16xi32, #tpu.memory_space<hbm>>
      %dma_wait3A_784 = tpu.memref_squeeze %dma_wait3A_783 : memref<1x1290x16xi32, #tpu.memory_space<hbm>> -> memref<1290x16xi32, #tpu.memory_space<hbm>>
      %dma_wait3A_785 = arith.constant 0 : i32
      %dma_wait3A_786 = arith.constant 0 : i32
      %dma_wait3A_787 = tpu.memref_slice %arg3[%arg1, %dma_wait3A_785, %dma_wait3A_786] : memref<16x1290x16xi32, #tpu.memory_space<hbm>> -> memref<1x1290x16xi32, #tpu.memory_space<hbm>>
      %dma_wait3A_788 = tpu.memref_squeeze %dma_wait3A_787 : memref<1x1290x16xi32, #tpu.memory_space<hbm>> -> memref<1290x16xi32, #tpu.memory_space<hbm>>
      tpu.wait_dma2 semaphore(%run_scoped3A_774 : memref<!tpu.dma_semaphore, #tpu.memory_space<semaphore_mem>>) src(%dma_wait3A_788 : memref<1290x16xi32, #tpu.memory_space<hbm>>) dst(%arg9 : memref<1290x16xi32, #tpu.memory_space<vmem>>)
      tpu.yield
    }) : () -> ()
    %run_scoped3A = arith.constant 0 : i32
    "tpu.region"() ({
      %run_scoped3A_774 = tpu.sem_alloc : memref<!tpu.dma_semaphore, #tpu.memory_space<semaphore_mem>>
      %dma_start3A = arith.constant 0 : i32
      %dma_start3A_775 = tpu.memref_slice %arg4[%run_scoped3A, %dma_start3A] : memref<2x10240xf32, #tpu.memory_space<hbm>> -> memref<1x10240xf32, #tpu.memory_space<hbm>>
      %dma_start3A_776 = tpu.memref_squeeze %dma_start3A_775 : memref<1x10240xf32, #tpu.memory_space<hbm>> -> memref<10240xf32, #tpu.memory_space<hbm>>
      %dma_start3A_777 = arith.constant 0 : i32
      %dma_start3A_778 = tpu.memref_slice %arg4[%run_scoped3A, %dma_start3A_777] : memref<2x10240xf32, #tpu.memory_space<hbm>> -> memref<1x10240xf32, #tpu.memory_space<hbm>>
      %dma_start3A_779 = tpu.memref_squeeze %dma_start3A_778 : memref<1x10240xf32, #tpu.memory_space<hbm>> -> memref<10240xf32, #tpu.memory_space<hbm>>
      tpu.enqueue_dma source(%dma_start3A_779 : memref<10240xf32, #tpu.memory_space<hbm>>) target(%arg10 : memref<10240xf32, #tpu.memory_space<vmem>>) target_semaphore(%run_scoped3A_774 : memref<!tpu.dma_semaphore, #tpu.memory_space<semaphore_mem>>)
      %dma_wait3A = arith.constant 0 : i32
      %dma_wait3A_780 = tpu.memref_slice %arg4[%run_scoped3A, %dma_wait3A] : memref<2x10240xf32, #tpu.memory_space<hbm>> -> memref<1x10240xf32, #tpu.memory_space<hbm>>
      %dma_wait3A_781 = tpu.memref_squeeze %dma_wait3A_780 : memref<1x10240xf32, #tpu.memory_space<hbm>> -> memref<10240xf32, #tpu.memory_space<hbm>>
      %dma_wait3A_782 = arith.constant 0 : i32
      %dma_wait3A_783 = tpu.memref_slice %arg4[%run_scoped3A, %dma_wait3A_782] : memref<2x10240xf32, #tpu.memory_space<hbm>> -> memref<1x10240xf32, #tpu.memory_space<hbm>>
      %dma_wait3A_784 = tpu.memref_squeeze %dma_wait3A_783 : memref<1x10240xf32, #tpu.memory_space<hbm>> -> memref<10240xf32, #tpu.memory_space<hbm>>
      tpu.wait_dma2 semaphore(%run_scoped3A_774 : memref<!tpu.dma_semaphore, #tpu.memory_space<semaphore_mem>>) src(%dma_wait3A_784 : memref<10240xf32, #tpu.memory_space<hbm>>) dst(%arg10 : memref<10240xf32, #tpu.memory_space<vmem>>)
      tpu.yield
    }) : () -> ()
    %run_scoped3A_0 = arith.constant 1 : i32
    "tpu.region"() ({
      %run_scoped3A_774 = tpu.sem_alloc : memref<!tpu.dma_semaphore, #tpu.memory_space<semaphore_mem>>
      %dma_start3A = arith.constant 0 : i32
      %dma_start3A_775 = tpu.memref_slice %arg4[%run_scoped3A_0, %dma_start3A] : memref<2x10240xf32, #tpu.memory_space<hbm>> -> memref<1x10240xf32, #tpu.memory_space<hbm>>
      %dma_start3A_776 = tpu.memref_squeeze %dma_start3A_775 : memref<1x10240xf32, #tpu.memory_space<hbm>> -> memref<10240xf32, #tpu.memory_space<hbm>>
      %dma_start3A_777 = arith.constant 0 : i32
      %dma_start3A_778 = tpu.memref_slice %arg4[%run_scoped3A_0, %dma_start3A_777] : memref<2x10240xf32, #tpu.memory_space<hbm>> -> memref<1x10240xf32, #tpu.memory_space<hbm>>
      %dma_start3A_779 = tpu.memref_squeeze %dma_start3A_778 : memref<1x10240xf32, #tpu.memory_space<hbm>> -> memref<10240xf32, #tpu.memory_space<hbm>>
      tpu.enqueue_dma source(%dma_start3A_779 : memref<10240xf32, #tpu.memory_space<hbm>>) target(%arg11 : memref<10240xf32, #tpu.memory_space<vmem>>) target_semaphore(%run_scoped3A_774 : memref<!tpu.dma_semaphore, #tpu.memory_space<semaphore_mem>>)
      %dma_wait3A = arith.constant 0 : i32
      %dma_wait3A_780 = tpu.memref_slice %arg4[%run_scoped3A_0, %dma_wait3A] : memref<2x10240xf32, #tpu.memory_space<hbm>> -> memref<1x10240xf32, #tpu.memory_space<hbm>>
      %dma_wait3A_781 = tpu.memref_squeeze %dma_wait3A_780 : memref<1x10240xf32, #tpu.memory_space<hbm>> -> memref<10240xf32, #tpu.memory_space<hbm>>
      %dma_wait3A_782 = arith.constant 0 : i32
      %dma_wait3A_783 = tpu.memref_slice %arg4[%run_scoped3A_0, %dma_wait3A_782] : memref<2x10240xf32, #tpu.memory_space<hbm>> -> memref<1x10240xf32, #tpu.memory_space<hbm>>
      %dma_wait3A_784 = tpu.memref_squeeze %dma_wait3A_783 : memref<1x10240xf32, #tpu.memory_space<hbm>> -> memref<10240xf32, #tpu.memory_space<hbm>>
      tpu.wait_dma2 semaphore(%run_scoped3A_774 : memref<!tpu.dma_semaphore, #tpu.memory_space<semaphore_mem>>) src(%dma_wait3A_784 : memref<10240xf32, #tpu.memory_space<hbm>>) dst(%arg11 : memref<10240xf32, #tpu.memory_space<vmem>>)
      tpu.yield
    }) : () -> ()
    %scan3A = arith.constant 0 : i32
    %scan3A_1 = arith.constant 0 : i32
    %scan3A_2 = arith.constant 1290 : i32
    %scan3A_3 = arith.addi %scan3A_1, %scan3A_2 : i32
    %scan3A_4 = arith.constant 1 : i32
    %scan3A_5 = scf.for %scan3A_774 = %scan3A_1 to %scan3A_3 step %scan3A_4 iter_args(%scan3A_775 = %scan3A) -> (i32)  : i32 {
      %get3A_776 = arith.index_cast %scan3A_774 : i32 to index
      %get3A_777 = arith.constant 0 : index
      %get3A_778 = tpu.vector_load %arg8[%get3A_776, %get3A_777] {strides = array<i32>} : memref<1290x16xi32, #tpu.memory_space<vmem>>, vector<16xi32>,
      %mul3A_779 = arith.constant 2 : i32
      %mul3A_780 = vector.broadcast %mul3A_779 : i32 to vector<16xi32>
      %mul3A_781 = arith.muli %get3A_778, %mul3A_780 : vector<16xi32>
      %add3A_782 = vector.broadcast %arg0 : i32 to vector<16xi32>
      %add3A_783 = arith.addi %mul3A_781, %add3A_782 : vector<16xi32>
      %swap3A_784 = arith.index_cast %scan3A_774 : i32 to index
      %swap3A_785 = arith.constant 0 : index
      %swap3A_786 = tpu.vector_load %arg8[%swap3A_784, %swap3A_785] {strides = array<i32>} : memref<1290x16xi32, #tpu.memory_space<vmem>>, vector<16xi32>,
      tpu.vector_store %arg8[%swap3A_784, %swap3A_785], %add3A_783 {strides = array<i32>} : memref<1290x16xi32, #tpu.memory_space<vmem>>, vector<16xi32>,
      %scan3A_787 = arith.constant 0 : i32
      scf.yield %scan3A_787 : i32
    }
    %scan3A_6 = arith.constant 1290 : i32
    %broadcast_in_dim3A = arith.constant -3.000000e+38 : f32
    %broadcast_in_dim3A_7 = vector.broadcast %broadcast_in_dim3A : f32 to vector<16xf32>
    %broadcast_in_dim3A_8 = arith.constant 0.000000e+00 : f32
    %broadcast_in_dim3A_9 = vector.broadcast %broadcast_in_dim3A_8 : f32 to vector<16xf32>
    %scan3A_10 = arith.constant 0 : i32
    %scan3A_11 = arith.constant 640 : i32
    %scan3A_12 = arith.addi %scan3A_10, %scan3A_11 : i32
    %scan3A_13 = arith.constant 1 : i32
    %scan3A_14:2 = scf.for %scan3A_774 = %scan3A_10 to %scan3A_12 step %scan3A_13 iter_args(%scan3A_775 = %broadcast_in_dim3A_7, %scan3A_776 = %broadcast_in_dim3A_7) -> (vector<16xf32>, vector<16xf32>)  : i32 {
      %mul3A_777 = arith.constant 16 : i32
      %mul3A_778 = arith.muli %scan3A_774, %mul3A_777 : i32
      %swap3A_779 = arith.index_cast %mul3A_778 : i32 to index
      %swap3A_780 = tpu.vector_load %arg12[%swap3A_779] {strides = array<i32>} : memref<10240xf32, #tpu.memory_space<vmem>>, vector<16xf32>,
      tpu.vector_store %arg12[%swap3A_779], %broadcast_in_dim3A_9 {strides = array<i32>} : memref<10240xf32, #tpu.memory_space<vmem>>, vector<16xf32>,
      %get3A_781 = arith.index_cast %mul3A_778 : i32 to index
      %get3A_782 = tpu.vector_load %arg10[%get3A_781] {strides = array<i32>} : memref<10240xf32, #tpu.memory_space<vmem>>, vector<16xf32>,
      %max3A_783 = arith.maximumf %scan3A_775, %get3A_782 : vector<16xf32>
      %get3A_784 = arith.index_cast %mul3A_778 : i32 to index
      %get3A_785 = tpu.vector_load %arg11[%get3A_784] {strides = array<i32>} : memref<10240xf32, #tpu.memory_space<vmem>>, vector<16xf32>,
      %max3A_786 = arith.maximumf %scan3A_776, %get3A_785 : vector<16xf32>
      scf.yield %max3A_783, %max3A_786 : vector<16xf32>, vector<16xf32>
    }
    %scan3A_15 = arith.constant 640 : i32
    %iota3A = tpu.iota {dimensions = array<i32: 0>} : vector<16xi32>
    %xor3A = arith.constant 1 : i32
    %xor3A_16 = vector.broadcast %xor3A : i32 to vector<16xi32>
    %xor3A_17 = arith.xori %iota3A, %xor3A_16 : vector<16xi32>
    %broadcast_in_dim3A_18 = vector.shape_cast %xor3A_17 : vector<16xi32> to vector<16x1xi32>
    %gather3A = vector.shape_cast %broadcast_in_dim3A_18 : vector<16x1xi32> to vector<16xi32>
    %gather3A_19 = tpu.dynamic_gather %scan3A_14#0[%gather3A] in [0] : vector<16xf32>, vector<16xi32> -> vector<16xf32>
    %max3A = arith.maximumf %scan3A_14#0, %gather3A_19 : vector<16xf32>
    %xor3A_20 = arith.constant 2 : i32
    %xor3A_21 = vector.broadcast %xor3A_20 : i32 to vector<16xi32>
    %xor3A_22 = arith.xori %iota3A, %xor3A_21 : vector<16xi32>
    %broadcast_in_dim3A_23 = vector.shape_cast %xor3A_22 : vector<16xi32> to vector<16x1xi32>
    %gather3A_24 = vector.shape_cast %broadcast_in_dim3A_23 : vector<16x1xi32> to vector<16xi32>
    %gather3A_25 = tpu.dynamic_gather %max3A[%gather3A_24] in [0] : vector<16xf32>, vector<16xi32> -> vector<16xf32>
    %max3A_26 = arith.maximumf %max3A, %gather3A_25 : vector<16xf32>
    %xor3A_27 = arith.constant 4 : i32
    %xor3A_28 = vector.broadcast %xor3A_27 : i32 to vector<16xi32>
    %xor3A_29 = arith.xori %iota3A, %xor3A_28 : vector<16xi32>
    %broadcast_in_dim3A_30 = vector.shape_cast %xor3A_29 : vector<16xi32> to vector<16x1xi32>
    %gather3A_31 = vector.shape_cast %broadcast_in_dim3A_30 : vector<16x1xi32> to vector<16xi32>
    %gather3A_32 = tpu.dynamic_gather %max3A_26[%gather3A_31] in [0] : vector<16xf32>, vector<16xi32> -> vector<16xf32>
    %max3A_33 = arith.maximumf %max3A_26, %gather3A_32 : vector<16xf32>
    %xor3A_34 = arith.constant 8 : i32
    %xor3A_35 = vector.broadcast %xor3A_34 : i32 to vector<16xi32>
    %xor3A_36 = arith.xori %iota3A, %xor3A_35 : vector<16xi32>
    %broadcast_in_dim3A_37 = vector.shape_cast %xor3A_36 : vector<16xi32> to vector<16x1xi32>
    %gather3A_38 = vector.shape_cast %broadcast_in_dim3A_37 : vector<16x1xi32> to vector<16xi32>
    %gather3A_39 = tpu.dynamic_gather %max3A_33[%gather3A_38] in [0] : vector<16xf32>, vector<16xi32> -> vector<16xf32>
    %max3A_40 = arith.maximumf %max3A_33, %gather3A_39 : vector<16xf32>
    %xor3A_41 = arith.constant 1 : i32
    %xor3A_42 = vector.broadcast %xor3A_41 : i32 to vector<16xi32>
    %xor3A_43 = arith.xori %iota3A, %xor3A_42 : vector<16xi32>
    %broadcast_in_dim3A_44 = vector.shape_cast %xor3A_43 : vector<16xi32> to vector<16x1xi32>
    %gather3A_45 = vector.shape_cast %broadcast_in_dim3A_44 : vector<16x1xi32> to vector<16xi32>
    %gather3A_46 = tpu.dynamic_gather %scan3A_14#1[%gather3A_45] in [0] : vector<16xf32>, vector<16xi32> -> vector<16xf32>
    %max3A_47 = arith.maximumf %scan3A_14#1, %gather3A_46 : vector<16xf32>
    %xor3A_48 = arith.constant 2 : i32
    %xor3A_49 = vector.broadcast %xor3A_48 : i32 to vector<16xi32>
    %xor3A_50 = arith.xori %iota3A, %xor3A_49 : vector<16xi32>
    %broadcast_in_dim3A_51 = vector.shape_cast %xor3A_50 : vector<16xi32> to vector<16x1xi32>
    %gather3A_52 = vector.shape_cast %broadcast_in_dim3A_51 : vector<16x1xi32> to vector<16xi32>
    %gather3A_53 = tpu.dynamic_gather %max3A_47[%gather3A_52] in [0] : vector<16xf32>, vector<16xi32> -> vector<16xf32>
    %max3A_54 = arith.maximumf %max3A_47, %gather3A_53 : vector<16xf32>
    %xor3A_55 = arith.constant 4 : i32
    %xor3A_56 = vector.broadcast %xor3A_55 : i32 to vector<16xi32>
    %xor3A_57 = arith.xori %iota3A, %xor3A_56 : vector<16xi32>
    %broadcast_in_dim3A_58 = vector.shape_cast %xor3A_57 : vector<16xi32> to vector<16x1xi32>
    %gather3A_59 = vector.shape_cast %broadcast_in_dim3A_58 : vector<16x1xi32> to vector<16xi32>
    %gather3A_60 = tpu.dynamic_gather %max3A_54[%gather3A_59] in [0] : vector<16xf32>, vector<16xi32> -> vector<16xf32>
    %max3A_61 = arith.maximumf %max3A_54, %gather3A_60 : vector<16xf32>
    %xor3A_62 = arith.constant 8 : i32
    %xor3A_63 = vector.broadcast %xor3A_62 : i32 to vector<16xi32>
    %xor3A_64 = arith.xori %iota3A, %xor3A_63 : vector<16xi32>
    %broadcast_in_dim3A_65 = vector.shape_cast %xor3A_64 : vector<16xi32> to vector<16x1xi32>
    %gather3A_66 = vector.shape_cast %broadcast_in_dim3A_65 : vector<16x1xi32> to vector<16xi32>
    %gather3A_67 = tpu.dynamic_gather %max3A_61[%gather3A_66] in [0] : vector<16xf32>, vector<16xi32> -> vector<16xf32>
    %max3A_68 = arith.maximumf %max3A_61, %gather3A_67 : vector<16xf32>
    %add3A = arith.addf %max3A_40, %max3A_68 : vector<16xf32>
    %scan3A_69 = arith.constant 0 : i32
    %scan3A_70 = arith.constant 0 : i32
    %scan3A_71 = arith.constant 256 : i32
    %scan3A_72 = arith.addi %scan3A_70, %scan3A_71 : i32
    %scan3A_73 = arith.constant 1 : i32
    %scan3A_74 = scf.for %scan3A_774 = %scan3A_70 to %scan3A_72 step %scan3A_73 iter_args(%scan3A_775 = %scan3A_69) -> (i32)  : i32 {
      %jit3A = arith.constant 64 : i32
      %eq3A_776 = arith.constant 0 : i32
      %eq3A_777 = arith.cmpi eq, %jit3A, %eq3A_776 : i32
      %jit3A_778 = arith.constant 1 : i32
      %select_n3A_779 = arith.select %eq3A_777, %jit3A_778, %jit3A : i32
      %rem3A = arith.remsi %scan3A_774, %select_n3A_779 : i32
      %ne3A = arith.constant 0 : i32
      %ne3A_780 = arith.cmpi ne, %rem3A, %ne3A : i32
      %lt3A = arith.constant 0 : i32
      %lt3A_781 = arith.cmpi slt, %rem3A, %lt3A : i32
      %lt3A_782 = arith.constant 0 : i32
      %lt3A_783 = arith.cmpi slt, %select_n3A_779, %lt3A_782 : i32
      %ne3A_784 = arith.xori %lt3A_781, %lt3A_783 : i1
      %and3A = arith.andi %ne3A_784, %ne3A_780 : i1
      %add3A_785 = arith.addi %rem3A, %select_n3A_779 : i32
      %select_n3A_786 = arith.select %and3A, %add3A_785, %rem3A : i32
      %jit3A_787 = arith.constant 64 : i32
      %div3A = arith.divsi %scan3A_774, %jit3A_787 : i32
      %sign3A = arith.constant 0 : i32
      %sign3A_788 = arith.cmpi sgt, %scan3A_774, %sign3A : i32
      %sign3A_789 = arith.extui %sign3A_788 : i1 to i32
      %sign3A_790 = arith.constant 0 : i32
      %sign3A_791 = arith.cmpi slt, %scan3A_774, %sign3A_790 : i32
      %sign3A_792 = arith.extui %sign3A_791 : i1 to i32
      %sign3A_793 = arith.subi %sign3A_789, %sign3A_792 : i32
      %sign3A_794 = arith.constant 0 : i32
      %sign3A_795 = arith.cmpi sgt, %jit3A_787, %sign3A_794 : i32
      %sign3A_796 = arith.extui %sign3A_795 : i1 to i32
      %sign3A_797 = arith.constant 0 : i32
      %sign3A_798 = arith.cmpi slt, %jit3A_787, %sign3A_797 : i32
      %sign3A_799 = arith.extui %sign3A_798 : i1 to i32
      %sign3A_800 = arith.subi %sign3A_796, %sign3A_799 : i32
      %ne3A_801 = arith.cmpi ne, %sign3A_793, %sign3A_800 : i32
      %rem3A_802 = arith.remsi %scan3A_774, %jit3A_787 : i32
      %ne3A_803 = arith.constant 0 : i32
      %ne3A_804 = arith.cmpi ne, %rem3A_802, %ne3A_803 : i32
      %and3A_805 = arith.andi %ne3A_801, %ne3A_804 : i1
      %sub3A_806 = arith.constant 1 : i32
      %sub3A_807 = arith.subi %div3A, %sub3A_806 : i32
      %select_n3A_808 = arith.select %and3A_805, %sub3A_807, %div3A : i32
      %mul3A_809 = arith.constant 16 : i32
      %mul3A_810 = arith.muli %select_n3A_808, %mul3A_809 : i32
      %swap3A_811 = arith.index_cast %select_n3A_786 : i32 to index
      %swap3A_812 = arith.index_cast %mul3A_810 : i32 to index
      %swap3A_813 = tpu.vector_load %arg15[%swap3A_811, %swap3A_812] {strides = array<i32>} : memref<64x64xf32, #tpu.memory_space<vmem>>, vector<16xf32>,
      tpu.vector_store %arg15[%swap3A_811, %swap3A_812], %broadcast_in_dim3A_9 {strides = array<i32>} : memref<64x64xf32, #tpu.memory_space<vmem>>, vector<16xf32>,
      %scan3A_814 = arith.constant 0 : i32
      scf.yield %scan3A_814 : i32
    }
    %scan3A_75 = arith.constant 256 : i32
    %scan3A_76 = arith.constant 0 : i32
    %scan3A_77 = arith.constant 0 : i32
    %scan3A_78 = arith.constant 10 : i32
    %scan3A_79 = arith.addi %scan3A_77, %scan3A_78 : i32
    %scan3A_80 = arith.constant 1 : i32
    %scan3A_81 = scf.for %scan3A_774 = %scan3A_77 to %scan3A_79 step %scan3A_80 iter_args(%scan3A_775 = %scan3A_76) -> (i32)  : i32 {
      %mul3A_776 = arith.constant 640 : i32
      %mul3A_777 = arith.muli %arg1, %mul3A_776 : i32
      %mul3A_778 = arith.constant 64 : i32
      %mul3A_779 = arith.muli %scan3A_774, %mul3A_778 : i32
      %add3A_780 = arith.addi %mul3A_777, %mul3A_779 : i32
      "tpu.region"() ({
        %run_scoped3A_782 = tpu.sem_alloc : memref<!tpu.dma_semaphore, #tpu.memory_space<semaphore_mem>>
        %dma_start3A = arith.constant 0 : i32
        %dma_start3A_783 = tpu.memref_slice %arg18[%add3A_780, %dma_start3A] : memref<10240x64xf32, #tpu.memory_space<vmem_shared>> -> memref<64x64xf32, #tpu.memory_space<vmem_shared>>
        %dma_start3A_784 = arith.constant 0 : i32
        %dma_start3A_785 = tpu.memref_slice %arg18[%add3A_780, %dma_start3A_784] : memref<10240x64xf32, #tpu.memory_space<vmem_shared>> -> memref<64x64xf32, #tpu.memory_space<vmem_shared>>
        tpu.enqueue_dma source(%arg15 : memref<64x64xf32, #tpu.memory_space<vmem>>) target(%dma_start3A_785 : memref<64x64xf32, #tpu.memory_space<vmem_shared>>) target_semaphore(%run_scoped3A_782 : memref<!tpu.dma_semaphore, #tpu.memory_space<semaphore_mem>>)
        %dma_wait3A = arith.constant 0 : i32
        %dma_wait3A_786 = tpu.memref_slice %arg18[%add3A_780, %dma_wait3A] : memref<10240x64xf32, #tpu.memory_space<vmem_shared>> -> memref<64x64xf32, #tpu.memory_space<vmem_shared>>
        %dma_wait3A_787 = arith.constant 0 : i32
        %dma_wait3A_788 = tpu.memref_slice %arg18[%add3A_780, %dma_wait3A_787] : memref<10240x64xf32, #tpu.memory_space<vmem_shared>> -> memref<64x64xf32, #tpu.memory_space<vmem_shared>>
        tpu.wait_dma2 semaphore(%run_scoped3A_782 : memref<!tpu.dma_semaphore, #tpu.memory_space<semaphore_mem>>) src(%arg15 : memref<64x64xf32, #tpu.memory_space<vmem>>) dst(%dma_wait3A_788 : memref<64x64xf32, #tpu.memory_space<vmem_shared>>)
        tpu.yield
      }) : () -> ()
      %scan3A_781 = arith.constant 0 : i32
      scf.yield %scan3A_781 : i32
    }
    %scan3A_82 = arith.constant 10 : i32
    %barrier3A = arith.constant 0 : index
    tpu.barrier barrier_id(%barrier3A)
    %get3A = arith.constant 0 : i32
    %get3A_83 = arith.index_cast %get3A : i32 to index
    %get3A_84 = arith.constant 0 : index
    %get3A_85 = tpu.vector_load %arg8[%get3A_83, %get3A_84] {strides = array<i32>} : memref<1290x16xi32, #tpu.memory_space<vmem>>, vector<16xi32>,
    %shift_right_logical3A = arith.constant 1 : i32
    %shift_right_logical3A_86 = vector.broadcast %shift_right_logical3A : i32 to vector<16xi32>
    %shift_right_logical3A_87 = arith.shrui %get3A_85, %shift_right_logical3A_86 : vector<16xi32>
    %get3A_88 = arith.constant 0 : i32
    %get3A_89 = arith.index_cast %get3A_88 : i32 to index
    %get3A_90 = arith.constant 0 : index
    %get3A_91 = tpu.vector_load %arg9[%get3A_89, %get3A_90] {strides = array<i32>} : memref<1290x16xi32, #tpu.memory_space<vmem>>, vector<16xi32>,
    %gather3A_92 = tpu.vector_load_idx %arg10[%shift_right_logical3A_87] : memref<10240xf32, #tpu.memory_space<vmem>>[vector<16xi32>], vector<16xf32>,
    %gather3A_93 = tpu.vector_load_idx %arg11[%get3A_91] : memref<10240xf32, #tpu.memory_space<vmem>>[vector<16xi32>], vector<16xf32>,
    %add3A_94 = arith.addf %gather3A_92, %gather3A_93 : vector<16xf32>
    %ge3A = arith.constant 0.000000e+00 : f32
    %ge3A_95 = vector.broadcast %ge3A : f32 to vector<16xf32>
    %ge3A_96 = arith.cmpf oge, %add3A_94, %ge3A_95 : vector<16xf32>
    %mul3A = arith.constant 2.000000e-01 : f32
    %mul3A_97 = vector.broadcast %mul3A : f32 to vector<16xf32>
    %mul3A_98 = arith.mulf %add3A_94, %mul3A_97 : vector<16xf32>
    %select_n3A = arith.select %ge3A_96, %add3A_94, %mul3A_98 : vector<16xi1>, vector<16xf32>
    %sub3A = arith.subf %select_n3A, %add3A : vector<16xf32>
    %exp3A = math.exp %sub3A : vector<16xf32>
    tpu.vector_store_idx %arg12[%get3A_91], %exp3A {add = true} : memref<10240xf32, #tpu.memory_space<vmem>>[vector<16xi32>], vector<16xf32>,
    %swap3A = arith.constant 0 : index
    %swap3A_99 = tpu.vector_load %arg16[%swap3A] {strides = array<i32>} : memref<16xi32, #tpu.memory_space<vmem>>, vector<16xi32>,
    tpu.vector_store %arg16[%swap3A], %get3A_91 {strides = array<i32>} : memref<16xi32, #tpu.memory_space<vmem>>, vector<16xi32>,
    %run_scoped3A_100 = arith.constant 0 : i32
    "tpu.region"() ({
      %run_scoped3A_774 = tpu.sem_alloc : memref<!tpu.dma_semaphore, #tpu.memory_space<semaphore_mem>>
      %dma_start3A = arith.constant 0 : i32
      %dma_start3A_775 = tpu.memref_slice %arg8[%run_scoped3A_100, %dma_start3A] : memref<1290x16xi32, #tpu.memory_space<vmem>> -> memref<1x16xi32, #tpu.memory_space<vmem>>
      %dma_start3A_776 = tpu.memref_squeeze %dma_start3A_775 : memref<1x16xi32, #tpu.memory_space<vmem>> -> memref<16xi32, #tpu.memory_space<vmem>>
      %dma_start3A_777 = arith.constant 0 : i32
      %dma_start3A_778 = arith.constant 0 : i32
      %dma_start3A_779 = tpu.memref_slice %arg5[%dma_start3A_777, %dma_start3A_778] : memref<20480x64xf32, #tpu.memory_space<hbm>> -> memref<20480x64xf32, #tpu.memory_space<hbm>>
      tpu.enqueue_indirect_dma source(%dma_start3A_779 : memref<20480x64xf32, #tpu.memory_space<hbm>>) target(%arg13 : memref<16x64xf32, #tpu.memory_space<vmem>>) offsets(%dma_start3A_776 : memref<16xi32, #tpu.memory_space<vmem>>) semaphore(%run_scoped3A_774 : memref<!tpu.dma_semaphore, #tpu.memory_space<semaphore_mem>>)
      %dma_wait3A = arith.constant 0 : i32
      %dma_wait3A_780 = tpu.memref_slice %arg8[%run_scoped3A_100, %dma_wait3A] : memref<1290x16xi32, #tpu.memory_space<vmem>> -> memref<1x16xi32, #tpu.memory_space<vmem>>
      %dma_wait3A_781 = tpu.memref_squeeze %dma_wait3A_780 : memref<1x16xi32, #tpu.memory_space<vmem>> -> memref<16xi32, #tpu.memory_space<vmem>>
      %dma_wait3A_782 = arith.constant 0 : i32
      %dma_wait3A_783 = arith.constant 0 : i32
      %dma_wait3A_784 = tpu.memref_slice %arg5[%dma_wait3A_782, %dma_wait3A_783] : memref<20480x64xf32, #tpu.memory_space<hbm>> -> memref<20480x64xf32, #tpu.memory_space<hbm>>
      tpu.wait_indirect_dma semaphore(%run_scoped3A_774 : memref<!tpu.dma_semaphore, #tpu.memory_space<semaphore_mem>>) src(%dma_wait3A_784 : memref<20480x64xf32, #tpu.memory_space<hbm>>) dst(%arg13 : memref<16x64xf32, #tpu.memory_space<vmem>>)
      tpu.yield
    }) : () -> ()
    %broadcast_in_dim3A_101 = arith.constant 0 : i32
    %broadcast_in_dim3A_102 = vector.broadcast %broadcast_in_dim3A_101 : i32 to vector<16xi32>
    %broadcast_in_dim3A_103 = vector.shape_cast %broadcast_in_dim3A_102 : vector<16xi32> to vector<16x1xi32>
    %gather3A_104 = vector.shape_cast %broadcast_in_dim3A_103 : vector<16x1xi32> to vector<16xi32>
    %gather3A_105 = tpu.dynamic_gather %exp3A[%gather3A_104] in [0] : vector<16xf32>, vector<16xi32> -> vector<16xf32>
    %get3A_106 = arith.constant 0 : i32
    %get3A_107 = arith.index_cast %get3A_106 : i32 to index
    %get3A_108 = arith.constant 0 : index
    %get3A_109 = tpu.vector_load %arg13[%get3A_107, %get3A_108] {strides = array<i32>} : memref<16x64xf32, #tpu.memory_space<vmem>>, vector<16xf32>,
    %mul3A_110 = arith.mulf %get3A_109, %gather3A_105 : vector<16xf32>
    %swap3A_111 = arith.constant 0 : i32
    %swap3A_112 = arith.index_cast %swap3A_111 : i32 to index
    %swap3A_113 = arith.constant 0 : index
    %swap3A_114 = tpu.vector_load %arg13[%swap3A_112, %swap3A_113] {strides = array<i32>} : memref<16x64xf32, #tpu.memory_space<vmem>>, vector<16xf32>,
    tpu.vector_store %arg13[%swap3A_112, %swap3A_113], %mul3A_110 {strides = array<i32>} : memref<16x64xf32, #tpu.memory_space<vmem>>, vector<16xf32>,
    %get3A_115 = arith.constant 0 : i32
    %get3A_116 = arith.index_cast %get3A_115 : i32 to index
    %get3A_117 = arith.constant 16 : index
    %get3A_118 = tpu.vector_load %arg13[%get3A_116, %get3A_117] {strides = array<i32>} : memref<16x64xf32, #tpu.memory_space<vmem>>, vector<16xf32>,
    %mul3A_119 = arith.mulf %get3A_118, %gather3A_105 : vector<16xf32>
    %swap3A_120 = arith.constant 0 : i32
    %swap3A_121 = arith.index_cast %swap3A_120 : i32 to index
    %swap3A_122 = arith.constant 16 : index
    %swap3A_123 = tpu.vector_load %arg13[%swap3A_121, %swap3A_122] {strides = array<i32>} : memref<16x64xf32, #tpu.memory_space<vmem>>, vector<16xf32>,
    tpu.vector_store %arg13[%swap3A_121, %swap3A_122], %mul3A_119 {strides = array<i32>} : memref<16x64xf32, #tpu.memory_space<vmem>>, vector<16xf32>,
    %get3A_124 = arith.constant 0 : i32
    %get3A_125 = arith.index_cast %get3A_124 : i32 to index
    %get3A_126 = arith.constant 32 : index
    %get3A_127 = tpu.vector_load %arg13[%get3A_125, %get3A_126] {strides = array<i32>} : memref<16x64xf32, #tpu.memory_space<vmem>>, vector<16xf32>,
    %mul3A_128 = arith.mulf %get3A_127, %gather3A_105 : vector<16xf32>
    %swap3A_129 = arith.constant 0 : i32
    %swap3A_130 = arith.index_cast %swap3A_129 : i32 to index
    %swap3A_131 = arith.constant 32 : index
    %swap3A_132 = tpu.vector_load %arg13[%swap3A_130, %swap3A_131] {strides = array<i32>} : memref<16x64xf32, #tpu.memory_space<vmem>>, vector<16xf32>,
    tpu.vector_store %arg13[%swap3A_130, %swap3A_131], %mul3A_128 {strides = array<i32>} : memref<16x64xf32, #tpu.memory_space<vmem>>, vector<16xf32>,
    %get3A_133 = arith.constant 0 : i32
    %get3A_134 = arith.index_cast %get3A_133 : i32 to index
    %get3A_135 = arith.constant 48 : index
    %get3A_136 = tpu.vector_load %arg13[%get3A_134, %get3A_135] {strides = array<i32>} : memref<16x64xf32, #tpu.memory_space<vmem>>, vector<16xf32>,
    %mul3A_137 = arith.mulf %get3A_136, %gather3A_105 : vector<16xf32>
    %swap3A_138 = arith.constant 0 : i32
    %swap3A_139 = arith.index_cast %swap3A_138 : i32 to index
    %swap3A_140 = arith.constant 48 : index
    %swap3A_141 = tpu.vector_load %arg13[%swap3A_139, %swap3A_140] {strides = array<i32>} : memref<16x64xf32, #tpu.memory_space<vmem>>, vector<16xf32>,
    tpu.vector_store %arg13[%swap3A_139, %swap3A_140], %mul3A_137 {strides = array<i32>} : memref<16x64xf32, #tpu.memory_space<vmem>>, vector<16xf32>,
    %broadcast_in_dim3A_142 = arith.constant 1 : i32
    %broadcast_in_dim3A_143 = vector.broadcast %broadcast_in_dim3A_142 : i32 to vector<16xi32>
    %broadcast_in_dim3A_144 = vector.shape_cast %broadcast_in_dim3A_143 : vector<16xi32> to vector<16x1xi32>
    %gather3A_145 = vector.shape_cast %broadcast_in_dim3A_144 : vector<16x1xi32> to vector<16xi32>
    %gather3A_146 = tpu.dynamic_gather %exp3A[%gather3A_145] in [0] : vector<16xf32>, vector<16xi32> -> vector<16xf32>
    %get3A_147 = arith.constant 1 : i32
    %get3A_148 = arith.index_cast %get3A_147 : i32 to index
    %get3A_149 = arith.constant 0 : index
    %get3A_150 = tpu.vector_load %arg13[%get3A_148, %get3A_149] {strides = array<i32>} : memref<16x64xf32, #tpu.memory_space<vmem>>, vector<16xf32>,
    %mul3A_151 = arith.mulf %get3A_150, %gather3A_146 : vector<16xf32>
    %swap3A_152 = arith.constant 1 : i32
    %swap3A_153 = arith.index_cast %swap3A_152 : i32 to index
    %swap3A_154 = arith.constant 0 : index
    %swap3A_155 = tpu.vector_load %arg13[%swap3A_153, %swap3A_154] {strides = array<i32>} : memref<16x64xf32, #tpu.memory_space<vmem>>, vector<16xf32>,
    tpu.vector_store %arg13[%swap3A_153, %swap3A_154], %mul3A_151 {strides = array<i32>} : memref<16x64xf32, #tpu.memory_space<vmem>>, vector<16xf32>,
    %get3A_156 = arith.constant 1 : i32
    %get3A_157 = arith.index_cast %get3A_156 : i32 to index
    %get3A_158 = arith.constant 16 : index
    %get3A_159 = tpu.vector_load %arg13[%get3A_157, %get3A_158] {strides = array<i32>} : memref<16x64xf32, #tpu.memory_space<vmem>>, vector<16xf32>,
    %mul3A_160 = arith.mulf %get3A_159, %gather3A_146 : vector<16xf32>
    %swap3A_161 = arith.constant 1 : i32
    %swap3A_162 = arith.index_cast %swap3A_161 : i32 to index
    %swap3A_163 = arith.constant 16 : index
    %swap3A_164 = tpu.vector_load %arg13[%swap3A_162, %swap3A_163] {strides = array<i32>} : memref<16x64xf32, #tpu.memory_space<vmem>>, vector<16xf32>,
    tpu.vector_store %arg13[%swap3A_162, %swap3A_163], %mul3A_160 {strides = array<i32>} : memref<16x64xf32, #tpu.memory_space<vmem>>, vector<16xf32>,
    %get3A_165 = arith.constant 1 : i32
    %get3A_166 = arith.index_cast %get3A_165 : i32 to index
    %get3A_167 = arith.constant 32 : index
    %get3A_168 = tpu.vector_load %arg13[%get3A_166, %get3A_167] {strides = array<i32>} : memref<16x64xf32, #tpu.memory_space<vmem>>, vector<16xf32>,
    %mul3A_169 = arith.mulf %get3A_168, %gather3A_146 : vector<16xf32>
    %swap3A_170 = arith.constant 1 : i32
    %swap3A_171 = arith.index_cast %swap3A_170 : i32 to index
    %swap3A_172 = arith.constant 32 : index
    %swap3A_173 = tpu.vector_load %arg13[%swap3A_171, %swap3A_172] {strides = array<i32>} : memref<16x64xf32, #tpu.memory_space<vmem>>, vector<16xf32>,
    tpu.vector_store %arg13[%swap3A_171, %swap3A_172], %mul3A_169 {strides = array<i32>} : memref<16x64xf32, #tpu.memory_space<vmem>>, vector<16xf32>,
    %get3A_174 = arith.constant 1 : i32
    %get3A_175 = arith.index_cast %get3A_174 : i32 to index
    %get3A_176 = arith.constant 48 : index
    %get3A_177 = tpu.vector_load %arg13[%get3A_175, %get3A_176] {strides = array<i32>} : memref<16x64xf32, #tpu.memory_space<vmem>>, vector<16xf32>,
    %mul3A_178 = arith.mulf %get3A_177, %gather3A_146 : vector<16xf32>
    %swap3A_179 = arith.constant 1 : i32
    %swap3A_180 = arith.index_cast %swap3A_179 : i32 to index
    %swap3A_181 = arith.constant 48 : index
    %swap3A_182 = tpu.vector_load %arg13[%swap3A_180, %swap3A_181] {strides = array<i32>} : memref<16x64xf32, #tpu.memory_space<vmem>>, vector<16xf32>,
    tpu.vector_store %arg13[%swap3A_180, %swap3A_181], %mul3A_178 {strides = array<i32>} : memref<16x64xf32, #tpu.memory_space<vmem>>, vector<16xf32>,
    %broadcast_in_dim3A_183 = arith.constant 2 : i32
    %broadcast_in_dim3A_184 = vector.broadcast %broadcast_in_dim3A_183 : i32 to vector<16xi32>
    %broadcast_in_dim3A_185 = vector.shape_cast %broadcast_in_dim3A_184 : vector<16xi32> to vector<16x1xi32>
    %gather3A_186 = vector.shape_cast %broadcast_in_dim3A_185 : vector<16x1xi32> to vector<16xi32>
    %gather3A_187 = tpu.dynamic_gather %exp3A[%gather3A_186] in [0] : vector<16xf32>, vector<16xi32> -> vector<16xf32>
    %get3A_188 = arith.constant 2 : i32
    %get3A_189 = arith.index_cast %get3A_188 : i32 to index
    %get3A_190 = arith.constant 0 : index
    %get3A_191 = tpu.vector_load %arg13[%get3A_189, %get3A_190] {strides = array<i32>} : memref<16x64xf32, #tpu.memory_space<vmem>>, vector<16xf32>,
    %mul3A_192 = arith.mulf %get3A_191, %gather3A_187 : vector<16xf32>
    %swap3A_193 = arith.constant 2 : i32
    %swap3A_194 = arith.index_cast %swap3A_193 : i32 to index
    %swap3A_195 = arith.constant 0 : index
    %swap3A_196 = tpu.vector_load %arg13[%swap3A_194, %swap3A_195] {strides = array<i32>} : memref<16x64xf32, #tpu.memory_space<vmem>>, vector<16xf32>,
    tpu.vector_store %arg13[%swap3A_194, %swap3A_195], %mul3A_192 {strides = array<i32>} : memref<16x64xf32, #tpu.memory_space<vmem>>, vector<16xf32>,
    %get3A_197 = arith.constant 2 : i32
    %get3A_198 = arith.index_cast %get3A_197 : i32 to index
    %get3A_199 = arith.constant 16 : index
    %get3A_200 = tpu.vector_load %arg13[%get3A_198, %get3A_199] {strides = array<i32>} : memref<16x64xf32, #tpu.memory_space<vmem>>, vector<16xf32>,
    %mul3A_201 = arith.mulf %get3A_200, %gather3A_187 : vector<16xf32>
    %swap3A_202 = arith.constant 2 : i32
    %swap3A_203 = arith.index_cast %swap3A_202 : i32 to index
    %swap3A_204 = arith.constant 16 : index
    %swap3A_205 = tpu.vector_load %arg13[%swap3A_203, %swap3A_204] {strides = array<i32>} : memref<16x64xf32, #tpu.memory_space<vmem>>, vector<16xf32>,
    tpu.vector_store %arg13[%swap3A_203, %swap3A_204], %mul3A_201 {strides = array<i32>} : memref<16x64xf32, #tpu.memory_space<vmem>>, vector<16xf32>,
    %get3A_206 = arith.constant 2 : i32
    %get3A_207 = arith.index_cast %get3A_206 : i32 to index
    %get3A_208 = arith.constant 32 : index
    %get3A_209 = tpu.vector_load %arg13[%get3A_207, %get3A_208] {strides = array<i32>} : memref<16x64xf32, #tpu.memory_space<vmem>>, vector<16xf32>,
    %mul3A_210 = arith.mulf %get3A_209, %gather3A_187 : vector<16xf32>
    %swap3A_211 = arith.constant 2 : i32
    %swap3A_212 = arith.index_cast %swap3A_211 : i32 to index
    %swap3A_213 = arith.constant 32 : index
    %swap3A_214 = tpu.vector_load %arg13[%swap3A_212, %swap3A_213] {strides = array<i32>} : memref<16x64xf32, #tpu.memory_space<vmem>>, vector<16xf32>,
    tpu.vector_store %arg13[%swap3A_212, %swap3A_213], %mul3A_210 {strides = array<i32>} : memref<16x64xf32, #tpu.memory_space<vmem>>, vector<16xf32>,
    %get3A_215 = arith.constant 2 : i32
    %get3A_216 = arith.index_cast %get3A_215 : i32 to index
    %get3A_217 = arith.constant 48 : index
    %get3A_218 = tpu.vector_load %arg13[%get3A_216, %get3A_217] {strides = array<i32>} : memref<16x64xf32, #tpu.memory_space<vmem>>, vector<16xf32>,
    %mul3A_219 = arith.mulf %get3A_218, %gather3A_187 : vector<16xf32>
    %swap3A_220 = arith.constant 2 : i32
    %swap3A_221 = arith.index_cast %swap3A_220 : i32 to index
    %swap3A_222 = arith.constant 48 : index
    %swap3A_223 = tpu.vector_load %arg13[%swap3A_221, %swap3A_222] {strides = array<i32>} : memref<16x64xf32, #tpu.memory_space<vmem>>, vector<16xf32>,
    tpu.vector_store %arg13[%swap3A_221, %swap3A_222], %mul3A_219 {strides = array<i32>} : memref<16x64xf32, #tpu.memory_space<vmem>>, vector<16xf32>,
    %broadcast_in_dim3A_224 = arith.constant 3 : i32
    %broadcast_in_dim3A_225 = vector.broadcast %broadcast_in_dim3A_224 : i32 to vector<16xi32>
    %broadcast_in_dim3A_226 = vector.shape_cast %broadcast_in_dim3A_225 : vector<16xi32> to vector<16x1xi32>
    %gather3A_227 = vector.shape_cast %broadcast_in_dim3A_226 : vector<16x1xi32> to vector<16xi32>
    %gather3A_228 = tpu.dynamic_gather %exp3A[%gather3A_227] in [0] : vector<16xf32>, vector<16xi32> -> vector<16xf32>
    %get3A_229 = arith.constant 3 : i32
    %get3A_230 = arith.index_cast %get3A_229 : i32 to index
    %get3A_231 = arith.constant 0 : index
    %get3A_232 = tpu.vector_load %arg13[%get3A_230, %get3A_231] {strides = array<i32>} : memref<16x64xf32, #tpu.memory_space<vmem>>, vector<16xf32>,
    %mul3A_233 = arith.mulf %get3A_232, %gather3A_228 : vector<16xf32>
    %swap3A_234 = arith.constant 3 : i32
    %swap3A_235 = arith.index_cast %swap3A_234 : i32 to index
    %swap3A_236 = arith.constant 0 : index
    %swap3A_237 = tpu.vector_load %arg13[%swap3A_235, %swap3A_236] {strides = array<i32>} : memref<16x64xf32, #tpu.memory_space<vmem>>, vector<16xf32>,
    tpu.vector_store %arg13[%swap3A_235, %swap3A_236], %mul3A_233 {strides = array<i32>} : memref<16x64xf32, #tpu.memory_space<vmem>>, vector<16xf32>,
    %get3A_238 = arith.constant 3 : i32
    %get3A_239 = arith.index_cast %get3A_238 : i32 to index
    %get3A_240 = arith.constant 16 : index
    %get3A_241 = tpu.vector_load %arg13[%get3A_239, %get3A_240] {strides = array<i32>} : memref<16x64xf32, #tpu.memory_space<vmem>>, vector<16xf32>,
    %mul3A_242 = arith.mulf %get3A_241, %gather3A_228 : vector<16xf32>
    %swap3A_243 = arith.constant 3 : i32
    %swap3A_244 = arith.index_cast %swap3A_243 : i32 to index
    %swap3A_245 = arith.constant 16 : index
    %swap3A_246 = tpu.vector_load %arg13[%swap3A_244, %swap3A_245] {strides = array<i32>} : memref<16x64xf32, #tpu.memory_space<vmem>>, vector<16xf32>,
    tpu.vector_store %arg13[%swap3A_244, %swap3A_245], %mul3A_242 {strides = array<i32>} : memref<16x64xf32, #tpu.memory_space<vmem>>, vector<16xf32>,
    %get3A_247 = arith.constant 3 : i32
    %get3A_248 = arith.index_cast %get3A_247 : i32 to index
    %get3A_249 = arith.constant 32 : index
    %get3A_250 = tpu.vector_load %arg13[%get3A_248, %get3A_249] {strides = array<i32>} : memref<16x64xf32, #tpu.memory_space<vmem>>, vector<16xf32>,
    %mul3A_251 = arith.mulf %get3A_250, %gather3A_228 : vector<16xf32>
    %swap3A_252 = arith.constant 3 : i32
    %swap3A_253 = arith.index_cast %swap3A_252 : i32 to index
    %swap3A_254 = arith.constant 32 : index
    %swap3A_255 = tpu.vector_load %arg13[%swap3A_253, %swap3A_254] {strides = array<i32>} : memref<16x64xf32, #tpu.memory_space<vmem>>, vector<16xf32>,
    tpu.vector_store %arg13[%swap3A_253, %swap3A_254], %mul3A_251 {strides = array<i32>} : memref<16x64xf32, #tpu.memory_space<vmem>>, vector<16xf32>,
    %get3A_256 = arith.constant 3 : i32
    %get3A_257 = arith.index_cast %get3A_256 : i32 to index
    %get3A_258 = arith.constant 48 : index
    %get3A_259 = tpu.vector_load %arg13[%get3A_257, %get3A_258] {strides = array<i32>} : memref<16x64xf32, #tpu.memory_space<vmem>>, vector<16xf32>,
    %mul3A_260 = arith.mulf %get3A_259, %gather3A_228 : vector<16xf32>
    %swap3A_261 = arith.constant 3 : i32
    %swap3A_262 = arith.index_cast %swap3A_261 : i32 to index
    %swap3A_263 = arith.constant 48 : index
    %swap3A_264 = tpu.vector_load %arg13[%swap3A_262, %swap3A_263] {strides = array<i32>} : memref<16x64xf32, #tpu.memory_space<vmem>>, vector<16xf32>,
    tpu.vector_store %arg13[%swap3A_262, %swap3A_263], %mul3A_260 {strides = array<i32>} : memref<16x64xf32, #tpu.memory_space<vmem>>, vector<16xf32>,
    %broadcast_in_dim3A_265 = arith.constant 4 : i32
    %broadcast_in_dim3A_266 = vector.broadcast %broadcast_in_dim3A_265 : i32 to vector<16xi32>
    %broadcast_in_dim3A_267 = vector.shape_cast %broadcast_in_dim3A_266 : vector<16xi32> to vector<16x1xi32>
    %gather3A_268 = vector.shape_cast %broadcast_in_dim3A_267 : vector<16x1xi32> to vector<16xi32>
    %gather3A_269 = tpu.dynamic_gather %exp3A[%gather3A_268] in [0] : vector<16xf32>, vector<16xi32> -> vector<16xf32>
    %get3A_270 = arith.constant 4 : i32
    %get3A_271 = arith.index_cast %get3A_270 : i32 to index
    %get3A_272 = arith.constant 0 : index
    %get3A_273 = tpu.vector_load %arg13[%get3A_271, %get3A_272] {strides = array<i32>} : memref<16x64xf32, #tpu.memory_space<vmem>>, vector<16xf32>,
    %mul3A_274 = arith.mulf %get3A_273, %gather3A_269 : vector<16xf32>
    %swap3A_275 = arith.constant 4 : i32
    %swap3A_276 = arith.index_cast %swap3A_275 : i32 to index
    %swap3A_277 = arith.constant 0 : index
    %swap3A_278 = tpu.vector_load %arg13[%swap3A_276, %swap3A_277] {strides = array<i32>} : memref<16x64xf32, #tpu.memory_space<vmem>>, vector<16xf32>,
    tpu.vector_store %arg13[%swap3A_276, %swap3A_277], %mul3A_274 {strides = array<i32>} : memref<16x64xf32, #tpu.memory_space<vmem>>, vector<16xf32>,
    %get3A_279 = arith.constant 4 : i32
    %get3A_280 = arith.index_cast %get3A_279 : i32 to index
    %get3A_281 = arith.constant 16 : index
    %get3A_282 = tpu.vector_load %arg13[%get3A_280, %get3A_281] {strides = array<i32>} : memref<16x64xf32, #tpu.memory_space<vmem>>, vector<16xf32>,
    %mul3A_283 = arith.mulf %get3A_282, %gather3A_269 : vector<16xf32>
    %swap3A_284 = arith.constant 4 : i32
    %swap3A_285 = arith.index_cast %swap3A_284 : i32 to index
    %swap3A_286 = arith.constant 16 : index
    %swap3A_287 = tpu.vector_load %arg13[%swap3A_285, %swap3A_286] {strides = array<i32>} : memref<16x64xf32, #tpu.memory_space<vmem>>, vector<16xf32>,
    tpu.vector_store %arg13[%swap3A_285, %swap3A_286], %mul3A_283 {strides = array<i32>} : memref<16x64xf32, #tpu.memory_space<vmem>>, vector<16xf32>,
    %get3A_288 = arith.constant 4 : i32
    %get3A_289 = arith.index_cast %get3A_288 : i32 to index
    %get3A_290 = arith.constant 32 : index
    %get3A_291 = tpu.vector_load %arg13[%get3A_289, %get3A_290] {strides = array<i32>} : memref<16x64xf32, #tpu.memory_space<vmem>>, vector<16xf32>,
    %mul3A_292 = arith.mulf %get3A_291, %gather3A_269 : vector<16xf32>
    %swap3A_293 = arith.constant 4 : i32
    %swap3A_294 = arith.index_cast %swap3A_293 : i32 to index
    %swap3A_295 = arith.constant 32 : index
    %swap3A_296 = tpu.vector_load %arg13[%swap3A_294, %swap3A_295] {strides = array<i32>} : memref<16x64xf32, #tpu.memory_space<vmem>>, vector<16xf32>,
    tpu.vector_store %arg13[%swap3A_294, %swap3A_295], %mul3A_292 {strides = array<i32>} : memref<16x64xf32, #tpu.memory_space<vmem>>, vector<16xf32>,
    %get3A_297 = arith.constant 4 : i32
    %get3A_298 = arith.index_cast %get3A_297 : i32 to index
    %get3A_299 = arith.constant 48 : index
    %get3A_300 = tpu.vector_load %arg13[%get3A_298, %get3A_299] {strides = array<i32>} : memref<16x64xf32, #tpu.memory_space<vmem>>, vector<16xf32>,
    %mul3A_301 = arith.mulf %get3A_300, %gather3A_269 : vector<16xf32>
    %swap3A_302 = arith.constant 4 : i32
    %swap3A_303 = arith.index_cast %swap3A_302 : i32 to index
    %swap3A_304 = arith.constant 48 : index
    %swap3A_305 = tpu.vector_load %arg13[%swap3A_303, %swap3A_304] {strides = array<i32>} : memref<16x64xf32, #tpu.memory_space<vmem>>, vector<16xf32>,
    tpu.vector_store %arg13[%swap3A_303, %swap3A_304], %mul3A_301 {strides = array<i32>} : memref<16x64xf32, #tpu.memory_space<vmem>>, vector<16xf32>,
    %broadcast_in_dim3A_306 = arith.constant 5 : i32
    %broadcast_in_dim3A_307 = vector.broadcast %broadcast_in_dim3A_306 : i32 to vector<16xi32>
    %broadcast_in_dim3A_308 = vector.shape_cast %broadcast_in_dim3A_307 : vector<16xi32> to vector<16x1xi32>
    %gather3A_309 = vector.shape_cast %broadcast_in_dim3A_308 : vector<16x1xi32> to vector<16xi32>
    %gather3A_310 = tpu.dynamic_gather %exp3A[%gather3A_309] in [0] : vector<16xf32>, vector<16xi32> -> vector<16xf32>
    %get3A_311 = arith.constant 5 : i32
    %get3A_312 = arith.index_cast %get3A_311 : i32 to index
    %get3A_313 = arith.constant 0 : index
    %get3A_314 = tpu.vector_load %arg13[%get3A_312, %get3A_313] {strides = array<i32>} : memref<16x64xf32, #tpu.memory_space<vmem>>, vector<16xf32>,
    %mul3A_315 = arith.mulf %get3A_314, %gather3A_310 : vector<16xf32>
    %swap3A_316 = arith.constant 5 : i32
    %swap3A_317 = arith.index_cast %swap3A_316 : i32 to index
    %swap3A_318 = arith.constant 0 : index
    %swap3A_319 = tpu.vector_load %arg13[%swap3A_317, %swap3A_318] {strides = array<i32>} : memref<16x64xf32, #tpu.memory_space<vmem>>, vector<16xf32>,
    tpu.vector_store %arg13[%swap3A_317, %swap3A_318], %mul3A_315 {strides = array<i32>} : memref<16x64xf32, #tpu.memory_space<vmem>>, vector<16xf32>,
    %get3A_320 = arith.constant 5 : i32
    %get3A_321 = arith.index_cast %get3A_320 : i32 to index
    %get3A_322 = arith.constant 16 : index
    %get3A_323 = tpu.vector_load %arg13[%get3A_321, %get3A_322] {strides = array<i32>} : memref<16x64xf32, #tpu.memory_space<vmem>>, vector<16xf32>,
    %mul3A_324 = arith.mulf %get3A_323, %gather3A_310 : vector<16xf32>
    %swap3A_325 = arith.constant 5 : i32
    %swap3A_326 = arith.index_cast %swap3A_325 : i32 to index
    %swap3A_327 = arith.constant 16 : index
    %swap3A_328 = tpu.vector_load %arg13[%swap3A_326, %swap3A_327] {strides = array<i32>} : memref<16x64xf32, #tpu.memory_space<vmem>>, vector<16xf32>,
    tpu.vector_store %arg13[%swap3A_326, %swap3A_327], %mul3A_324 {strides = array<i32>} : memref<16x64xf32, #tpu.memory_space<vmem>>, vector<16xf32>,
    %get3A_329 = arith.constant 5 : i32
    %get3A_330 = arith.index_cast %get3A_329 : i32 to index
    %get3A_331 = arith.constant 32 : index
    %get3A_332 = tpu.vector_load %arg13[%get3A_330, %get3A_331] {strides = array<i32>} : memref<16x64xf32, #tpu.memory_space<vmem>>, vector<16xf32>,
    %mul3A_333 = arith.mulf %get3A_332, %gather3A_310 : vector<16xf32>
    %swap3A_334 = arith.constant 5 : i32
    %swap3A_335 = arith.index_cast %swap3A_334 : i32 to index
    %swap3A_336 = arith.constant 32 : index
    %swap3A_337 = tpu.vector_load %arg13[%swap3A_335, %swap3A_336] {strides = array<i32>} : memref<16x64xf32, #tpu.memory_space<vmem>>, vector<16xf32>,
    tpu.vector_store %arg13[%swap3A_335, %swap3A_336], %mul3A_333 {strides = array<i32>} : memref<16x64xf32, #tpu.memory_space<vmem>>, vector<16xf32>,
    %get3A_338 = arith.constant 5 : i32
    %get3A_339 = arith.index_cast %get3A_338 : i32 to index
    %get3A_340 = arith.constant 48 : index
    %get3A_341 = tpu.vector_load %arg13[%get3A_339, %get3A_340] {strides = array<i32>} : memref<16x64xf32, #tpu.memory_space<vmem>>, vector<16xf32>,
    %mul3A_342 = arith.mulf %get3A_341, %gather3A_310 : vector<16xf32>
    %swap3A_343 = arith.constant 5 : i32
    %swap3A_344 = arith.index_cast %swap3A_343 : i32 to index
    %swap3A_345 = arith.constant 48 : index
    %swap3A_346 = tpu.vector_load %arg13[%swap3A_344, %swap3A_345] {strides = array<i32>} : memref<16x64xf32, #tpu.memory_space<vmem>>, vector<16xf32>,
    tpu.vector_store %arg13[%swap3A_344, %swap3A_345], %mul3A_342 {strides = array<i32>} : memref<16x64xf32, #tpu.memory_space<vmem>>, vector<16xf32>,
    %broadcast_in_dim3A_347 = arith.constant 6 : i32
    %broadcast_in_dim3A_348 = vector.broadcast %broadcast_in_dim3A_347 : i32 to vector<16xi32>
    %broadcast_in_dim3A_349 = vector.shape_cast %broadcast_in_dim3A_348 : vector<16xi32> to vector<16x1xi32>
    %gather3A_350 = vector.shape_cast %broadcast_in_dim3A_349 : vector<16x1xi32> to vector<16xi32>
    %gather3A_351 = tpu.dynamic_gather %exp3A[%gather3A_350] in [0] : vector<16xf32>, vector<16xi32> -> vector<16xf32>
    %get3A_352 = arith.constant 6 : i32
    %get3A_353 = arith.index_cast %get3A_352 : i32 to index
    %get3A_354 = arith.constant 0 : index
    %get3A_355 = tpu.vector_load %arg13[%get3A_353, %get3A_354] {strides = array<i32>} : memref<16x64xf32, #tpu.memory_space<vmem>>, vector<16xf32>,
    %mul3A_356 = arith.mulf %get3A_355, %gather3A_351 : vector<16xf32>
    %swap3A_357 = arith.constant 6 : i32
    %swap3A_358 = arith.index_cast %swap3A_357 : i32 to index
    %swap3A_359 = arith.constant 0 : index
    %swap3A_360 = tpu.vector_load %arg13[%swap3A_358, %swap3A_359] {strides = array<i32>} : memref<16x64xf32, #tpu.memory_space<vmem>>, vector<16xf32>,
    tpu.vector_store %arg13[%swap3A_358, %swap3A_359], %mul3A_356 {strides = array<i32>} : memref<16x64xf32, #tpu.memory_space<vmem>>, vector<16xf32>,
    %get3A_361 = arith.constant 6 : i32
    %get3A_362 = arith.index_cast %get3A_361 : i32 to index
    %get3A_363 = arith.constant 16 : index
    %get3A_364 = tpu.vector_load %arg13[%get3A_362, %get3A_363] {strides = array<i32>} : memref<16x64xf32, #tpu.memory_space<vmem>>, vector<16xf32>,
    %mul3A_365 = arith.mulf %get3A_364, %gather3A_351 : vector<16xf32>
    %swap3A_366 = arith.constant 6 : i32
    %swap3A_367 = arith.index_cast %swap3A_366 : i32 to index
    %swap3A_368 = arith.constant 16 : index
    %swap3A_369 = tpu.vector_load %arg13[%swap3A_367, %swap3A_368] {strides = array<i32>} : memref<16x64xf32, #tpu.memory_space<vmem>>, vector<16xf32>,
    tpu.vector_store %arg13[%swap3A_367, %swap3A_368], %mul3A_365 {strides = array<i32>} : memref<16x64xf32, #tpu.memory_space<vmem>>, vector<16xf32>,
    %get3A_370 = arith.constant 6 : i32
    %get3A_371 = arith.index_cast %get3A_370 : i32 to index
    %get3A_372 = arith.constant 32 : index
    %get3A_373 = tpu.vector_load %arg13[%get3A_371, %get3A_372] {strides = array<i32>} : memref<16x64xf32, #tpu.memory_space<vmem>>, vector<16xf32>,
    %mul3A_374 = arith.mulf %get3A_373, %gather3A_351 : vector<16xf32>
    %swap3A_375 = arith.constant 6 : i32
    %swap3A_376 = arith.index_cast %swap3A_375 : i32 to index
    %swap3A_377 = arith.constant 32 : index
    %swap3A_378 = tpu.vector_load %arg13[%swap3A_376, %swap3A_377] {strides = array<i32>} : memref<16x64xf32, #tpu.memory_space<vmem>>, vector<16xf32>,
    tpu.vector_store %arg13[%swap3A_376, %swap3A_377], %mul3A_374 {strides = array<i32>} : memref<16x64xf32, #tpu.memory_space<vmem>>, vector<16xf32>,
    %get3A_379 = arith.constant 6 : i32
    %get3A_380 = arith.index_cast %get3A_379 : i32 to index
    %get3A_381 = arith.constant 48 : index
    %get3A_382 = tpu.vector_load %arg13[%get3A_380, %get3A_381] {strides = array<i32>} : memref<16x64xf32, #tpu.memory_space<vmem>>, vector<16xf32>,
    %mul3A_383 = arith.mulf %get3A_382, %gather3A_351 : vector<16xf32>
    %swap3A_384 = arith.constant 6 : i32
    %swap3A_385 = arith.index_cast %swap3A_384 : i32 to index
    %swap3A_386 = arith.constant 48 : index
    %swap3A_387 = tpu.vector_load %arg13[%swap3A_385, %swap3A_386] {strides = array<i32>} : memref<16x64xf32, #tpu.memory_space<vmem>>, vector<16xf32>,
    tpu.vector_store %arg13[%swap3A_385, %swap3A_386], %mul3A_383 {strides = array<i32>} : memref<16x64xf32, #tpu.memory_space<vmem>>, vector<16xf32>,
    %broadcast_in_dim3A_388 = arith.constant 7 : i32
    %broadcast_in_dim3A_389 = vector.broadcast %broadcast_in_dim3A_388 : i32 to vector<16xi32>
    %broadcast_in_dim3A_390 = vector.shape_cast %broadcast_in_dim3A_389 : vector<16xi32> to vector<16x1xi32>
    %gather3A_391 = vector.shape_cast %broadcast_in_dim3A_390 : vector<16x1xi32> to vector<16xi32>
    %gather3A_392 = tpu.dynamic_gather %exp3A[%gather3A_391] in [0] : vector<16xf32>, vector<16xi32> -> vector<16xf32>
    %get3A_393 = arith.constant 7 : i32
    %get3A_394 = arith.index_cast %get3A_393 : i32 to index
    %get3A_395 = arith.constant 0 : index
    %get3A_396 = tpu.vector_load %arg13[%get3A_394, %get3A_395] {strides = array<i32>} : memref<16x64xf32, #tpu.memory_space<vmem>>, vector<16xf32>,
    %mul3A_397 = arith.mulf %get3A_396, %gather3A_392 : vector<16xf32>
    %swap3A_398 = arith.constant 7 : i32
    %swap3A_399 = arith.index_cast %swap3A_398 : i32 to index
    %swap3A_400 = arith.constant 0 : index
    %swap3A_401 = tpu.vector_load %arg13[%swap3A_399, %swap3A_400] {strides = array<i32>} : memref<16x64xf32, #tpu.memory_space<vmem>>, vector<16xf32>,
    tpu.vector_store %arg13[%swap3A_399, %swap3A_400], %mul3A_397 {strides = array<i32>} : memref<16x64xf32, #tpu.memory_space<vmem>>, vector<16xf32>,
    %get3A_402 = arith.constant 7 : i32
    %get3A_403 = arith.index_cast %get3A_402 : i32 to index
    %get3A_404 = arith.constant 16 : index
    %get3A_405 = tpu.vector_load %arg13[%get3A_403, %get3A_404] {strides = array<i32>} : memref<16x64xf32, #tpu.memory_space<vmem>>, vector<16xf32>,
    %mul3A_406 = arith.mulf %get3A_405, %gather3A_392 : vector<16xf32>
    %swap3A_407 = arith.constant 7 : i32
    %swap3A_408 = arith.index_cast %swap3A_407 : i32 to index
    %swap3A_409 = arith.constant 16 : index
    %swap3A_410 = tpu.vector_load %arg13[%swap3A_408, %swap3A_409] {strides = array<i32>} : memref<16x64xf32, #tpu.memory_space<vmem>>, vector<16xf32>,
    tpu.vector_store %arg13[%swap3A_408, %swap3A_409], %mul3A_406 {strides = array<i32>} : memref<16x64xf32, #tpu.memory_space<vmem>>, vector<16xf32>,
    %get3A_411 = arith.constant 7 : i32
    %get3A_412 = arith.index_cast %get3A_411 : i32 to index
    %get3A_413 = arith.constant 32 : index
    %get3A_414 = tpu.vector_load %arg13[%get3A_412, %get3A_413] {strides = array<i32>} : memref<16x64xf32, #tpu.memory_space<vmem>>, vector<16xf32>,
    %mul3A_415 = arith.mulf %get3A_414, %gather3A_392 : vector<16xf32>
    %swap3A_416 = arith.constant 7 : i32
    %swap3A_417 = arith.index_cast %swap3A_416 : i32 to index
    %swap3A_418 = arith.constant 32 : index
    %swap3A_419 = tpu.vector_load %arg13[%swap3A_417, %swap3A_418] {strides = array<i32>} : memref<16x64xf32, #tpu.memory_space<vmem>>, vector<16xf32>,
    tpu.vector_store %arg13[%swap3A_417, %swap3A_418], %mul3A_415 {strides = array<i32>} : memref<16x64xf32, #tpu.memory_space<vmem>>, vector<16xf32>,
    %get3A_420 = arith.constant 7 : i32
    %get3A_421 = arith.index_cast %get3A_420 : i32 to index
    %get3A_422 = arith.constant 48 : index
    %get3A_423 = tpu.vector_load %arg13[%get3A_421, %get3A_422] {strides = array<i32>} : memref<16x64xf32, #tpu.memory_space<vmem>>, vector<16xf32>,
    %mul3A_424 = arith.mulf %get3A_423, %gather3A_392 : vector<16xf32>
    %swap3A_425 = arith.constant 7 : i32
    %swap3A_426 = arith.index_cast %swap3A_425 : i32 to index
    %swap3A_427 = arith.constant 48 : index
    %swap3A_428 = tpu.vector_load %arg13[%swap3A_426, %swap3A_427] {strides = array<i32>} : memref<16x64xf32, #tpu.memory_space<vmem>>, vector<16xf32>,
    tpu.vector_store %arg13[%swap3A_426, %swap3A_427], %mul3A_424 {strides = array<i32>} : memref<16x64xf32, #tpu.memory_space<vmem>>, vector<16xf32>,
    %broadcast_in_dim3A_429 = arith.constant 8 : i32
    %broadcast_in_dim3A_430 = vector.broadcast %broadcast_in_dim3A_429 : i32 to vector<16xi32>
    %broadcast_in_dim3A_431 = vector.shape_cast %broadcast_in_dim3A_430 : vector<16xi32> to vector<16x1xi32>
    %gather3A_432 = vector.shape_cast %broadcast_in_dim3A_431 : vector<16x1xi32> to vector<16xi32>
    %gather3A_433 = tpu.dynamic_gather %exp3A[%gather3A_432] in [0] : vector<16xf32>, vector<16xi32> -> vector<16xf32>
    %get3A_434 = arith.constant 8 : i32
    %get3A_435 = arith.index_cast %get3A_434 : i32 to index
    %get3A_436 = arith.constant 0 : index
    %get3A_437 = tpu.vector_load %arg13[%get3A_435, %get3A_436] {strides = array<i32>} : memref<16x64xf32, #tpu.memory_space<vmem>>, vector<16xf32>,
    %mul3A_438 = arith.mulf %get3A_437, %gather3A_433 : vector<16xf32>
    %swap3A_439 = arith.constant 8 : i32
    %swap3A_440 = arith.index_cast %swap3A_439 : i32 to index
    %swap3A_441 = arith.constant 0 : index
    %swap3A_442 = tpu.vector_load %arg13[%swap3A_440, %swap3A_441] {strides = array<i32>} : memref<16x64xf32, #tpu.memory_space<vmem>>, vector<16xf32>,
    tpu.vector_store %arg13[%swap3A_440, %swap3A_441], %mul3A_438 {strides = array<i32>} : memref<16x64xf32, #tpu.memory_space<vmem>>, vector<16xf32>,
    %get3A_443 = arith.constant 8 : i32
    %get3A_444 = arith.index_cast %get3A_443 : i32 to index
    %get3A_445 = arith.constant 16 : index
    %get3A_446 = tpu.vector_load %arg13[%get3A_444, %get3A_445] {strides = array<i32>} : memref<16x64xf32, #tpu.memory_space<vmem>>, vector<16xf32>,
    %mul3A_447 = arith.mulf %get3A_446, %gather3A_433 : vector<16xf32>
    %swap3A_448 = arith.constant 8 : i32
    %swap3A_449 = arith.index_cast %swap3A_448 : i32 to index
    %swap3A_450 = arith.constant 16 : index
    %swap3A_451 = tpu.vector_load %arg13[%swap3A_449, %swap3A_450] {strides = array<i32>} : memref<16x64xf32, #tpu.memory_space<vmem>>, vector<16xf32>,
    tpu.vector_store %arg13[%swap3A_449, %swap3A_450], %mul3A_447 {strides = array<i32>} : memref<16x64xf32, #tpu.memory_space<vmem>>, vector<16xf32>,
    %get3A_452 = arith.constant 8 : i32
    %get3A_453 = arith.index_cast %get3A_452 : i32 to index
    %get3A_454 = arith.constant 32 : index
    %get3A_455 = tpu.vector_load %arg13[%get3A_453, %get3A_454] {strides = array<i32>} : memref<16x64xf32, #tpu.memory_space<vmem>>, vector<16xf32>,
    %mul3A_456 = arith.mulf %get3A_455, %gather3A_433 : vector<16xf32>
    %swap3A_457 = arith.constant 8 : i32
    %swap3A_458 = arith.index_cast %swap3A_457 : i32 to index
    %swap3A_459 = arith.constant 32 : index
    %swap3A_460 = tpu.vector_load %arg13[%swap3A_458, %swap3A_459] {strides = array<i32>} : memref<16x64xf32, #tpu.memory_space<vmem>>, vector<16xf32>,
    tpu.vector_store %arg13[%swap3A_458, %swap3A_459], %mul3A_456 {strides = array<i32>} : memref<16x64xf32, #tpu.memory_space<vmem>>, vector<16xf32>,
    %get3A_461 = arith.constant 8 : i32
    %get3A_462 = arith.index_cast %get3A_461 : i32 to index
    %get3A_463 = arith.constant 48 : index
    %get3A_464 = tpu.vector_load %arg13[%get3A_462, %get3A_463] {strides = array<i32>} : memref<16x64xf32, #tpu.memory_space<vmem>>, vector<16xf32>,
    %mul3A_465 = arith.mulf %get3A_464, %gather3A_433 : vector<16xf32>
    %swap3A_466 = arith.constant 8 : i32
    %swap3A_467 = arith.index_cast %swap3A_466 : i32 to index
    %swap3A_468 = arith.constant 48 : index
    %swap3A_469 = tpu.vector_load %arg13[%swap3A_467, %swap3A_468] {strides = array<i32>} : memref<16x64xf32, #tpu.memory_space<vmem>>, vector<16xf32>,
    tpu.vector_store %arg13[%swap3A_467, %swap3A_468], %mul3A_465 {strides = array<i32>} : memref<16x64xf32, #tpu.memory_space<vmem>>, vector<16xf32>,
    %broadcast_in_dim3A_470 = arith.constant 9 : i32
    %broadcast_in_dim3A_471 = vector.broadcast %broadcast_in_dim3A_470 : i32 to vector<16xi32>
    %broadcast_in_dim3A_472 = vector.shape_cast %broadcast_in_dim3A_471 : vector<16xi32> to vector<16x1xi32>
    %gather3A_473 = vector.shape_cast %broadcast_in_dim3A_472 : vector<16x1xi32> to vector<16xi32>
    %gather3A_474 = tpu.dynamic_gather %exp3A[%gather3A_473] in [0] : vector<16xf32>, vector<16xi32> -> vector<16xf32>
    %get3A_475 = arith.constant 9 : i32
    %get3A_476 = arith.index_cast %get3A_475 : i32 to index
    %get3A_477 = arith.constant 0 : index
    %get3A_478 = tpu.vector_load %arg13[%get3A_476, %get3A_477] {strides = array<i32>} : memref<16x64xf32, #tpu.memory_space<vmem>>, vector<16xf32>,
    %mul3A_479 = arith.mulf %get3A_478, %gather3A_474 : vector<16xf32>
    %swap3A_480 = arith.constant 9 : i32
    %swap3A_481 = arith.index_cast %swap3A_480 : i32 to index
    %swap3A_482 = arith.constant 0 : index
    %swap3A_483 = tpu.vector_load %arg13[%swap3A_481, %swap3A_482] {strides = array<i32>} : memref<16x64xf32, #tpu.memory_space<vmem>>, vector<16xf32>,
    tpu.vector_store %arg13[%swap3A_481, %swap3A_482], %mul3A_479 {strides = array<i32>} : memref<16x64xf32, #tpu.memory_space<vmem>>, vector<16xf32>,
    %get3A_484 = arith.constant 9 : i32
    %get3A_485 = arith.index_cast %get3A_484 : i32 to index
    %get3A_486 = arith.constant 16 : index
    %get3A_487 = tpu.vector_load %arg13[%get3A_485, %get3A_486] {strides = array<i32>} : memref<16x64xf32, #tpu.memory_space<vmem>>, vector<16xf32>,
    %mul3A_488 = arith.mulf %get3A_487, %gather3A_474 : vector<16xf32>
    %swap3A_489 = arith.constant 9 : i32
    %swap3A_490 = arith.index_cast %swap3A_489 : i32 to index
    %swap3A_491 = arith.constant 16 : index
    %swap3A_492 = tpu.vector_load %arg13[%swap3A_490, %swap3A_491] {strides = array<i32>} : memref<16x64xf32, #tpu.memory_space<vmem>>, vector<16xf32>,
    tpu.vector_store %arg13[%swap3A_490, %swap3A_491], %mul3A_488 {strides = array<i32>} : memref<16x64xf32, #tpu.memory_space<vmem>>, vector<16xf32>,
    %get3A_493 = arith.constant 9 : i32
    %get3A_494 = arith.index_cast %get3A_493 : i32 to index
    %get3A_495 = arith.constant 32 : index
    %get3A_496 = tpu.vector_load %arg13[%get3A_494, %get3A_495] {strides = array<i32>} : memref<16x64xf32, #tpu.memory_space<vmem>>, vector<16xf32>,
    %mul3A_497 = arith.mulf %get3A_496, %gather3A_474 : vector<16xf32>
    %swap3A_498 = arith.constant 9 : i32
    %swap3A_499 = arith.index_cast %swap3A_498 : i32 to index
    %swap3A_500 = arith.constant 32 : index
    %swap3A_501 = tpu.vector_load %arg13[%swap3A_499, %swap3A_500] {strides = array<i32>} : memref<16x64xf32, #tpu.memory_space<vmem>>, vector<16xf32>,
    tpu.vector_store %arg13[%swap3A_499, %swap3A_500], %mul3A_497 {strides = array<i32>} : memref<16x64xf32, #tpu.memory_space<vmem>>, vector<16xf32>,
    %get3A_502 = arith.constant 9 : i32
    %get3A_503 = arith.index_cast %get3A_502 : i32 to index
    %get3A_504 = arith.constant 48 : index
    %get3A_505 = tpu.vector_load %arg13[%get3A_503, %get3A_504] {strides = array<i32>} : memref<16x64xf32, #tpu.memory_space<vmem>>, vector<16xf32>,
    %mul3A_506 = arith.mulf %get3A_505, %gather3A_474 : vector<16xf32>
    %swap3A_507 = arith.constant 9 : i32
    %swap3A_508 = arith.index_cast %swap3A_507 : i32 to index
    %swap3A_509 = arith.constant 48 : index
    %swap3A_510 = tpu.vector_load %arg13[%swap3A_508, %swap3A_509] {strides = array<i32>} : memref<16x64xf32, #tpu.memory_space<vmem>>, vector<16xf32>,
    tpu.vector_store %arg13[%swap3A_508, %swap3A_509], %mul3A_506 {strides = array<i32>} : memref<16x64xf32, #tpu.memory_space<vmem>>, vector<16xf32>,
    %broadcast_in_dim3A_511 = arith.constant 10 : i32
    %broadcast_in_dim3A_512 = vector.broadcast %broadcast_in_dim3A_511 : i32 to vector<16xi32>
    %broadcast_in_dim3A_513 = vector.shape_cast %broadcast_in_dim3A_512 : vector<16xi32> to vector<16x1xi32>
    %gather3A_514 = vector.shape_cast %broadcast_in_dim3A_513 : vector<16x1xi32> to vector<16xi32>
    %gather3A_515 = tpu.dynamic_gather %exp3A[%gather3A_514] in [0] : vector<16xf32>, vector<16xi32> -> vector<16xf32>
    %get3A_516 = arith.constant 10 : i32
    %get3A_517 = arith.index_cast %get3A_516 : i32 to index
    %get3A_518 = arith.constant 0 : index
    %get3A_519 = tpu.vector_load %arg13[%get3A_517, %get3A_518] {strides = array<i32>} : memref<16x64xf32, #tpu.memory_space<vmem>>, vector<16xf32>,
    %mul3A_520 = arith.mulf %get3A_519, %gather3A_515 : vector<16xf32>
    %swap3A_521 = arith.constant 10 : i32
    %swap3A_522 = arith.index_cast %swap3A_521 : i32 to index
    %swap3A_523 = arith.constant 0 : index
    %swap3A_524 = tpu.vector_load %arg13[%swap3A_522, %swap3A_523] {strides = array<i32>} : memref<16x64xf32, #tpu.memory_space<vmem>>, vector<16xf32>,
    tpu.vector_store %arg13[%swap3A_522, %swap3A_523], %mul3A_520 {strides = array<i32>} : memref<16x64xf32, #tpu.memory_space<vmem>>, vector<16xf32>,
    %get3A_525 = arith.constant 10 : i32
    %get3A_526 = arith.index_cast %get3A_525 : i32 to index
    %get3A_527 = arith.constant 16 : index
    %get3A_528 = tpu.vector_load %arg13[%get3A_526, %get3A_527] {strides = array<i32>} : memref<16x64xf32, #tpu.memory_space<vmem>>, vector<16xf32>,
    %mul3A_529 = arith.mulf %get3A_528, %gather3A_515 : vector<16xf32>
    %swap3A_530 = arith.constant 10 : i32
    %swap3A_531 = arith.index_cast %swap3A_530 : i32 to index
    %swap3A_532 = arith.constant 16 : index
    %swap3A_533 = tpu.vector_load %arg13[%swap3A_531, %swap3A_532] {strides = array<i32>} : memref<16x64xf32, #tpu.memory_space<vmem>>, vector<16xf32>,
    tpu.vector_store %arg13[%swap3A_531, %swap3A_532], %mul3A_529 {strides = array<i32>} : memref<16x64xf32, #tpu.memory_space<vmem>>, vector<16xf32>,
    %get3A_534 = arith.constant 10 : i32
    %get3A_535 = arith.index_cast %get3A_534 : i32 to index
    %get3A_536 = arith.constant 32 : index
    %get3A_537 = tpu.vector_load %arg13[%get3A_535, %get3A_536] {strides = array<i32>} : memref<16x64xf32, #tpu.memory_space<vmem>>, vector<16xf32>,
    %mul3A_538 = arith.mulf %get3A_537, %gather3A_515 : vector<16xf32>
    %swap3A_539 = arith.constant 10 : i32
    %swap3A_540 = arith.index_cast %swap3A_539 : i32 to index
    %swap3A_541 = arith.constant 32 : index
    %swap3A_542 = tpu.vector_load %arg13[%swap3A_540, %swap3A_541] {strides = array<i32>} : memref<16x64xf32, #tpu.memory_space<vmem>>, vector<16xf32>,
    tpu.vector_store %arg13[%swap3A_540, %swap3A_541], %mul3A_538 {strides = array<i32>} : memref<16x64xf32, #tpu.memory_space<vmem>>, vector<16xf32>,
    %get3A_543 = arith.constant 10 : i32
    %get3A_544 = arith.index_cast %get3A_543 : i32 to index
    %get3A_545 = arith.constant 48 : index
    %get3A_546 = tpu.vector_load %arg13[%get3A_544, %get3A_545] {strides = array<i32>} : memref<16x64xf32, #tpu.memory_space<vmem>>, vector<16xf32>,
    %mul3A_547 = arith.mulf %get3A_546, %gather3A_515 : vector<16xf32>
    %swap3A_548 = arith.constant 10 : i32
    %swap3A_549 = arith.index_cast %swap3A_548 : i32 to index
    %swap3A_550 = arith.constant 48 : index
    %swap3A_551 = tpu.vector_load %arg13[%swap3A_549, %swap3A_550] {strides = array<i32>} : memref<16x64xf32, #tpu.memory_space<vmem>>, vector<16xf32>,
    tpu.vector_store %arg13[%swap3A_549, %swap3A_550], %mul3A_547 {strides = array<i32>} : memref<16x64xf32, #tpu.memory_space<vmem>>, vector<16xf32>,
    %broadcast_in_dim3A_552 = arith.constant 11 : i32
    %broadcast_in_dim3A_553 = vector.broadcast %broadcast_in_dim3A_552 : i32 to vector<16xi32>
    %broadcast_in_dim3A_554 = vector.shape_cast %broadcast_in_dim3A_553 : vector<16xi32> to vector<16x1xi32>
    %gather3A_555 = vector.shape_cast %broadcast_in_dim3A_554 : vector<16x1xi32> to vector<16xi32>
    %gather3A_556 = tpu.dynamic_gather %exp3A[%gather3A_555] in [0] : vector<16xf32>, vector<16xi32> -> vector<16xf32>
    %get3A_557 = arith.constant 11 : i32
    %get3A_558 = arith.index_cast %get3A_557 : i32 to index
    %get3A_559 = arith.constant 0 : index
    %get3A_560 = tpu.vector_load %arg13[%get3A_558, %get3A_559] {strides = array<i32>} : memref<16x64xf32, #tpu.memory_space<vmem>>, vector<16xf32>,
    %mul3A_561 = arith.mulf %get3A_560, %gather3A_556 : vector<16xf32>
    %swap3A_562 = arith.constant 11 : i32
    %swap3A_563 = arith.index_cast %swap3A_562 : i32 to index
    %swap3A_564 = arith.constant 0 : index
    %swap3A_565 = tpu.vector_load %arg13[%swap3A_563, %swap3A_564] {strides = array<i32>} : memref<16x64xf32, #tpu.memory_space<vmem>>, vector<16xf32>,
    tpu.vector_store %arg13[%swap3A_563, %swap3A_564], %mul3A_561 {strides = array<i32>} : memref<16x64xf32, #tpu.memory_space<vmem>>, vector<16xf32>,
    %get3A_566 = arith.constant 11 : i32
    %get3A_567 = arith.index_cast %get3A_566 : i32 to index
    %get3A_568 = arith.constant 16 : index
    %get3A_569 = tpu.vector_load %arg13[%get3A_567, %get3A_568] {strides = array<i32>} : memref<16x64xf32, #tpu.memory_space<vmem>>, vector<16xf32>,
    %mul3A_570 = arith.mulf %get3A_569, %gather3A_556 : vector<16xf32>
    %swap3A_571 = arith.constant 11 : i32
    %swap3A_572 = arith.index_cast %swap3A_571 : i32 to index
    %swap3A_573 = arith.constant 16 : index
    %swap3A_574 = tpu.vector_load %arg13[%swap3A_572, %swap3A_573] {strides = array<i32>} : memref<16x64xf32, #tpu.memory_space<vmem>>, vector<16xf32>,
    tpu.vector_store %arg13[%swap3A_572, %swap3A_573], %mul3A_570 {strides = array<i32>} : memref<16x64xf32, #tpu.memory_space<vmem>>, vector<16xf32>,
    %get3A_575 = arith.constant 11 : i32
    %get3A_576 = arith.index_cast %get3A_575 : i32 to index
    %get3A_577 = arith.constant 32 : index
    %get3A_578 = tpu.vector_load %arg13[%get3A_576, %get3A_577] {strides = array<i32>} : memref<16x64xf32, #tpu.memory_space<vmem>>, vector<16xf32>,
    %mul3A_579 = arith.mulf %get3A_578, %gather3A_556 : vector<16xf32>
    %swap3A_580 = arith.constant 11 : i32
    %swap3A_581 = arith.index_cast %swap3A_580 : i32 to index
    %swap3A_582 = arith.constant 32 : index
    %swap3A_583 = tpu.vector_load %arg13[%swap3A_581, %swap3A_582] {strides = array<i32>} : memref<16x64xf32, #tpu.memory_space<vmem>>, vector<16xf32>,
    tpu.vector_store %arg13[%swap3A_581, %swap3A_582], %mul3A_579 {strides = array<i32>} : memref<16x64xf32, #tpu.memory_space<vmem>>, vector<16xf32>,
    %get3A_584 = arith.constant 11 : i32
    %get3A_585 = arith.index_cast %get3A_584 : i32 to index
    %get3A_586 = arith.constant 48 : index
    %get3A_587 = tpu.vector_load %arg13[%get3A_585, %get3A_586] {strides = array<i32>} : memref<16x64xf32, #tpu.memory_space<vmem>>, vector<16xf32>,
    %mul3A_588 = arith.mulf %get3A_587, %gather3A_556 : vector<16xf32>
    %swap3A_589 = arith.constant 11 : i32
    %swap3A_590 = arith.index_cast %swap3A_589 : i32 to index
    %swap3A_591 = arith.constant 48 : index
    %swap3A_592 = tpu.vector_load %arg13[%swap3A_590, %swap3A_591] {strides = array<i32>} : memref<16x64xf32, #tpu.memory_space<vmem>>, vector<16xf32>,
    tpu.vector_store %arg13[%swap3A_590, %swap3A_591], %mul3A_588 {strides = array<i32>} : memref<16x64xf32, #tpu.memory_space<vmem>>, vector<16xf32>,
    %broadcast_in_dim3A_593 = arith.constant 12 : i32
    %broadcast_in_dim3A_594 = vector.broadcast %broadcast_in_dim3A_593 : i32 to vector<16xi32>
    %broadcast_in_dim3A_595 = vector.shape_cast %broadcast_in_dim3A_594 : vector<16xi32> to vector<16x1xi32>
    %gather3A_596 = vector.shape_cast %broadcast_in_dim3A_595 : vector<16x1xi32> to vector<16xi32>
    %gather3A_597 = tpu.dynamic_gather %exp3A[%gather3A_596] in [0] : vector<16xf32>, vector<16xi32> -> vector<16xf32>
    %get3A_598 = arith.constant 12 : i32
    %get3A_599 = arith.index_cast %get3A_598 : i32 to index
    %get3A_600 = arith.constant 0 : index
    %get3A_601 = tpu.vector_load %arg13[%get3A_599, %get3A_600] {strides = array<i32>} : memref<16x64xf32, #tpu.memory_space<vmem>>, vector<16xf32>,
    %mul3A_602 = arith.mulf %get3A_601, %gather3A_597 : vector<16xf32>
    %swap3A_603 = arith.constant 12 : i32
    %swap3A_604 = arith.index_cast %swap3A_603 : i32 to index
    %swap3A_605 = arith.constant 0 : index
    %swap3A_606 = tpu.vector_load %arg13[%swap3A_604, %swap3A_605] {strides = array<i32>} : memref<16x64xf32, #tpu.memory_space<vmem>>, vector<16xf32>,
    tpu.vector_store %arg13[%swap3A_604, %swap3A_605], %mul3A_602 {strides = array<i32>} : memref<16x64xf32, #tpu.memory_space<vmem>>, vector<16xf32>,
    %get3A_607 = arith.constant 12 : i32
    %get3A_608 = arith.index_cast %get3A_607 : i32 to index
    %get3A_609 = arith.constant 16 : index
    %get3A_610 = tpu.vector_load %arg13[%get3A_608, %get3A_609] {strides = array<i32>} : memref<16x64xf32, #tpu.memory_space<vmem>>, vector<16xf32>,
    %mul3A_611 = arith.mulf %get3A_610, %gather3A_597 : vector<16xf32>
    %swap3A_612 = arith.constant 12 : i32
    %swap3A_613 = arith.index_cast %swap3A_612 : i32 to index
    %swap3A_614 = arith.constant 16 : index
    %swap3A_615 = tpu.vector_load %arg13[%swap3A_613, %swap3A_614] {strides = array<i32>} : memref<16x64xf32, #tpu.memory_space<vmem>>, vector<16xf32>,
    tpu.vector_store %arg13[%swap3A_613, %swap3A_614], %mul3A_611 {strides = array<i32>} : memref<16x64xf32, #tpu.memory_space<vmem>>, vector<16xf32>,
    %get3A_616 = arith.constant 12 : i32
    %get3A_617 = arith.index_cast %get3A_616 : i32 to index
    %get3A_618 = arith.constant 32 : index
    %get3A_619 = tpu.vector_load %arg13[%get3A_617, %get3A_618] {strides = array<i32>} : memref<16x64xf32, #tpu.memory_space<vmem>>, vector<16xf32>,
    %mul3A_620 = arith.mulf %get3A_619, %gather3A_597 : vector<16xf32>
    %swap3A_621 = arith.constant 12 : i32
    %swap3A_622 = arith.index_cast %swap3A_621 : i32 to index
    %swap3A_623 = arith.constant 32 : index
    %swap3A_624 = tpu.vector_load %arg13[%swap3A_622, %swap3A_623] {strides = array<i32>} : memref<16x64xf32, #tpu.memory_space<vmem>>, vector<16xf32>,
    tpu.vector_store %arg13[%swap3A_622, %swap3A_623], %mul3A_620 {strides = array<i32>} : memref<16x64xf32, #tpu.memory_space<vmem>>, vector<16xf32>,
    %get3A_625 = arith.constant 12 : i32
    %get3A_626 = arith.index_cast %get3A_625 : i32 to index
    %get3A_627 = arith.constant 48 : index
    %get3A_628 = tpu.vector_load %arg13[%get3A_626, %get3A_627] {strides = array<i32>} : memref<16x64xf32, #tpu.memory_space<vmem>>, vector<16xf32>,
    %mul3A_629 = arith.mulf %get3A_628, %gather3A_597 : vector<16xf32>
    %swap3A_630 = arith.constant 12 : i32
    %swap3A_631 = arith.index_cast %swap3A_630 : i32 to index
    %swap3A_632 = arith.constant 48 : index
    %swap3A_633 = tpu.vector_load %arg13[%swap3A_631, %swap3A_632] {strides = array<i32>} : memref<16x64xf32, #tpu.memory_space<vmem>>, vector<16xf32>,
    tpu.vector_store %arg13[%swap3A_631, %swap3A_632], %mul3A_629 {strides = array<i32>} : memref<16x64xf32, #tpu.memory_space<vmem>>, vector<16xf32>,
    %broadcast_in_dim3A_634 = arith.constant 13 : i32
    %broadcast_in_dim3A_635 = vector.broadcast %broadcast_in_dim3A_634 : i32 to vector<16xi32>
    %broadcast_in_dim3A_636 = vector.shape_cast %broadcast_in_dim3A_635 : vector<16xi32> to vector<16x1xi32>
    %gather3A_637 = vector.shape_cast %broadcast_in_dim3A_636 : vector<16x1xi32> to vector<16xi32>
    %gather3A_638 = tpu.dynamic_gather %exp3A[%gather3A_637] in [0] : vector<16xf32>, vector<16xi32> -> vector<16xf32>
    %get3A_639 = arith.constant 13 : i32
    %get3A_640 = arith.index_cast %get3A_639 : i32 to index
    %get3A_641 = arith.constant 0 : index
    %get3A_642 = tpu.vector_load %arg13[%get3A_640, %get3A_641] {strides = array<i32>} : memref<16x64xf32, #tpu.memory_space<vmem>>, vector<16xf32>,
    %mul3A_643 = arith.mulf %get3A_642, %gather3A_638 : vector<16xf32>
    %swap3A_644 = arith.constant 13 : i32
    %swap3A_645 = arith.index_cast %swap3A_644 : i32 to index
    %swap3A_646 = arith.constant 0 : index
    %swap3A_647 = tpu.vector_load %arg13[%swap3A_645, %swap3A_646] {strides = array<i32>} : memref<16x64xf32, #tpu.memory_space<vmem>>, vector<16xf32>,
    tpu.vector_store %arg13[%swap3A_645, %swap3A_646], %mul3A_643 {strides = array<i32>} : memref<16x64xf32, #tpu.memory_space<vmem>>, vector<16xf32>,
    %get3A_648 = arith.constant 13 : i32
    %get3A_649 = arith.index_cast %get3A_648 : i32 to index
    %get3A_650 = arith.constant 16 : index
    %get3A_651 = tpu.vector_load %arg13[%get3A_649, %get3A_650] {strides = array<i32>} : memref<16x64xf32, #tpu.memory_space<vmem>>, vector<16xf32>,
    %mul3A_652 = arith.mulf %get3A_651, %gather3A_638 : vector<16xf32>
    %swap3A_653 = arith.constant 13 : i32
    %swap3A_654 = arith.index_cast %swap3A_653 : i32 to index
    %swap3A_655 = arith.constant 16 : index
    %swap3A_656 = tpu.vector_load %arg13[%swap3A_654, %swap3A_655] {strides = array<i32>} : memref<16x64xf32, #tpu.memory_space<vmem>>, vector<16xf32>,
    tpu.vector_store %arg13[%swap3A_654, %swap3A_655], %mul3A_652 {strides = array<i32>} : memref<16x64xf32, #tpu.memory_space<vmem>>, vector<16xf32>,
    %get3A_657 = arith.constant 13 : i32
    %get3A_658 = arith.index_cast %get3A_657 : i32 to index
    %get3A_659 = arith.constant 32 : index
    %get3A_660 = tpu.vector_load %arg13[%get3A_658, %get3A_659] {strides = array<i32>} : memref<16x64xf32, #tpu.memory_space<vmem>>, vector<16xf32>,
    %mul3A_661 = arith.mulf %get3A_660, %gather3A_638 : vector<16xf32>
    %swap3A_662 = arith.constant 13 : i32
    %swap3A_663 = arith.index_cast %swap3A_662 : i32 to index
    %swap3A_664 = arith.constant 32 : index
    %swap3A_665 = tpu.vector_load %arg13[%swap3A_663, %swap3A_664] {strides = array<i32>} : memref<16x64xf32, #tpu.memory_space<vmem>>, vector<16xf32>,
    tpu.vector_store %arg13[%swap3A_663, %swap3A_664], %mul3A_661 {strides = array<i32>} : memref<16x64xf32, #tpu.memory_space<vmem>>, vector<16xf32>,
    %get3A_666 = arith.constant 13 : i32
    %get3A_667 = arith.index_cast %get3A_666 : i32 to index
    %get3A_668 = arith.constant 48 : index
    %get3A_669 = tpu.vector_load %arg13[%get3A_667, %get3A_668] {strides = array<i32>} : memref<16x64xf32, #tpu.memory_space<vmem>>, vector<16xf32>,
    %mul3A_670 = arith.mulf %get3A_669, %gather3A_638 : vector<16xf32>
    %swap3A_671 = arith.constant 13 : i32
    %swap3A_672 = arith.index_cast %swap3A_671 : i32 to index
    %swap3A_673 = arith.constant 48 : index
    %swap3A_674 = tpu.vector_load %arg13[%swap3A_672, %swap3A_673] {strides = array<i32>} : memref<16x64xf32, #tpu.memory_space<vmem>>, vector<16xf32>,
    tpu.vector_store %arg13[%swap3A_672, %swap3A_673], %mul3A_670 {strides = array<i32>} : memref<16x64xf32, #tpu.memory_space<vmem>>, vector<16xf32>,
    %broadcast_in_dim3A_675 = arith.constant 14 : i32
    %broadcast_in_dim3A_676 = vector.broadcast %broadcast_in_dim3A_675 : i32 to vector<16xi32>
    %broadcast_in_dim3A_677 = vector.shape_cast %broadcast_in_dim3A_676 : vector<16xi32> to vector<16x1xi32>
    %gather3A_678 = vector.shape_cast %broadcast_in_dim3A_677 : vector<16x1xi32> to vector<16xi32>
    %gather3A_679 = tpu.dynamic_gather %exp3A[%gather3A_678] in [0] : vector<16xf32>, vector<16xi32> -> vector<16xf32>
    %get3A_680 = arith.constant 14 : i32
    %get3A_681 = arith.index_cast %get3A_680 : i32 to index
    %get3A_682 = arith.constant 0 : index
    %get3A_683 = tpu.vector_load %arg13[%get3A_681, %get3A_682] {strides = array<i32>} : memref<16x64xf32, #tpu.memory_space<vmem>>, vector<16xf32>,
    %mul3A_684 = arith.mulf %get3A_683, %gather3A_679 : vector<16xf32>
    %swap3A_685 = arith.constant 14 : i32
    %swap3A_686 = arith.index_cast %swap3A_685 : i32 to index
    %swap3A_687 = arith.constant 0 : index
    %swap3A_688 = tpu.vector_load %arg13[%swap3A_686, %swap3A_687] {strides = array<i32>} : memref<16x64xf32, #tpu.memory_space<vmem>>, vector<16xf32>,
    tpu.vector_store %arg13[%swap3A_686, %swap3A_687], %mul3A_684 {strides = array<i32>} : memref<16x64xf32, #tpu.memory_space<vmem>>, vector<16xf32>,
    %get3A_689 = arith.constant 14 : i32
    %get3A_690 = arith.index_cast %get3A_689 : i32 to index
    %get3A_691 = arith.constant 16 : index
    %get3A_692 = tpu.vector_load %arg13[%get3A_690, %get3A_691] {strides = array<i32>} : memref<16x64xf32, #tpu.memory_space<vmem>>, vector<16xf32>,
    %mul3A_693 = arith.mulf %get3A_692, %gather3A_679 : vector<16xf32>
    %swap3A_694 = arith.constant 14 : i32
    %swap3A_695 = arith.index_cast %swap3A_694 : i32 to index
    %swap3A_696 = arith.constant 16 : index
    %swap3A_697 = tpu.vector_load %arg13[%swap3A_695, %swap3A_696] {strides = array<i32>} : memref<16x64xf32, #tpu.memory_space<vmem>>, vector<16xf32>,
    tpu.vector_store %arg13[%swap3A_695, %swap3A_696], %mul3A_693 {strides = array<i32>} : memref<16x64xf32, #tpu.memory_space<vmem>>, vector<16xf32>,
    %get3A_698 = arith.constant 14 : i32
    %get3A_699 = arith.index_cast %get3A_698 : i32 to index
    %get3A_700 = arith.constant 32 : index
    %get3A_701 = tpu.vector_load %arg13[%get3A_699, %get3A_700] {strides = array<i32>} : memref<16x64xf32, #tpu.memory_space<vmem>>, vector<16xf32>,
    %mul3A_702 = arith.mulf %get3A_701, %gather3A_679 : vector<16xf32>
    %swap3A_703 = arith.constant 14 : i32
    %swap3A_704 = arith.index_cast %swap3A_703 : i32 to index
    %swap3A_705 = arith.constant 32 : index
    %swap3A_706 = tpu.vector_load %arg13[%swap3A_704, %swap3A_705] {strides = array<i32>} : memref<16x64xf32, #tpu.memory_space<vmem>>, vector<16xf32>,
    tpu.vector_store %arg13[%swap3A_704, %swap3A_705], %mul3A_702 {strides = array<i32>} : memref<16x64xf32, #tpu.memory_space<vmem>>, vector<16xf32>,
    %get3A_707 = arith.constant 14 : i32
    %get3A_708 = arith.index_cast %get3A_707 : i32 to index
    %get3A_709 = arith.constant 48 : index
    %get3A_710 = tpu.vector_load %arg13[%get3A_708, %get3A_709] {strides = array<i32>} : memref<16x64xf32, #tpu.memory_space<vmem>>, vector<16xf32>,
    %mul3A_711 = arith.mulf %get3A_710, %gather3A_679 : vector<16xf32>
    %swap3A_712 = arith.constant 14 : i32
    %swap3A_713 = arith.index_cast %swap3A_712 : i32 to index
    %swap3A_714 = arith.constant 48 : index
    %swap3A_715 = tpu.vector_load %arg13[%swap3A_713, %swap3A_714] {strides = array<i32>} : memref<16x64xf32, #tpu.memory_space<vmem>>, vector<16xf32>,
    tpu.vector_store %arg13[%swap3A_713, %swap3A_714], %mul3A_711 {strides = array<i32>} : memref<16x64xf32, #tpu.memory_space<vmem>>, vector<16xf32>,
    %broadcast_in_dim3A_716 = arith.constant 15 : i32
    %broadcast_in_dim3A_717 = vector.broadcast %broadcast_in_dim3A_716 : i32 to vector<16xi32>
    %broadcast_in_dim3A_718 = vector.shape_cast %broadcast_in_dim3A_717 : vector<16xi32> to vector<16x1xi32>
    %gather3A_719 = vector.shape_cast %broadcast_in_dim3A_718 : vector<16x1xi32> to vector<16xi32>
    %gather3A_720 = tpu.dynamic_gather %exp3A[%gather3A_719] in [0] : vector<16xf32>, vector<16xi32> -> vector<16xf32>
    %get3A_721 = arith.constant 15 : i32
    %get3A_722 = arith.index_cast %get3A_721 : i32 to index
    %get3A_723 = arith.constant 0 : index
    %get3A_724 = tpu.vector_load %arg13[%get3A_722, %get3A_723] {strides = array<i32>} : memref<16x64xf32, #tpu.memory_space<vmem>>, vector<16xf32>,
    %mul3A_725 = arith.mulf %get3A_724, %gather3A_720 : vector<16xf32>
    %swap3A_726 = arith.constant 15 : i32
    %swap3A_727 = arith.index_cast %swap3A_726 : i32 to index
    %swap3A_728 = arith.constant 0 : index
    %swap3A_729 = tpu.vector_load %arg13[%swap3A_727, %swap3A_728] {strides = array<i32>} : memref<16x64xf32, #tpu.memory_space<vmem>>, vector<16xf32>,
    tpu.vector_store %arg13[%swap3A_727, %swap3A_728], %mul3A_725 {strides = array<i32>} : memref<16x64xf32, #tpu.memory_space<vmem>>, vector<16xf32>,
    %get3A_730 = arith.constant 15 : i32
    %get3A_731 = arith.index_cast %get3A_730 : i32 to index
    %get3A_732 = arith.constant 16 : index
    %get3A_733 = tpu.vector_load %arg13[%get3A_731, %get3A_732] {strides = array<i32>} : memref<16x64xf32, #tpu.memory_space<vmem>>, vector<16xf32>,
    %mul3A_734 = arith.mulf %get3A_733, %gather3A_720 : vector<16xf32>
    %swap3A_735 = arith.constant 15 : i32
    %swap3A_736 = arith.index_cast %swap3A_735 : i32 to index
    %swap3A_737 = arith.constant 16 : index
    %swap3A_738 = tpu.vector_load %arg13[%swap3A_736, %swap3A_737] {strides = array<i32>} : memref<16x64xf32, #tpu.memory_space<vmem>>, vector<16xf32>,
    tpu.vector_store %arg13[%swap3A_736, %swap3A_737], %mul3A_734 {strides = array<i32>} : memref<16x64xf32, #tpu.memory_space<vmem>>, vector<16xf32>,
    %get3A_739 = arith.constant 15 : i32
    %get3A_740 = arith.index_cast %get3A_739 : i32 to index
    %get3A_741 = arith.constant 32 : index
    %get3A_742 = tpu.vector_load %arg13[%get3A_740, %get3A_741] {strides = array<i32>} : memref<16x64xf32, #tpu.memory_space<vmem>>, vector<16xf32>,
    %mul3A_743 = arith.mulf %get3A_742, %gather3A_720 : vector<16xf32>
    %swap3A_744 = arith.constant 15 : i32
    %swap3A_745 = arith.index_cast %swap3A_744 : i32 to index
    %swap3A_746 = arith.constant 32 : index
    %swap3A_747 = tpu.vector_load %arg13[%swap3A_745, %swap3A_746] {strides = array<i32>} : memref<16x64xf32, #tpu.memory_space<vmem>>, vector<16xf32>,
    tpu.vector_store %arg13[%swap3A_745, %swap3A_746], %mul3A_743 {strides = array<i32>} : memref<16x64xf32, #tpu.memory_space<vmem>>, vector<16xf32>,
    %get3A_748 = arith.constant 15 : i32
    %get3A_749 = arith.index_cast %get3A_748 : i32 to index
    %get3A_750 = arith.constant 48 : index
    %get3A_751 = tpu.vector_load %arg13[%get3A_749, %get3A_750] {strides = array<i32>} : memref<16x64xf32, #tpu.memory_space<vmem>>, vector<16xf32>,
    %mul3A_752 = arith.mulf %get3A_751, %gather3A_720 : vector<16xf32>
    %swap3A_753 = arith.constant 15 : i32
    %swap3A_754 = arith.index_cast %swap3A_753 : i32 to index
    %swap3A_755 = arith.constant 48 : index
    %swap3A_756 = tpu.vector_load %arg13[%swap3A_754, %swap3A_755] {strides = array<i32>} : memref<16x64xf32, #tpu.memory_space<vmem>>, vector<16xf32>,
    tpu.vector_store %arg13[%swap3A_754, %swap3A_755], %mul3A_752 {strides = array<i32>} : memref<16x64xf32, #tpu.memory_space<vmem>>, vector<16xf32>,
    %scan3A_757 = arith.constant 0 : i32
    %scan3A_758 = arith.constant 0 : i32
    %scan3A_759 = arith.constant 645 : i32
    %scan3A_760 = arith.addi %scan3A_758, %scan3A_759 : i32
    %scan3A_761 = arith.constant 1 : i32
    %scan3A_762 = scf.for %scan3A_774 = %scan3A_758 to %scan3A_760 step %scan3A_761 iter_args(%scan3A_775 = %scan3A_757) -> (i32)  : i32 {
      %mul3A_776 = arith.constant 2 : i32
      %mul3A_777 = arith.muli %mul3A_776, %scan3A_774 : i32
      %add3A_778 = arith.constant 1 : i32
      %add3A_779 = arith.addi %mul3A_777, %add3A_778 : i32
      %get3A_780 = arith.index_cast %add3A_779 : i32 to index
      %get3A_781 = arith.constant 0 : index
      %get3A_782 = tpu.vector_load %arg8[%get3A_780, %get3A_781] {strides = array<i32>} : memref<1290x16xi32, #tpu.memory_space<vmem>>, vector<16xi32>,
      %shift_right_logical3A_783 = arith.constant 1 : i32
      %shift_right_logical3A_784 = vector.broadcast %shift_right_logical3A_783 : i32 to vector<16xi32>
      %shift_right_logical3A_785 = arith.shrui %get3A_782, %shift_right_logical3A_784 : vector<16xi32>
      %get3A_786 = arith.index_cast %add3A_779 : i32 to index
      %get3A_787 = arith.constant 0 : index
      %get3A_788 = tpu.vector_load %arg9[%get3A_786, %get3A_787] {strides = array<i32>} : memref<1290x16xi32, #tpu.memory_space<vmem>>, vector<16xi32>,
      %gather3A_789 = tpu.vector_load_idx %arg10[%shift_right_logical3A_785] : memref<10240xf32, #tpu.memory_space<vmem>>[vector<16xi32>], vector<16xf32>,
      %gather3A_790 = tpu.vector_load_idx %arg11[%get3A_788] : memref<10240xf32, #tpu.memory_space<vmem>>[vector<16xi32>], vector<16xf32>,
      %add3A_791 = arith.addf %gather3A_789, %gather3A_790 : vector<16xf32>
      %ge3A_792 = arith.constant 0.000000e+00 : f32
      %ge3A_793 = vector.broadcast %ge3A_792 : f32 to vector<16xf32>
      %ge3A_794 = arith.cmpf oge, %add3A_791, %ge3A_793 : vector<16xf32>
      %mul3A_795 = arith.constant 2.000000e-01 : f32
      %mul3A_796 = vector.broadcast %mul3A_795 : f32 to vector<16xf32>
      %mul3A_797 = arith.mulf %add3A_791, %mul3A_796 : vector<16xf32>
      %select_n3A_798 = arith.select %ge3A_794, %add3A_791, %mul3A_797 : vector<16xi1>, vector<16xf32>
      %sub3A_799 = arith.subf %select_n3A_798, %add3A : vector<16xf32>
      %exp3A_800 = math.exp %sub3A_799 : vector<16xf32>
      tpu.vector_store_idx %arg12[%get3A_788], %exp3A_800 {add = true} : memref<10240xf32, #tpu.memory_space<vmem>>[vector<16xi32>], vector<16xf32>,
      %swap3A_801 = arith.constant 0 : index
      %swap3A_802 = tpu.vector_load %arg17[%swap3A_801] {strides = array<i32>} : memref<16xi32, #tpu.memory_space<vmem>>, vector<16xi32>,
      tpu.vector_store %arg17[%swap3A_801], %get3A_788 {strides = array<i32>} : memref<16xi32, #tpu.memory_space<vmem>>, vector<16xi32>,
      "tpu.region"() ({
        %run_scoped3A_1468 = tpu.sem_alloc : memref<!tpu.dma_semaphore, #tpu.memory_space<semaphore_mem>>
        %dma_start3A = arith.constant 0 : i32
        %dma_start3A_1469 = tpu.memref_slice %arg8[%add3A_779, %dma_start3A] : memref<1290x16xi32, #tpu.memory_space<vmem>> -> memref<1x16xi32, #tpu.memory_space<vmem>>
        %dma_start3A_1470 = tpu.memref_squeeze %dma_start3A_1469 : memref<1x16xi32, #tpu.memory_space<vmem>> -> memref<16xi32, #tpu.memory_space<vmem>>
        %dma_start3A_1471 = arith.constant 0 : i32
        %dma_start3A_1472 = arith.constant 0 : i32
        %dma_start3A_1473 = tpu.memref_slice %arg5[%dma_start3A_1471, %dma_start3A_1472] : memref<20480x64xf32, #tpu.memory_space<hbm>> -> memref<20480x64xf32, #tpu.memory_space<hbm>>
        tpu.enqueue_indirect_dma source(%dma_start3A_1473 : memref<20480x64xf32, #tpu.memory_space<hbm>>) target(%arg14 : memref<16x64xf32, #tpu.memory_space<vmem>>) offsets(%dma_start3A_1470 : memref<16xi32, #tpu.memory_space<vmem>>) semaphore(%run_scoped3A_1468 : memref<!tpu.dma_semaphore, #tpu.memory_space<semaphore_mem>>)
        %dma_wait3A = arith.constant 0 : i32
        %dma_wait3A_1474 = tpu.memref_slice %arg8[%add3A_779, %dma_wait3A] : memref<1290x16xi32, #tpu.memory_space<vmem>> -> memref<1x16xi32, #tpu.memory_space<vmem>>
        %dma_wait3A_1475 = tpu.memref_squeeze %dma_wait3A_1474 : memref<1x16xi32, #tpu.memory_space<vmem>> -> memref<16xi32, #tpu.memory_space<vmem>>
        %dma_wait3A_1476 = arith.constant 0 : i32
        %dma_wait3A_1477 = arith.constant 0 : i32
        %dma_wait3A_1478 = tpu.memref_slice %arg5[%dma_wait3A_1476, %dma_wait3A_1477] : memref<20480x64xf32, #tpu.memory_space<hbm>> -> memref<20480x64xf32, #tpu.memory_space<hbm>>
        tpu.wait_indirect_dma semaphore(%run_scoped3A_1468 : memref<!tpu.dma_semaphore, #tpu.memory_space<semaphore_mem>>) src(%dma_wait3A_1478 : memref<20480x64xf32, #tpu.memory_space<hbm>>) dst(%arg14 : memref<16x64xf32, #tpu.memory_space<vmem>>)
        tpu.yield
      }) : () -> ()
      %broadcast_in_dim3A_803 = arith.constant 0 : i32
      %broadcast_in_dim3A_804 = vector.broadcast %broadcast_in_dim3A_803 : i32 to vector<16xi32>
      %broadcast_in_dim3A_805 = vector.shape_cast %broadcast_in_dim3A_804 : vector<16xi32> to vector<16x1xi32>
      %gather3A_806 = vector.shape_cast %broadcast_in_dim3A_805 : vector<16x1xi32> to vector<16xi32>
      %gather3A_807 = tpu.dynamic_gather %exp3A_800[%gather3A_806] in [0] : vector<16xf32>, vector<16xi32> -> vector<16xf32>
      %get3A_808 = arith.constant 0 : i32
      %get3A_809 = arith.index_cast %get3A_808 : i32 to index
      %get3A_810 = arith.constant 0 : index
      %get3A_811 = tpu.vector_load %arg14[%get3A_809, %get3A_810] {strides = array<i32>} : memref<16x64xf32, #tpu.memory_space<vmem>>, vector<16xf32>,
      %mul3A_812 = arith.mulf %get3A_811, %gather3A_807 : vector<16xf32>
      %swap3A_813 = arith.constant 0 : i32
      %swap3A_814 = arith.index_cast %swap3A_813 : i32 to index
      %swap3A_815 = arith.constant 0 : index
      %swap3A_816 = tpu.vector_load %arg14[%swap3A_814, %swap3A_815] {strides = array<i32>} : memref<16x64xf32, #tpu.memory_space<vmem>>, vector<16xf32>,
      tpu.vector_store %arg14[%swap3A_814, %swap3A_815], %mul3A_812 {strides = array<i32>} : memref<16x64xf32, #tpu.memory_space<vmem>>, vector<16xf32>,
      %get3A_817 = arith.constant 0 : i32
      %get3A_818 = arith.index_cast %get3A_817 : i32 to index
      %get3A_819 = arith.constant 16 : index
      %get3A_820 = tpu.vector_load %arg14[%get3A_818, %get3A_819] {strides = array<i32>} : memref<16x64xf32, #tpu.memory_space<vmem>>, vector<16xf32>,
      %mul3A_821 = arith.mulf %get3A_820, %gather3A_807 : vector<16xf32>
      %swap3A_822 = arith.constant 0 : i32
      %swap3A_823 = arith.index_cast %swap3A_822 : i32 to index
      %swap3A_824 = arith.constant 16 : index
      %swap3A_825 = tpu.vector_load %arg14[%swap3A_823, %swap3A_824] {strides = array<i32>} : memref<16x64xf32, #tpu.memory_space<vmem>>, vector<16xf32>,
      tpu.vector_store %arg14[%swap3A_823, %swap3A_824], %mul3A_821 {strides = array<i32>} : memref<16x64xf32, #tpu.memory_space<vmem>>, vector<16xf32>,
      %get3A_826 = arith.constant 0 : i32
      %get3A_827 = arith.index_cast %get3A_826 : i32 to index
      %get3A_828 = arith.constant 32 : index
      %get3A_829 = tpu.vector_load %arg14[%get3A_827, %get3A_828] {strides = array<i32>} : memref<16x64xf32, #tpu.memory_space<vmem>>, vector<16xf32>,
      %mul3A_830 = arith.mulf %get3A_829, %gather3A_807 : vector<16xf32>
      %swap3A_831 = arith.constant 0 : i32
      %swap3A_832 = arith.index_cast %swap3A_831 : i32 to index
      %swap3A_833 = arith.constant 32 : index
      %swap3A_834 = tpu.vector_load %arg14[%swap3A_832, %swap3A_833] {strides = array<i32>} : memref<16x64xf32, #tpu.memory_space<vmem>>, vector<16xf32>,
      tpu.vector_store %arg14[%swap3A_832, %swap3A_833], %mul3A_830 {strides = array<i32>} : memref<16x64xf32, #tpu.memory_space<vmem>>, vector<16xf32>,
      %get3A_835 = arith.constant 0 : i32
      %get3A_836 = arith.index_cast %get3A_835 : i32 to index
      %get3A_837 = arith.constant 48 : index
      %get3A_838 = tpu.vector_load %arg14[%get3A_836, %get3A_837] {strides = array<i32>} : memref<16x64xf32, #tpu.memory_space<vmem>>, vector<16xf32>,
      %mul3A_839 = arith.mulf %get3A_838, %gather3A_807 : vector<16xf32>
      %swap3A_840 = arith.constant 0 : i32
      %swap3A_841 = arith.index_cast %swap3A_840 : i32 to index
      %swap3A_842 = arith.constant 48 : index
      %swap3A_843 = tpu.vector_load %arg14[%swap3A_841, %swap3A_842] {strides = array<i32>} : memref<16x64xf32, #tpu.memory_space<vmem>>, vector<16xf32>,
      tpu.vector_store %arg14[%swap3A_841, %swap3A_842], %mul3A_839 {strides = array<i32>} : memref<16x64xf32, #tpu.memory_space<vmem>>, vector<16xf32>,
      %broadcast_in_dim3A_844 = arith.constant 1 : i32
      %broadcast_in_dim3A_845 = vector.broadcast %broadcast_in_dim3A_844 : i32 to vector<16xi32>
      %broadcast_in_dim3A_846 = vector.shape_cast %broadcast_in_dim3A_845 : vector<16xi32> to vector<16x1xi32>
      %gather3A_847 = vector.shape_cast %broadcast_in_dim3A_846 : vector<16x1xi32> to vector<16xi32>
      %gather3A_848 = tpu.dynamic_gather %exp3A_800[%gather3A_847] in [0] : vector<16xf32>, vector<16xi32> -> vector<16xf32>
      %get3A_849 = arith.constant 1 : i32
      %get3A_850 = arith.index_cast %get3A_849 : i32 to index
      %get3A_851 = arith.constant 0 : index
      %get3A_852 = tpu.vector_load %arg14[%get3A_850, %get3A_851] {strides = array<i32>} : memref<16x64xf32, #tpu.memory_space<vmem>>, vector<16xf32>,
      %mul3A_853 = arith.mulf %get3A_852, %gather3A_848 : vector<16xf32>
      %swap3A_854 = arith.constant 1 : i32
      %swap3A_855 = arith.index_cast %swap3A_854 : i32 to index
      %swap3A_856 = arith.constant 0 : index
      %swap3A_857 = tpu.vector_load %arg14[%swap3A_855, %swap3A_856] {strides = array<i32>} : memref<16x64xf32, #tpu.memory_space<vmem>>, vector<16xf32>,
      tpu.vector_store %arg14[%swap3A_855, %swap3A_856], %mul3A_853 {strides = array<i32>} : memref<16x64xf32, #tpu.memory_space<vmem>>, vector<16xf32>,
      %get3A_858 = arith.constant 1 : i32
      %get3A_859 = arith.index_cast %get3A_858 : i32 to index
      %get3A_860 = arith.constant 16 : index
      %get3A_861 = tpu.vector_load %arg14[%get3A_859, %get3A_860] {strides = array<i32>} : memref<16x64xf32, #tpu.memory_space<vmem>>, vector<16xf32>,
      %mul3A_862 = arith.mulf %get3A_861, %gather3A_848 : vector<16xf32>
      %swap3A_863 = arith.constant 1 : i32
      %swap3A_864 = arith.index_cast %swap3A_863 : i32 to index
      %swap3A_865 = arith.constant 16 : index
      %swap3A_866 = tpu.vector_load %arg14[%swap3A_864, %swap3A_865] {strides = array<i32>} : memref<16x64xf32, #tpu.memory_space<vmem>>, vector<16xf32>,
      tpu.vector_store %arg14[%swap3A_864, %swap3A_865], %mul3A_862 {strides = array<i32>} : memref<16x64xf32, #tpu.memory_space<vmem>>, vector<16xf32>,
      %get3A_867 = arith.constant 1 : i32
      %get3A_868 = arith.index_cast %get3A_867 : i32 to index
      %get3A_869 = arith.constant 32 : index
      %get3A_870 = tpu.vector_load %arg14[%get3A_868, %get3A_869] {strides = array<i32>} : memref<16x64xf32, #tpu.memory_space<vmem>>, vector<16xf32>,
      %mul3A_871 = arith.mulf %get3A_870, %gather3A_848 : vector<16xf32>
      %swap3A_872 = arith.constant 1 : i32
      %swap3A_873 = arith.index_cast %swap3A_872 : i32 to index
      %swap3A_874 = arith.constant 32 : index
      %swap3A_875 = tpu.vector_load %arg14[%swap3A_873, %swap3A_874] {strides = array<i32>} : memref<16x64xf32, #tpu.memory_space<vmem>>, vector<16xf32>,
      tpu.vector_store %arg14[%swap3A_873, %swap3A_874], %mul3A_871 {strides = array<i32>} : memref<16x64xf32, #tpu.memory_space<vmem>>, vector<16xf32>,
      %get3A_876 = arith.constant 1 : i32
      %get3A_877 = arith.index_cast %get3A_876 : i32 to index
      %get3A_878 = arith.constant 48 : index
      %get3A_879 = tpu.vector_load %arg14[%get3A_877, %get3A_878] {strides = array<i32>} : memref<16x64xf32, #tpu.memory_space<vmem>>, vector<16xf32>,
      %mul3A_880 = arith.mulf %get3A_879, %gather3A_848 : vector<16xf32>
      %swap3A_881 = arith.constant 1 : i32
      %swap3A_882 = arith.index_cast %swap3A_881 : i32 to index
      %swap3A_883 = arith.constant 48 : index
      %swap3A_884 = tpu.vector_load %arg14[%swap3A_882, %swap3A_883] {strides = array<i32>} : memref<16x64xf32, #tpu.memory_space<vmem>>, vector<16xf32>,
      tpu.vector_store %arg14[%swap3A_882, %swap3A_883], %mul3A_880 {strides = array<i32>} : memref<16x64xf32, #tpu.memory_space<vmem>>, vector<16xf32>,
      %broadcast_in_dim3A_885 = arith.constant 2 : i32
      %broadcast_in_dim3A_886 = vector.broadcast %broadcast_in_dim3A_885 : i32 to vector<16xi32>
      %broadcast_in_dim3A_887 = vector.shape_cast %broadcast_in_dim3A_886 : vector<16xi32> to vector<16x1xi32>
      %gather3A_888 = vector.shape_cast %broadcast_in_dim3A_887 : vector<16x1xi32> to vector<16xi32>
      %gather3A_889 = tpu.dynamic_gather %exp3A_800[%gather3A_888] in [0] : vector<16xf32>, vector<16xi32> -> vector<16xf32>
      %get3A_890 = arith.constant 2 : i32
      %get3A_891 = arith.index_cast %get3A_890 : i32 to index
      %get3A_892 = arith.constant 0 : index
      %get3A_893 = tpu.vector_load %arg14[%get3A_891, %get3A_892] {strides = array<i32>} : memref<16x64xf32, #tpu.memory_space<vmem>>, vector<16xf32>,
      %mul3A_894 = arith.mulf %get3A_893, %gather3A_889 : vector<16xf32>
      %swap3A_895 = arith.constant 2 : i32
      %swap3A_896 = arith.index_cast %swap3A_895 : i32 to index
      %swap3A_897 = arith.constant 0 : index
      %swap3A_898 = tpu.vector_load %arg14[%swap3A_896, %swap3A_897] {strides = array<i32>} : memref<16x64xf32, #tpu.memory_space<vmem>>, vector<16xf32>,
      tpu.vector_store %arg14[%swap3A_896, %swap3A_897], %mul3A_894 {strides = array<i32>} : memref<16x64xf32, #tpu.memory_space<vmem>>, vector<16xf32>,
      %get3A_899 = arith.constant 2 : i32
      %get3A_900 = arith.index_cast %get3A_899 : i32 to index
      %get3A_901 = arith.constant 16 : index
      %get3A_902 = tpu.vector_load %arg14[%get3A_900, %get3A_901] {strides = array<i32>} : memref<16x64xf32, #tpu.memory_space<vmem>>, vector<16xf32>,
      %mul3A_903 = arith.mulf %get3A_902, %gather3A_889 : vector<16xf32>
      %swap3A_904 = arith.constant 2 : i32
      %swap3A_905 = arith.index_cast %swap3A_904 : i32 to index
      %swap3A_906 = arith.constant 16 : index
      %swap3A_907 = tpu.vector_load %arg14[%swap3A_905, %swap3A_906] {strides = array<i32>} : memref<16x64xf32, #tpu.memory_space<vmem>>, vector<16xf32>,
      tpu.vector_store %arg14[%swap3A_905, %swap3A_906], %mul3A_903 {strides = array<i32>} : memref<16x64xf32, #tpu.memory_space<vmem>>, vector<16xf32>,
      %get3A_908 = arith.constant 2 : i32
      %get3A_909 = arith.index_cast %get3A_908 : i32 to index
      %get3A_910 = arith.constant 32 : index
      %get3A_911 = tpu.vector_load %arg14[%get3A_909, %get3A_910] {strides = array<i32>} : memref<16x64xf32, #tpu.memory_space<vmem>>, vector<16xf32>,
      %mul3A_912 = arith.mulf %get3A_911, %gather3A_889 : vector<16xf32>
      %swap3A_913 = arith.constant 2 : i32
      %swap3A_914 = arith.index_cast %swap3A_913 : i32 to index
      %swap3A_915 = arith.constant 32 : index
      %swap3A_916 = tpu.vector_load %arg14[%swap3A_914, %swap3A_915] {strides = array<i32>} : memref<16x64xf32, #tpu.memory_space<vmem>>, vector<16xf32>,
      tpu.vector_store %arg14[%swap3A_914, %swap3A_915], %mul3A_912 {strides = array<i32>} : memref<16x64xf32, #tpu.memory_space<vmem>>, vector<16xf32>,
      %get3A_917 = arith.constant 2 : i32
      %get3A_918 = arith.index_cast %get3A_917 : i32 to index
      %get3A_919 = arith.constant 48 : index
      %get3A_920 = tpu.vector_load %arg14[%get3A_918, %get3A_919] {strides = array<i32>} : memref<16x64xf32, #tpu.memory_space<vmem>>, vector<16xf32>,
      %mul3A_921 = arith.mulf %get3A_920, %gather3A_889 : vector<16xf32>
      %swap3A_922 = arith.constant 2 : i32
      %swap3A_923 = arith.index_cast %swap3A_922 : i32 to index
      %swap3A_924 = arith.constant 48 : index
      %swap3A_925 = tpu.vector_load %arg14[%swap3A_923, %swap3A_924] {strides = array<i32>} : memref<16x64xf32, #tpu.memory_space<vmem>>, vector<16xf32>,
      tpu.vector_store %arg14[%swap3A_923, %swap3A_924], %mul3A_921 {strides = array<i32>} : memref<16x64xf32, #tpu.memory_space<vmem>>, vector<16xf32>,
      %broadcast_in_dim3A_926 = arith.constant 3 : i32
      %broadcast_in_dim3A_927 = vector.broadcast %broadcast_in_dim3A_926 : i32 to vector<16xi32>
      %broadcast_in_dim3A_928 = vector.shape_cast %broadcast_in_dim3A_927 : vector<16xi32> to vector<16x1xi32>
      %gather3A_929 = vector.shape_cast %broadcast_in_dim3A_928 : vector<16x1xi32> to vector<16xi32>
      %gather3A_930 = tpu.dynamic_gather %exp3A_800[%gather3A_929] in [0] : vector<16xf32>, vector<16xi32> -> vector<16xf32>
      %get3A_931 = arith.constant 3 : i32
      %get3A_932 = arith.index_cast %get3A_931 : i32 to index
      %get3A_933 = arith.constant 0 : index
      %get3A_934 = tpu.vector_load %arg14[%get3A_932, %get3A_933] {strides = array<i32>} : memref<16x64xf32, #tpu.memory_space<vmem>>, vector<16xf32>,
      %mul3A_935 = arith.mulf %get3A_934, %gather3A_930 : vector<16xf32>
      %swap3A_936 = arith.constant 3 : i32
      %swap3A_937 = arith.index_cast %swap3A_936 : i32 to index
      %swap3A_938 = arith.constant 0 : index
      %swap3A_939 = tpu.vector_load %arg14[%swap3A_937, %swap3A_938] {strides = array<i32>} : memref<16x64xf32, #tpu.memory_space<vmem>>, vector<16xf32>,
      tpu.vector_store %arg14[%swap3A_937, %swap3A_938], %mul3A_935 {strides = array<i32>} : memref<16x64xf32, #tpu.memory_space<vmem>>, vector<16xf32>,
      %get3A_940 = arith.constant 3 : i32
      %get3A_941 = arith.index_cast %get3A_940 : i32 to index
      %get3A_942 = arith.constant 16 : index
      %get3A_943 = tpu.vector_load %arg14[%get3A_941, %get3A_942] {strides = array<i32>} : memref<16x64xf32, #tpu.memory_space<vmem>>, vector<16xf32>,
      %mul3A_944 = arith.mulf %get3A_943, %gather3A_930 : vector<16xf32>
      %swap3A_945 = arith.constant 3 : i32
      %swap3A_946 = arith.index_cast %swap3A_945 : i32 to index
      %swap3A_947 = arith.constant 16 : index
      %swap3A_948 = tpu.vector_load %arg14[%swap3A_946, %swap3A_947] {strides = array<i32>} : memref<16x64xf32, #tpu.memory_space<vmem>>, vector<16xf32>,
      tpu.vector_store %arg14[%swap3A_946, %swap3A_947], %mul3A_944 {strides = array<i32>} : memref<16x64xf32, #tpu.memory_space<vmem>>, vector<16xf32>,
      %get3A_949 = arith.constant 3 : i32
      %get3A_950 = arith.index_cast %get3A_949 : i32 to index
      %get3A_951 = arith.constant 32 : index
      %get3A_952 = tpu.vector_load %arg14[%get3A_950, %get3A_951] {strides = array<i32>} : memref<16x64xf32, #tpu.memory_space<vmem>>, vector<16xf32>,
      %mul3A_953 = arith.mulf %get3A_952, %gather3A_930 : vector<16xf32>
      %swap3A_954 = arith.constant 3 : i32
      %swap3A_955 = arith.index_cast %swap3A_954 : i32 to index
      %swap3A_956 = arith.constant 32 : index
      %swap3A_957 = tpu.vector_load %arg14[%swap3A_955, %swap3A_956] {strides = array<i32>} : memref<16x64xf32, #tpu.memory_space<vmem>>, vector<16xf32>,
      tpu.vector_store %arg14[%swap3A_955, %swap3A_956], %mul3A_953 {strides = array<i32>} : memref<16x64xf32, #tpu.memory_space<vmem>>, vector<16xf32>,
      %get3A_958 = arith.constant 3 : i32
      %get3A_959 = arith.index_cast %get3A_958 : i32 to index
      %get3A_960 = arith.constant 48 : index
      %get3A_961 = tpu.vector_load %arg14[%get3A_959, %get3A_960] {strides = array<i32>} : memref<16x64xf32, #tpu.memory_space<vmem>>, vector<16xf32>,
      %mul3A_962 = arith.mulf %get3A_961, %gather3A_930 : vector<16xf32>
      %swap3A_963 = arith.constant 3 : i32
      %swap3A_964 = arith.index_cast %swap3A_963 : i32 to index
      %swap3A_965 = arith.constant 48 : index
      %swap3A_966 = tpu.vector_load %arg14[%swap3A_964, %swap3A_965] {strides = array<i32>} : memref<16x64xf32, #tpu.memory_space<vmem>>, vector<16xf32>,
      tpu.vector_store %arg14[%swap3A_964, %swap3A_965], %mul3A_962 {strides = array<i32>} : memref<16x64xf32, #tpu.memory_space<vmem>>, vector<16xf32>,
      %broadcast_in_dim3A_967 = arith.constant 4 : i32
      %broadcast_in_dim3A_968 = vector.broadcast %broadcast_in_dim3A_967 : i32 to vector<16xi32>
      %broadcast_in_dim3A_969 = vector.shape_cast %broadcast_in_dim3A_968 : vector<16xi32> to vector<16x1xi32>
      %gather3A_970 = vector.shape_cast %broadcast_in_dim3A_969 : vector<16x1xi32> to vector<16xi32>
      %gather3A_971 = tpu.dynamic_gather %exp3A_800[%gather3A_970] in [0] : vector<16xf32>, vector<16xi32> -> vector<16xf32>
      %get3A_972 = arith.constant 4 : i32
      %get3A_973 = arith.index_cast %get3A_972 : i32 to index
      %get3A_974 = arith.constant 0 : index
      %get3A_975 = tpu.vector_load %arg14[%get3A_973, %get3A_974] {strides = array<i32>} : memref<16x64xf32, #tpu.memory_space<vmem>>, vector<16xf32>,
      %mul3A_976 = arith.mulf %get3A_975, %gather3A_971 : vector<16xf32>
      %swap3A_977 = arith.constant 4 : i32
      %swap3A_978 = arith.index_cast %swap3A_977 : i32 to index
      %swap3A_979 = arith.constant 0 : index
      %swap3A_980 = tpu.vector_load %arg14[%swap3A_978, %swap3A_979] {strides = array<i32>} : memref<16x64xf32, #tpu.memory_space<vmem>>, vector<16xf32>,
      tpu.vector_store %arg14[%swap3A_978, %swap3A_979], %mul3A_976 {strides = array<i32>} : memref<16x64xf32, #tpu.memory_space<vmem>>, vector<16xf32>,
      %get3A_981 = arith.constant 4 : i32
      %get3A_982 = arith.index_cast %get3A_981 : i32 to index
      %get3A_983 = arith.constant 16 : index
      %get3A_984 = tpu.vector_load %arg14[%get3A_982, %get3A_983] {strides = array<i32>} : memref<16x64xf32, #tpu.memory_space<vmem>>, vector<16xf32>,
      %mul3A_985 = arith.mulf %get3A_984, %gather3A_971 : vector<16xf32>
      %swap3A_986 = arith.constant 4 : i32
      %swap3A_987 = arith.index_cast %swap3A_986 : i32 to index
      %swap3A_988 = arith.constant 16 : index
      %swap3A_989 = tpu.vector_load %arg14[%swap3A_987, %swap3A_988] {strides = array<i32>} : memref<16x64xf32, #tpu.memory_space<vmem>>, vector<16xf32>,
      tpu.vector_store %arg14[%swap3A_987, %swap3A_988], %mul3A_985 {strides = array<i32>} : memref<16x64xf32, #tpu.memory_space<vmem>>, vector<16xf32>,
      %get3A_990 = arith.constant 4 : i32
      %get3A_991 = arith.index_cast %get3A_990 : i32 to index
      %get3A_992 = arith.constant 32 : index
      %get3A_993 = tpu.vector_load %arg14[%get3A_991, %get3A_992] {strides = array<i32>} : memref<16x64xf32, #tpu.memory_space<vmem>>, vector<16xf32>,
      %mul3A_994 = arith.mulf %get3A_993, %gather3A_971 : vector<16xf32>
      %swap3A_995 = arith.constant 4 : i32
      %swap3A_996 = arith.index_cast %swap3A_995 : i32 to index
      %swap3A_997 = arith.constant 32 : index
      %swap3A_998 = tpu.vector_load %arg14[%swap3A_996, %swap3A_997] {strides = array<i32>} : memref<16x64xf32, #tpu.memory_space<vmem>>, vector<16xf32>,
      tpu.vector_store %arg14[%swap3A_996, %swap3A_997], %mul3A_994 {strides = array<i32>} : memref<16x64xf32, #tpu.memory_space<vmem>>, vector<16xf32>,
      %get3A_999 = arith.constant 4 : i32
      %get3A_1000 = arith.index_cast %get3A_999 : i32 to index
      %get3A_1001 = arith.constant 48 : index
      %get3A_1002 = tpu.vector_load %arg14[%get3A_1000, %get3A_1001] {strides = array<i32>} : memref<16x64xf32, #tpu.memory_space<vmem>>, vector<16xf32>,
      %mul3A_1003 = arith.mulf %get3A_1002, %gather3A_971 : vector<16xf32>
      %swap3A_1004 = arith.constant 4 : i32
      %swap3A_1005 = arith.index_cast %swap3A_1004 : i32 to index
      %swap3A_1006 = arith.constant 48 : index
      %swap3A_1007 = tpu.vector_load %arg14[%swap3A_1005, %swap3A_1006] {strides = array<i32>} : memref<16x64xf32, #tpu.memory_space<vmem>>, vector<16xf32>,
      tpu.vector_store %arg14[%swap3A_1005, %swap3A_1006], %mul3A_1003 {strides = array<i32>} : memref<16x64xf32, #tpu.memory_space<vmem>>, vector<16xf32>,
      %broadcast_in_dim3A_1008 = arith.constant 5 : i32
      %broadcast_in_dim3A_1009 = vector.broadcast %broadcast_in_dim3A_1008 : i32 to vector<16xi32>
      %broadcast_in_dim3A_1010 = vector.shape_cast %broadcast_in_dim3A_1009 : vector<16xi32> to vector<16x1xi32>
      %gather3A_1011 = vector.shape_cast %broadcast_in_dim3A_1010 : vector<16x1xi32> to vector<16xi32>
      %gather3A_1012 = tpu.dynamic_gather %exp3A_800[%gather3A_1011] in [0] : vector<16xf32>, vector<16xi32> -> vector<16xf32>
      %get3A_1013 = arith.constant 5 : i32
      %get3A_1014 = arith.index_cast %get3A_1013 : i32 to index
      %get3A_1015 = arith.constant 0 : index
      %get3A_1016 = tpu.vector_load %arg14[%get3A_1014, %get3A_1015] {strides = array<i32>} : memref<16x64xf32, #tpu.memory_space<vmem>>, vector<16xf32>,
      %mul3A_1017 = arith.mulf %get3A_1016, %gather3A_1012 : vector<16xf32>
      %swap3A_1018 = arith.constant 5 : i32
      %swap3A_1019 = arith.index_cast %swap3A_1018 : i32 to index
      %swap3A_1020 = arith.constant 0 : index
      %swap3A_1021 = tpu.vector_load %arg14[%swap3A_1019, %swap3A_1020] {strides = array<i32>} : memref<16x64xf32, #tpu.memory_space<vmem>>, vector<16xf32>,
      tpu.vector_store %arg14[%swap3A_1019, %swap3A_1020], %mul3A_1017 {strides = array<i32>} : memref<16x64xf32, #tpu.memory_space<vmem>>, vector<16xf32>,
      %get3A_1022 = arith.constant 5 : i32
      %get3A_1023 = arith.index_cast %get3A_1022 : i32 to index
      %get3A_1024 = arith.constant 16 : index
      %get3A_1025 = tpu.vector_load %arg14[%get3A_1023, %get3A_1024] {strides = array<i32>} : memref<16x64xf32, #tpu.memory_space<vmem>>, vector<16xf32>,
      %mul3A_1026 = arith.mulf %get3A_1025, %gather3A_1012 : vector<16xf32>
      %swap3A_1027 = arith.constant 5 : i32
      %swap3A_1028 = arith.index_cast %swap3A_1027 : i32 to index
      %swap3A_1029 = arith.constant 16 : index
      %swap3A_1030 = tpu.vector_load %arg14[%swap3A_1028, %swap3A_1029] {strides = array<i32>} : memref<16x64xf32, #tpu.memory_space<vmem>>, vector<16xf32>,
      tpu.vector_store %arg14[%swap3A_1028, %swap3A_1029], %mul3A_1026 {strides = array<i32>} : memref<16x64xf32, #tpu.memory_space<vmem>>, vector<16xf32>,
      %get3A_1031 = arith.constant 5 : i32
      %get3A_1032 = arith.index_cast %get3A_1031 : i32 to index
      %get3A_1033 = arith.constant 32 : index
      %get3A_1034 = tpu.vector_load %arg14[%get3A_1032, %get3A_1033] {strides = array<i32>} : memref<16x64xf32, #tpu.memory_space<vmem>>, vector<16xf32>,
      %mul3A_1035 = arith.mulf %get3A_1034, %gather3A_1012 : vector<16xf32>
      %swap3A_1036 = arith.constant 5 : i32
      %swap3A_1037 = arith.index_cast %swap3A_1036 : i32 to index
      %swap3A_1038 = arith.constant 32 : index
      %swap3A_1039 = tpu.vector_load %arg14[%swap3A_1037, %swap3A_1038] {strides = array<i32>} : memref<16x64xf32, #tpu.memory_space<vmem>>, vector<16xf32>,
      tpu.vector_store %arg14[%swap3A_1037, %swap3A_1038], %mul3A_1035 {strides = array<i32>} : memref<16x64xf32, #tpu.memory_space<vmem>>, vector<16xf32>,
      %get3A_1040 = arith.constant 5 : i32
      %get3A_1041 = arith.index_cast %get3A_1040 : i32 to index
      %get3A_1042 = arith.constant 48 : index
      %get3A_1043 = tpu.vector_load %arg14[%get3A_1041, %get3A_1042] {strides = array<i32>} : memref<16x64xf32, #tpu.memory_space<vmem>>, vector<16xf32>,
      %mul3A_1044 = arith.mulf %get3A_1043, %gather3A_1012 : vector<16xf32>
      %swap3A_1045 = arith.constant 5 : i32
      %swap3A_1046 = arith.index_cast %swap3A_1045 : i32 to index
      %swap3A_1047 = arith.constant 48 : index
      %swap3A_1048 = tpu.vector_load %arg14[%swap3A_1046, %swap3A_1047] {strides = array<i32>} : memref<16x64xf32, #tpu.memory_space<vmem>>, vector<16xf32>,
      tpu.vector_store %arg14[%swap3A_1046, %swap3A_1047], %mul3A_1044 {strides = array<i32>} : memref<16x64xf32, #tpu.memory_space<vmem>>, vector<16xf32>,
      %broadcast_in_dim3A_1049 = arith.constant 6 : i32
      %broadcast_in_dim3A_1050 = vector.broadcast %broadcast_in_dim3A_1049 : i32 to vector<16xi32>
      %broadcast_in_dim3A_1051 = vector.shape_cast %broadcast_in_dim3A_1050 : vector<16xi32> to vector<16x1xi32>
      %gather3A_1052 = vector.shape_cast %broadcast_in_dim3A_1051 : vector<16x1xi32> to vector<16xi32>
      %gather3A_1053 = tpu.dynamic_gather %exp3A_800[%gather3A_1052] in [0] : vector<16xf32>, vector<16xi32> -> vector<16xf32>
      %get3A_1054 = arith.constant 6 : i32
      %get3A_1055 = arith.index_cast %get3A_1054 : i32 to index
      %get3A_1056 = arith.constant 0 : index
      %get3A_1057 = tpu.vector_load %arg14[%get3A_1055, %get3A_1056] {strides = array<i32>} : memref<16x64xf32, #tpu.memory_space<vmem>>, vector<16xf32>,
      %mul3A_1058 = arith.mulf %get3A_1057, %gather3A_1053 : vector<16xf32>
      %swap3A_1059 = arith.constant 6 : i32
      %swap3A_1060 = arith.index_cast %swap3A_1059 : i32 to index
      %swap3A_1061 = arith.constant 0 : index
      %swap3A_1062 = tpu.vector_load %arg14[%swap3A_1060, %swap3A_1061] {strides = array<i32>} : memref<16x64xf32, #tpu.memory_space<vmem>>, vector<16xf32>,
      tpu.vector_store %arg14[%swap3A_1060, %swap3A_1061], %mul3A_1058 {strides = array<i32>} : memref<16x64xf32, #tpu.memory_space<vmem>>, vector<16xf32>,
      %get3A_1063 = arith.constant 6 : i32
      %get3A_1064 = arith.index_cast %get3A_1063 : i32 to index
      %get3A_1065 = arith.constant 16 : index
      %get3A_1066 = tpu.vector_load %arg14[%get3A_1064, %get3A_1065] {strides = array<i32>} : memref<16x64xf32, #tpu.memory_space<vmem>>, vector<16xf32>,
      %mul3A_1067 = arith.mulf %get3A_1066, %gather3A_1053 : vector<16xf32>
      %swap3A_1068 = arith.constant 6 : i32
      %swap3A_1069 = arith.index_cast %swap3A_1068 : i32 to index
      %swap3A_1070 = arith.constant 16 : index
      %swap3A_1071 = tpu.vector_load %arg14[%swap3A_1069, %swap3A_1070] {strides = array<i32>} : memref<16x64xf32, #tpu.memory_space<vmem>>, vector<16xf32>,
      tpu.vector_store %arg14[%swap3A_1069, %swap3A_1070], %mul3A_1067 {strides = array<i32>} : memref<16x64xf32, #tpu.memory_space<vmem>>, vector<16xf32>,
      %get3A_1072 = arith.constant 6 : i32
      %get3A_1073 = arith.index_cast %get3A_1072 : i32 to index
      %get3A_1074 = arith.constant 32 : index
      %get3A_1075 = tpu.vector_load %arg14[%get3A_1073, %get3A_1074] {strides = array<i32>} : memref<16x64xf32, #tpu.memory_space<vmem>>, vector<16xf32>,
      %mul3A_1076 = arith.mulf %get3A_1075, %gather3A_1053 : vector<16xf32>
      %swap3A_1077 = arith.constant 6 : i32
      %swap3A_1078 = arith.index_cast %swap3A_1077 : i32 to index
      %swap3A_1079 = arith.constant 32 : index
      %swap3A_1080 = tpu.vector_load %arg14[%swap3A_1078, %swap3A_1079] {strides = array<i32>} : memref<16x64xf32, #tpu.memory_space<vmem>>, vector<16xf32>,
      tpu.vector_store %arg14[%swap3A_1078, %swap3A_1079], %mul3A_1076 {strides = array<i32>} : memref<16x64xf32, #tpu.memory_space<vmem>>, vector<16xf32>,
      %get3A_1081 = arith.constant 6 : i32
      %get3A_1082 = arith.index_cast %get3A_1081 : i32 to index
      %get3A_1083 = arith.constant 48 : index
      %get3A_1084 = tpu.vector_load %arg14[%get3A_1082, %get3A_1083] {strides = array<i32>} : memref<16x64xf32, #tpu.memory_space<vmem>>, vector<16xf32>,
      %mul3A_1085 = arith.mulf %get3A_1084, %gather3A_1053 : vector<16xf32>
      %swap3A_1086 = arith.constant 6 : i32
      %swap3A_1087 = arith.index_cast %swap3A_1086 : i32 to index
      %swap3A_1088 = arith.constant 48 : index
      %swap3A_1089 = tpu.vector_load %arg14[%swap3A_1087, %swap3A_1088] {strides = array<i32>} : memref<16x64xf32, #tpu.memory_space<vmem>>, vector<16xf32>,
      tpu.vector_store %arg14[%swap3A_1087, %swap3A_1088], %mul3A_1085 {strides = array<i32>} : memref<16x64xf32, #tpu.memory_space<vmem>>, vector<16xf32>,
      %broadcast_in_dim3A_1090 = arith.constant 7 : i32
      %broadcast_in_dim3A_1091 = vector.broadcast %broadcast_in_dim3A_1090 : i32 to vector<16xi32>
      %broadcast_in_dim3A_1092 = vector.shape_cast %broadcast_in_dim3A_1091 : vector<16xi32> to vector<16x1xi32>
      %gather3A_1093 = vector.shape_cast %broadcast_in_dim3A_1092 : vector<16x1xi32> to vector<16xi32>
      %gather3A_1094 = tpu.dynamic_gather %exp3A_800[%gather3A_1093] in [0] : vector<16xf32>, vector<16xi32> -> vector<16xf32>
      %get3A_1095 = arith.constant 7 : i32
      %get3A_1096 = arith.index_cast %get3A_1095 : i32 to index
      %get3A_1097 = arith.constant 0 : index
      %get3A_1098 = tpu.vector_load %arg14[%get3A_1096, %get3A_1097] {strides = array<i32>} : memref<16x64xf32, #tpu.memory_space<vmem>>, vector<16xf32>,
      %mul3A_1099 = arith.mulf %get3A_1098, %gather3A_1094 : vector<16xf32>
      %swap3A_1100 = arith.constant 7 : i32
      %swap3A_1101 = arith.index_cast %swap3A_1100 : i32 to index
      %swap3A_1102 = arith.constant 0 : index
      %swap3A_1103 = tpu.vector_load %arg14[%swap3A_1101, %swap3A_1102] {strides = array<i32>} : memref<16x64xf32, #tpu.memory_space<vmem>>, vector<16xf32>,
      tpu.vector_store %arg14[%swap3A_1101, %swap3A_1102], %mul3A_1099 {strides = array<i32>} : memref<16x64xf32, #tpu.memory_space<vmem>>, vector<16xf32>,
      %get3A_1104 = arith.constant 7 : i32
      %get3A_1105 = arith.index_cast %get3A_1104 : i32 to index
      %get3A_1106 = arith.constant 16 : index
      %get3A_1107 = tpu.vector_load %arg14[%get3A_1105, %get3A_1106] {strides = array<i32>} : memref<16x64xf32, #tpu.memory_space<vmem>>, vector<16xf32>,
      %mul3A_1108 = arith.mulf %get3A_1107, %gather3A_1094 : vector<16xf32>
      %swap3A_1109 = arith.constant 7 : i32
      %swap3A_1110 = arith.index_cast %swap3A_1109 : i32 to index
      %swap3A_1111 = arith.constant 16 : index
      %swap3A_1112 = tpu.vector_load %arg14[%swap3A_1110, %swap3A_1111] {strides = array<i32>} : memref<16x64xf32, #tpu.memory_space<vmem>>, vector<16xf32>,
      tpu.vector_store %arg14[%swap3A_1110, %swap3A_1111], %mul3A_1108 {strides = array<i32>} : memref<16x64xf32, #tpu.memory_space<vmem>>, vector<16xf32>,
      %get3A_1113 = arith.constant 7 : i32
      %get3A_1114 = arith.index_cast %get3A_1113 : i32 to index
      %get3A_1115 = arith.constant 32 : index
      %get3A_1116 = tpu.vector_load %arg14[%get3A_1114, %get3A_1115] {strides = array<i32>} : memref<16x64xf32, #tpu.memory_space<vmem>>, vector<16xf32>,
      %mul3A_1117 = arith.mulf %get3A_1116, %gather3A_1094 : vector<16xf32>
      %swap3A_1118 = arith.constant 7 : i32
      %swap3A_1119 = arith.index_cast %swap3A_1118 : i32 to index
      %swap3A_1120 = arith.constant 32 : index
      %swap3A_1121 = tpu.vector_load %arg14[%swap3A_1119, %swap3A_1120] {strides = array<i32>} : memref<16x64xf32, #tpu.memory_space<vmem>>, vector<16xf32>,
      tpu.vector_store %arg14[%swap3A_1119, %swap3A_1120], %mul3A_1117 {strides = array<i32>} : memref<16x64xf32, #tpu.memory_space<vmem>>, vector<16xf32>,
      %get3A_1122 = arith.constant 7 : i32
      %get3A_1123 = arith.index_cast %get3A_1122 : i32 to index
      %get3A_1124 = arith.constant 48 : index
      %get3A_1125 = tpu.vector_load %arg14[%get3A_1123, %get3A_1124] {strides = array<i32>} : memref<16x64xf32, #tpu.memory_space<vmem>>, vector<16xf32>,
      %mul3A_1126 = arith.mulf %get3A_1125, %gather3A_1094 : vector<16xf32>
      %swap3A_1127 = arith.constant 7 : i32
      %swap3A_1128 = arith.index_cast %swap3A_1127 : i32 to index
      %swap3A_1129 = arith.constant 48 : index
      %swap3A_1130 = tpu.vector_load %arg14[%swap3A_1128, %swap3A_1129] {strides = array<i32>} : memref<16x64xf32, #tpu.memory_space<vmem>>, vector<16xf32>,
      tpu.vector_store %arg14[%swap3A_1128, %swap3A_1129], %mul3A_1126 {strides = array<i32>} : memref<16x64xf32, #tpu.memory_space<vmem>>, vector<16xf32>,
      %broadcast_in_dim3A_1131 = arith.constant 8 : i32
      %broadcast_in_dim3A_1132 = vector.broadcast %broadcast_in_dim3A_1131 : i32 to vector<16xi32>
      %broadcast_in_dim3A_1133 = vector.shape_cast %broadcast_in_dim3A_1132 : vector<16xi32> to vector<16x1xi32>
      %gather3A_1134 = vector.shape_cast %broadcast_in_dim3A_1133 : vector<16x1xi32> to vector<16xi32>
      %gather3A_1135 = tpu.dynamic_gather %exp3A_800[%gather3A_1134] in [0] : vector<16xf32>, vector<16xi32> -> vector<16xf32>
      %get3A_1136 = arith.constant 8 : i32
      %get3A_1137 = arith.index_cast %get3A_1136 : i32 to index
      %get3A_1138 = arith.constant 0 : index
      %get3A_1139 = tpu.vector_load %arg14[%get3A_1137, %get3A_1138] {strides = array<i32>} : memref<16x64xf32, #tpu.memory_space<vmem>>, vector<16xf32>,
      %mul3A_1140 = arith.mulf %get3A_1139, %gather3A_1135 : vector<16xf32>
      %swap3A_1141 = arith.constant 8 : i32
      %swap3A_1142 = arith.index_cast %swap3A_1141 : i32 to index
      %swap3A_1143 = arith.constant 0 : index
      %swap3A_1144 = tpu.vector_load %arg14[%swap3A_1142, %swap3A_1143] {strides = array<i32>} : memref<16x64xf32, #tpu.memory_space<vmem>>, vector<16xf32>,
      tpu.vector_store %arg14[%swap3A_1142, %swap3A_1143], %mul3A_1140 {strides = array<i32>} : memref<16x64xf32, #tpu.memory_space<vmem>>, vector<16xf32>,
      %get3A_1145 = arith.constant 8 : i32
      %get3A_1146 = arith.index_cast %get3A_1145 : i32 to index
      %get3A_1147 = arith.constant 16 : index
      %get3A_1148 = tpu.vector_load %arg14[%get3A_1146, %get3A_1147] {strides = array<i32>} : memref<16x64xf32, #tpu.memory_space<vmem>>, vector<16xf32>,
      %mul3A_1149 = arith.mulf %get3A_1148, %gather3A_1135 : vector<16xf32>
      %swap3A_1150 = arith.constant 8 : i32
      %swap3A_1151 = arith.index_cast %swap3A_1150 : i32 to index
      %swap3A_1152 = arith.constant 16 : index
      %swap3A_1153 = tpu.vector_load %arg14[%swap3A_1151, %swap3A_1152] {strides = array<i32>} : memref<16x64xf32, #tpu.memory_space<vmem>>, vector<16xf32>,
      tpu.vector_store %arg14[%swap3A_1151, %swap3A_1152], %mul3A_1149 {strides = array<i32>} : memref<16x64xf32, #tpu.memory_space<vmem>>, vector<16xf32>,
      %get3A_1154 = arith.constant 8 : i32
      %get3A_1155 = arith.index_cast %get3A_1154 : i32 to index
      %get3A_1156 = arith.constant 32 : index
      %get3A_1157 = tpu.vector_load %arg14[%get3A_1155, %get3A_1156] {strides = array<i32>} : memref<16x64xf32, #tpu.memory_space<vmem>>, vector<16xf32>,
      %mul3A_1158 = arith.mulf %get3A_1157, %gather3A_1135 : vector<16xf32>
      %swap3A_1159 = arith.constant 8 : i32
      %swap3A_1160 = arith.index_cast %swap3A_1159 : i32 to index
      %swap3A_1161 = arith.constant 32 : index
      %swap3A_1162 = tpu.vector_load %arg14[%swap3A_1160, %swap3A_1161] {strides = array<i32>} : memref<16x64xf32, #tpu.memory_space<vmem>>, vector<16xf32>,
      tpu.vector_store %arg14[%swap3A_1160, %swap3A_1161], %mul3A_1158 {strides = array<i32>} : memref<16x64xf32, #tpu.memory_space<vmem>>, vector<16xf32>,
      %get3A_1163 = arith.constant 8 : i32
      %get3A_1164 = arith.index_cast %get3A_1163 : i32 to index
      %get3A_1165 = arith.constant 48 : index
      %get3A_1166 = tpu.vector_load %arg14[%get3A_1164, %get3A_1165] {strides = array<i32>} : memref<16x64xf32, #tpu.memory_space<vmem>>, vector<16xf32>,
      %mul3A_1167 = arith.mulf %get3A_1166, %gather3A_1135 : vector<16xf32>
      %swap3A_1168 = arith.constant 8 : i32
      %swap3A_1169 = arith.index_cast %swap3A_1168 : i32 to index
      %swap3A_1170 = arith.constant 48 : index
      %swap3A_1171 = tpu.vector_load %arg14[%swap3A_1169, %swap3A_1170] {strides = array<i32>} : memref<16x64xf32, #tpu.memory_space<vmem>>, vector<16xf32>,
      tpu.vector_store %arg14[%swap3A_1169, %swap3A_1170], %mul3A_1167 {strides = array<i32>} : memref<16x64xf32, #tpu.memory_space<vmem>>, vector<16xf32>,
      %broadcast_in_dim3A_1172 = arith.constant 9 : i32
      %broadcast_in_dim3A_1173 = vector.broadcast %broadcast_in_dim3A_1172 : i32 to vector<16xi32>
      %broadcast_in_dim3A_1174 = vector.shape_cast %broadcast_in_dim3A_1173 : vector<16xi32> to vector<16x1xi32>
      %gather3A_1175 = vector.shape_cast %broadcast_in_dim3A_1174 : vector<16x1xi32> to vector<16xi32>
      %gather3A_1176 = tpu.dynamic_gather %exp3A_800[%gather3A_1175] in [0] : vector<16xf32>, vector<16xi32> -> vector<16xf32>
      %get3A_1177 = arith.constant 9 : i32
      %get3A_1178 = arith.index_cast %get3A_1177 : i32 to index
      %get3A_1179 = arith.constant 0 : index
      %get3A_1180 = tpu.vector_load %arg14[%get3A_1178, %get3A_1179] {strides = array<i32>} : memref<16x64xf32, #tpu.memory_space<vmem>>, vector<16xf32>,
      %mul3A_1181 = arith.mulf %get3A_1180, %gather3A_1176 : vector<16xf32>
      %swap3A_1182 = arith.constant 9 : i32
      %swap3A_1183 = arith.index_cast %swap3A_1182 : i32 to index
      %swap3A_1184 = arith.constant 0 : index
      %swap3A_1185 = tpu.vector_load %arg14[%swap3A_1183, %swap3A_1184] {strides = array<i32>} : memref<16x64xf32, #tpu.memory_space<vmem>>, vector<16xf32>,
      tpu.vector_store %arg14[%swap3A_1183, %swap3A_1184], %mul3A_1181 {strides = array<i32>} : memref<16x64xf32, #tpu.memory_space<vmem>>, vector<16xf32>,
      %get3A_1186 = arith.constant 9 : i32
      %get3A_1187 = arith.index_cast %get3A_1186 : i32 to index
      %get3A_1188 = arith.constant 16 : index
      %get3A_1189 = tpu.vector_load %arg14[%get3A_1187, %get3A_1188] {strides = array<i32>} : memref<16x64xf32, #tpu.memory_space<vmem>>, vector<16xf32>,
      %mul3A_1190 = arith.mulf %get3A_1189, %gather3A_1176 : vector<16xf32>
      %swap3A_1191 = arith.constant 9 : i32
      %swap3A_1192 = arith.index_cast %swap3A_1191 : i32 to index
      %swap3A_1193 = arith.constant 16 : index
      %swap3A_1194 = tpu.vector_load %arg14[%swap3A_1192, %swap3A_1193] {strides = array<i32>} : memref<16x64xf32, #tpu.memory_space<vmem>>, vector<16xf32>,
      tpu.vector_store %arg14[%swap3A_1192, %swap3A_1193], %mul3A_1190 {strides = array<i32>} : memref<16x64xf32, #tpu.memory_space<vmem>>, vector<16xf32>,
      %get3A_1195 = arith.constant 9 : i32
      %get3A_1196 = arith.index_cast %get3A_1195 : i32 to index
      %get3A_1197 = arith.constant 32 : index
      %get3A_1198 = tpu.vector_load %arg14[%get3A_1196, %get3A_1197] {strides = array<i32>} : memref<16x64xf32, #tpu.memory_space<vmem>>, vector<16xf32>,
      %mul3A_1199 = arith.mulf %get3A_1198, %gather3A_1176 : vector<16xf32>
      %swap3A_1200 = arith.constant 9 : i32
      %swap3A_1201 = arith.index_cast %swap3A_1200 : i32 to index
      %swap3A_1202 = arith.constant 32 : index
      %swap3A_1203 = tpu.vector_load %arg14[%swap3A_1201, %swap3A_1202] {strides = array<i32>} : memref<16x64xf32, #tpu.memory_space<vmem>>, vector<16xf32>,
      tpu.vector_store %arg14[%swap3A_1201, %swap3A_1202], %mul3A_1199 {strides = array<i32>} : memref<16x64xf32, #tpu.memory_space<vmem>>, vector<16xf32>,
      %get3A_1204 = arith.constant 9 : i32
      %get3A_1205 = arith.index_cast %get3A_1204 : i32 to index
      %get3A_1206 = arith.constant 48 : index
      %get3A_1207 = tpu.vector_load %arg14[%get3A_1205, %get3A_1206] {strides = array<i32>} : memref<16x64xf32, #tpu.memory_space<vmem>>, vector<16xf32>,
      %mul3A_1208 = arith.mulf %get3A_1207, %gather3A_1176 : vector<16xf32>
      %swap3A_1209 = arith.constant 9 : i32
      %swap3A_1210 = arith.index_cast %swap3A_1209 : i32 to index
      %swap3A_1211 = arith.constant 48 : index
      %swap3A_1212 = tpu.vector_load %arg14[%swap3A_1210, %swap3A_1211] {strides = array<i32>} : memref<16x64xf32, #tpu.memory_space<vmem>>, vector<16xf32>,
      tpu.vector_store %arg14[%swap3A_1210, %swap3A_1211], %mul3A_1208 {strides = array<i32>} : memref<16x64xf32, #tpu.memory_space<vmem>>, vector<16xf32>,
      %broadcast_in_dim3A_1213 = arith.constant 10 : i32
      %broadcast_in_dim3A_1214 = vector.broadcast %broadcast_in_dim3A_1213 : i32 to vector<16xi32>
      %broadcast_in_dim3A_1215 = vector.shape_cast %broadcast_in_dim3A_1214 : vector<16xi32> to vector<16x1xi32>
      %gather3A_1216 = vector.shape_cast %broadcast_in_dim3A_1215 : vector<16x1xi32> to vector<16xi32>
      %gather3A_1217 = tpu.dynamic_gather %exp3A_800[%gather3A_1216] in [0] : vector<16xf32>, vector<16xi32> -> vector<16xf32>
      %get3A_1218 = arith.constant 10 : i32
      %get3A_1219 = arith.index_cast %get3A_1218 : i32 to index
      %get3A_1220 = arith.constant 0 : index
      %get3A_1221 = tpu.vector_load %arg14[%get3A_1219, %get3A_1220] {strides = array<i32>} : memref<16x64xf32, #tpu.memory_space<vmem>>, vector<16xf32>,
      %mul3A_1222 = arith.mulf %get3A_1221, %gather3A_1217 : vector<16xf32>
      %swap3A_1223 = arith.constant 10 : i32
      %swap3A_1224 = arith.index_cast %swap3A_1223 : i32 to index
      %swap3A_1225 = arith.constant 0 : index
      %swap3A_1226 = tpu.vector_load %arg14[%swap3A_1224, %swap3A_1225] {strides = array<i32>} : memref<16x64xf32, #tpu.memory_space<vmem>>, vector<16xf32>,
      tpu.vector_store %arg14[%swap3A_1224, %swap3A_1225], %mul3A_1222 {strides = array<i32>} : memref<16x64xf32, #tpu.memory_space<vmem>>, vector<16xf32>,
      %get3A_1227 = arith.constant 10 : i32
      %get3A_1228 = arith.index_cast %get3A_1227 : i32 to index
      %get3A_1229 = arith.constant 16 : index
      %get3A_1230 = tpu.vector_load %arg14[%get3A_1228, %get3A_1229] {strides = array<i32>} : memref<16x64xf32, #tpu.memory_space<vmem>>, vector<16xf32>,
      %mul3A_1231 = arith.mulf %get3A_1230, %gather3A_1217 : vector<16xf32>
      %swap3A_1232 = arith.constant 10 : i32
      %swap3A_1233 = arith.index_cast %swap3A_1232 : i32 to index
      %swap3A_1234 = arith.constant 16 : index
      %swap3A_1235 = tpu.vector_load %arg14[%swap3A_1233, %swap3A_1234] {strides = array<i32>} : memref<16x64xf32, #tpu.memory_space<vmem>>, vector<16xf32>,
      tpu.vector_store %arg14[%swap3A_1233, %swap3A_1234], %mul3A_1231 {strides = array<i32>} : memref<16x64xf32, #tpu.memory_space<vmem>>, vector<16xf32>,
      %get3A_1236 = arith.constant 10 : i32
      %get3A_1237 = arith.index_cast %get3A_1236 : i32 to index
      %get3A_1238 = arith.constant 32 : index
      %get3A_1239 = tpu.vector_load %arg14[%get3A_1237, %get3A_1238] {strides = array<i32>} : memref<16x64xf32, #tpu.memory_space<vmem>>, vector<16xf32>,
      %mul3A_1240 = arith.mulf %get3A_1239, %gather3A_1217 : vector<16xf32>
      %swap3A_1241 = arith.constant 10 : i32
      %swap3A_1242 = arith.index_cast %swap3A_1241 : i32 to index
      %swap3A_1243 = arith.constant 32 : index
      %swap3A_1244 = tpu.vector_load %arg14[%swap3A_1242, %swap3A_1243] {strides = array<i32>} : memref<16x64xf32, #tpu.memory_space<vmem>>, vector<16xf32>,
      tpu.vector_store %arg14[%swap3A_1242, %swap3A_1243], %mul3A_1240 {strides = array<i32>} : memref<16x64xf32, #tpu.memory_space<vmem>>, vector<16xf32>,
      %get3A_1245 = arith.constant 10 : i32
      %get3A_1246 = arith.index_cast %get3A_1245 : i32 to index
      %get3A_1247 = arith.constant 48 : index
      %get3A_1248 = tpu.vector_load %arg14[%get3A_1246, %get3A_1247] {strides = array<i32>} : memref<16x64xf32, #tpu.memory_space<vmem>>, vector<16xf32>,
      %mul3A_1249 = arith.mulf %get3A_1248, %gather3A_1217 : vector<16xf32>
      %swap3A_1250 = arith.constant 10 : i32
      %swap3A_1251 = arith.index_cast %swap3A_1250 : i32 to index
      %swap3A_1252 = arith.constant 48 : index
      %swap3A_1253 = tpu.vector_load %arg14[%swap3A_1251, %swap3A_1252] {strides = array<i32>} : memref<16x64xf32, #tpu.memory_space<vmem>>, vector<16xf32>,
      tpu.vector_store %arg14[%swap3A_1251, %swap3A_1252], %mul3A_1249 {strides = array<i32>} : memref<16x64xf32, #tpu.memory_space<vmem>>, vector<16xf32>,
      %broadcast_in_dim3A_1254 = arith.constant 11 : i32
      %broadcast_in_dim3A_1255 = vector.broadcast %broadcast_in_dim3A_1254 : i32 to vector<16xi32>
      %broadcast_in_dim3A_1256 = vector.shape_cast %broadcast_in_dim3A_1255 : vector<16xi32> to vector<16x1xi32>
      %gather3A_1257 = vector.shape_cast %broadcast_in_dim3A_1256 : vector<16x1xi32> to vector<16xi32>
      %gather3A_1258 = tpu.dynamic_gather %exp3A_800[%gather3A_1257] in [0] : vector<16xf32>, vector<16xi32> -> vector<16xf32>
      %get3A_1259 = arith.constant 11 : i32
      %get3A_1260 = arith.index_cast %get3A_1259 : i32 to index
      %get3A_1261 = arith.constant 0 : index
      %get3A_1262 = tpu.vector_load %arg14[%get3A_1260, %get3A_1261] {strides = array<i32>} : memref<16x64xf32, #tpu.memory_space<vmem>>, vector<16xf32>,
      %mul3A_1263 = arith.mulf %get3A_1262, %gather3A_1258 : vector<16xf32>
      %swap3A_1264 = arith.constant 11 : i32
      %swap3A_1265 = arith.index_cast %swap3A_1264 : i32 to index
      %swap3A_1266 = arith.constant 0 : index
      %swap3A_1267 = tpu.vector_load %arg14[%swap3A_1265, %swap3A_1266] {strides = array<i32>} : memref<16x64xf32, #tpu.memory_space<vmem>>, vector<16xf32>,
      tpu.vector_store %arg14[%swap3A_1265, %swap3A_1266], %mul3A_1263 {strides = array<i32>} : memref<16x64xf32, #tpu.memory_space<vmem>>, vector<16xf32>,
      %get3A_1268 = arith.constant 11 : i32
      %get3A_1269 = arith.index_cast %get3A_1268 : i32 to index
      %get3A_1270 = arith.constant 16 : index
      %get3A_1271 = tpu.vector_load %arg14[%get3A_1269, %get3A_1270] {strides = array<i32>} : memref<16x64xf32, #tpu.memory_space<vmem>>, vector<16xf32>,
      %mul3A_1272 = arith.mulf %get3A_1271, %gather3A_1258 : vector<16xf32>
      %swap3A_1273 = arith.constant 11 : i32
      %swap3A_1274 = arith.index_cast %swap3A_1273 : i32 to index
      %swap3A_1275 = arith.constant 16 : index
      %swap3A_1276 = tpu.vector_load %arg14[%swap3A_1274, %swap3A_1275] {strides = array<i32>} : memref<16x64xf32, #tpu.memory_space<vmem>>, vector<16xf32>,
      tpu.vector_store %arg14[%swap3A_1274, %swap3A_1275], %mul3A_1272 {strides = array<i32>} : memref<16x64xf32, #tpu.memory_space<vmem>>, vector<16xf32>,
      %get3A_1277 = arith.constant 11 : i32
      %get3A_1278 = arith.index_cast %get3A_1277 : i32 to index
      %get3A_1279 = arith.constant 32 : index
      %get3A_1280 = tpu.vector_load %arg14[%get3A_1278, %get3A_1279] {strides = array<i32>} : memref<16x64xf32, #tpu.memory_space<vmem>>, vector<16xf32>,
      %mul3A_1281 = arith.mulf %get3A_1280, %gather3A_1258 : vector<16xf32>
      %swap3A_1282 = arith.constant 11 : i32
      %swap3A_1283 = arith.index_cast %swap3A_1282 : i32 to index
      %swap3A_1284 = arith.constant 32 : index
      %swap3A_1285 = tpu.vector_load %arg14[%swap3A_1283, %swap3A_1284] {strides = array<i32>} : memref<16x64xf32, #tpu.memory_space<vmem>>, vector<16xf32>,
      tpu.vector_store %arg14[%swap3A_1283, %swap3A_1284], %mul3A_1281 {strides = array<i32>} : memref<16x64xf32, #tpu.memory_space<vmem>>, vector<16xf32>,
      %get3A_1286 = arith.constant 11 : i32
      %get3A_1287 = arith.index_cast %get3A_1286 : i32 to index
      %get3A_1288 = arith.constant 48 : index
      %get3A_1289 = tpu.vector_load %arg14[%get3A_1287, %get3A_1288] {strides = array<i32>} : memref<16x64xf32, #tpu.memory_space<vmem>>, vector<16xf32>,
      %mul3A_1290 = arith.mulf %get3A_1289, %gather3A_1258 : vector<16xf32>
      %swap3A_1291 = arith.constant 11 : i32
      %swap3A_1292 = arith.index_cast %swap3A_1291 : i32 to index
      %swap3A_1293 = arith.constant 48 : index
      %swap3A_1294 = tpu.vector_load %arg14[%swap3A_1292, %swap3A_1293] {strides = array<i32>} : memref<16x64xf32, #tpu.memory_space<vmem>>, vector<16xf32>,
      tpu.vector_store %arg14[%swap3A_1292, %swap3A_1293], %mul3A_1290 {strides = array<i32>} : memref<16x64xf32, #tpu.memory_space<vmem>>, vector<16xf32>,
      %broadcast_in_dim3A_1295 = arith.constant 12 : i32
      %broadcast_in_dim3A_1296 = vector.broadcast %broadcast_in_dim3A_1295 : i32 to vector<16xi32>
      %broadcast_in_dim3A_1297 = vector.shape_cast %broadcast_in_dim3A_1296 : vector<16xi32> to vector<16x1xi32>
      %gather3A_1298 = vector.shape_cast %broadcast_in_dim3A_1297 : vector<16x1xi32> to vector<16xi32>
      %gather3A_1299 = tpu.dynamic_gather %exp3A_800[%gather3A_1298] in [0] : vector<16xf32>, vector<16xi32> -> vector<16xf32>
      %get3A_1300 = arith.constant 12 : i32
      %get3A_1301 = arith.index_cast %get3A_1300 : i32 to index
      %get3A_1302 = arith.constant 0 : index
      %get3A_1303 = tpu.vector_load %arg14[%get3A_1301, %get3A_1302] {strides = array<i32>} : memref<16x64xf32, #tpu.memory_space<vmem>>, vector<16xf32>,
      %mul3A_1304 = arith.mulf %get3A_1303, %gather3A_1299 : vector<16xf32>
      %swap3A_1305 = arith.constant 12 : i32
      %swap3A_1306 = arith.index_cast %swap3A_1305 : i32 to index
      %swap3A_1307 = arith.constant 0 : index
      %swap3A_1308 = tpu.vector_load %arg14[%swap3A_1306, %swap3A_1307] {strides = array<i32>} : memref<16x64xf32, #tpu.memory_space<vmem>>, vector<16xf32>,
      tpu.vector_store %arg14[%swap3A_1306, %swap3A_1307], %mul3A_1304 {strides = array<i32>} : memref<16x64xf32, #tpu.memory_space<vmem>>, vector<16xf32>,
      %get3A_1309 = arith.constant 12 : i32
      %get3A_1310 = arith.index_cast %get3A_1309 : i32 to index
      %get3A_1311 = arith.constant 16 : index
      %get3A_1312 = tpu.vector_load %arg14[%get3A_1310, %get3A_1311] {strides = array<i32>} : memref<16x64xf32, #tpu.memory_space<vmem>>, vector<16xf32>,
      %mul3A_1313 = arith.mulf %get3A_1312, %gather3A_1299 : vector<16xf32>
      %swap3A_1314 = arith.constant 12 : i32
      %swap3A_1315 = arith.index_cast %swap3A_1314 : i32 to index
      %swap3A_1316 = arith.constant 16 : index
      %swap3A_1317 = tpu.vector_load %arg14[%swap3A_1315, %swap3A_1316] {strides = array<i32>} : memref<16x64xf32, #tpu.memory_space<vmem>>, vector<16xf32>,
      tpu.vector_store %arg14[%swap3A_1315, %swap3A_1316], %mul3A_1313 {strides = array<i32>} : memref<16x64xf32, #tpu.memory_space<vmem>>, vector<16xf32>,
      %get3A_1318 = arith.constant 12 : i32
      %get3A_1319 = arith.index_cast %get3A_1318 : i32 to index
      %get3A_1320 = arith.constant 32 : index
      %get3A_1321 = tpu.vector_load %arg14[%get3A_1319, %get3A_1320] {strides = array<i32>} : memref<16x64xf32, #tpu.memory_space<vmem>>, vector<16xf32>,
      %mul3A_1322 = arith.mulf %get3A_1321, %gather3A_1299 : vector<16xf32>
      %swap3A_1323 = arith.constant 12 : i32
      %swap3A_1324 = arith.index_cast %swap3A_1323 : i32 to index
      %swap3A_1325 = arith.constant 32 : index
      %swap3A_1326 = tpu.vector_load %arg14[%swap3A_1324, %swap3A_1325] {strides = array<i32>} : memref<16x64xf32, #tpu.memory_space<vmem>>, vector<16xf32>,
      tpu.vector_store %arg14[%swap3A_1324, %swap3A_1325], %mul3A_1322 {strides = array<i32>} : memref<16x64xf32, #tpu.memory_space<vmem>>, vector<16xf32>,
      %get3A_1327 = arith.constant 12 : i32
      %get3A_1328 = arith.index_cast %get3A_1327 : i32 to index
      %get3A_1329 = arith.constant 48 : index
      %get3A_1330 = tpu.vector_load %arg14[%get3A_1328, %get3A_1329] {strides = array<i32>} : memref<16x64xf32, #tpu.memory_space<vmem>>, vector<16xf32>,
      %mul3A_1331 = arith.mulf %get3A_1330, %gather3A_1299 : vector<16xf32>
      %swap3A_1332 = arith.constant 12 : i32
      %swap3A_1333 = arith.index_cast %swap3A_1332 : i32 to index
      %swap3A_1334 = arith.constant 48 : index
      %swap3A_1335 = tpu.vector_load %arg14[%swap3A_1333, %swap3A_1334] {strides = array<i32>} : memref<16x64xf32, #tpu.memory_space<vmem>>, vector<16xf32>,
      tpu.vector_store %arg14[%swap3A_1333, %swap3A_1334], %mul3A_1331 {strides = array<i32>} : memref<16x64xf32, #tpu.memory_space<vmem>>, vector<16xf32>,
      %broadcast_in_dim3A_1336 = arith.constant 13 : i32
      %broadcast_in_dim3A_1337 = vector.broadcast %broadcast_in_dim3A_1336 : i32 to vector<16xi32>
      %broadcast_in_dim3A_1338 = vector.shape_cast %broadcast_in_dim3A_1337 : vector<16xi32> to vector<16x1xi32>
      %gather3A_1339 = vector.shape_cast %broadcast_in_dim3A_1338 : vector<16x1xi32> to vector<16xi32>
      %gather3A_1340 = tpu.dynamic_gather %exp3A_800[%gather3A_1339] in [0] : vector<16xf32>, vector<16xi32> -> vector<16xf32>
      %get3A_1341 = arith.constant 13 : i32
      %get3A_1342 = arith.index_cast %get3A_1341 : i32 to index
      %get3A_1343 = arith.constant 0 : index
      %get3A_1344 = tpu.vector_load %arg14[%get3A_1342, %get3A_1343] {strides = array<i32>} : memref<16x64xf32, #tpu.memory_space<vmem>>, vector<16xf32>,
      %mul3A_1345 = arith.mulf %get3A_1344, %gather3A_1340 : vector<16xf32>
      %swap3A_1346 = arith.constant 13 : i32
      %swap3A_1347 = arith.index_cast %swap3A_1346 : i32 to index
      %swap3A_1348 = arith.constant 0 : index
      %swap3A_1349 = tpu.vector_load %arg14[%swap3A_1347, %swap3A_1348] {strides = array<i32>} : memref<16x64xf32, #tpu.memory_space<vmem>>, vector<16xf32>,
      tpu.vector_store %arg14[%swap3A_1347, %swap3A_1348], %mul3A_1345 {strides = array<i32>} : memref<16x64xf32, #tpu.memory_space<vmem>>, vector<16xf32>,
      %get3A_1350 = arith.constant 13 : i32
      %get3A_1351 = arith.index_cast %get3A_1350 : i32 to index
      %get3A_1352 = arith.constant 16 : index
      %get3A_1353 = tpu.vector_load %arg14[%get3A_1351, %get3A_1352] {strides = array<i32>} : memref<16x64xf32, #tpu.memory_space<vmem>>, vector<16xf32>,
      %mul3A_1354 = arith.mulf %get3A_1353, %gather3A_1340 : vector<16xf32>
      %swap3A_1355 = arith.constant 13 : i32
      %swap3A_1356 = arith.index_cast %swap3A_1355 : i32 to index
      %swap3A_1357 = arith.constant 16 : index
      %swap3A_1358 = tpu.vector_load %arg14[%swap3A_1356, %swap3A_1357] {strides = array<i32>} : memref<16x64xf32, #tpu.memory_space<vmem>>, vector<16xf32>,
      tpu.vector_store %arg14[%swap3A_1356, %swap3A_1357], %mul3A_1354 {strides = array<i32>} : memref<16x64xf32, #tpu.memory_space<vmem>>, vector<16xf32>,
      %get3A_1359 = arith.constant 13 : i32
      %get3A_1360 = arith.index_cast %get3A_1359 : i32 to index
      %get3A_1361 = arith.constant 32 : index
      %get3A_1362 = tpu.vector_load %arg14[%get3A_1360, %get3A_1361] {strides = array<i32>} : memref<16x64xf32, #tpu.memory_space<vmem>>, vector<16xf32>,
      %mul3A_1363 = arith.mulf %get3A_1362, %gather3A_1340 : vector<16xf32>
      %swap3A_1364 = arith.constant 13 : i32
      %swap3A_1365 = arith.index_cast %swap3A_1364 : i32 to index
      %swap3A_1366 = arith.constant 32 : index
      %swap3A_1367 = tpu.vector_load %arg14[%swap3A_1365, %swap3A_1366] {strides = array<i32>} : memref<16x64xf32, #tpu.memory_space<vmem>>, vector<16xf32>,
      tpu.vector_store %arg14[%swap3A_1365, %swap3A_1366], %mul3A_1363 {strides = array<i32>} : memref<16x64xf32, #tpu.memory_space<vmem>>, vector<16xf32>,
      %get3A_1368 = arith.constant 13 : i32
      %get3A_1369 = arith.index_cast %get3A_1368 : i32 to index
      %get3A_1370 = arith.constant 48 : index
      %get3A_1371 = tpu.vector_load %arg14[%get3A_1369, %get3A_1370] {strides = array<i32>} : memref<16x64xf32, #tpu.memory_space<vmem>>, vector<16xf32>,
      %mul3A_1372 = arith.mulf %get3A_1371, %gather3A_1340 : vector<16xf32>
      %swap3A_1373 = arith.constant 13 : i32
      %swap3A_1374 = arith.index_cast %swap3A_1373 : i32 to index
      %swap3A_1375 = arith.constant 48 : index
      %swap3A_1376 = tpu.vector_load %arg14[%swap3A_1374, %swap3A_1375] {strides = array<i32>} : memref<16x64xf32, #tpu.memory_space<vmem>>, vector<16xf32>,
      tpu.vector_store %arg14[%swap3A_1374, %swap3A_1375], %mul3A_1372 {strides = array<i32>} : memref<16x64xf32, #tpu.memory_space<vmem>>, vector<16xf32>,
      %broadcast_in_dim3A_1377 = arith.constant 14 : i32
      %broadcast_in_dim3A_1378 = vector.broadcast %broadcast_in_dim3A_1377 : i32 to vector<16xi32>
      %broadcast_in_dim3A_1379 = vector.shape_cast %broadcast_in_dim3A_1378 : vector<16xi32> to vector<16x1xi32>
      %gather3A_1380 = vector.shape_cast %broadcast_in_dim3A_1379 : vector<16x1xi32> to vector<16xi32>
      %gather3A_1381 = tpu.dynamic_gather %exp3A_800[%gather3A_1380] in [0] : vector<16xf32>, vector<16xi32> -> vector<16xf32>
      %get3A_1382 = arith.constant 14 : i32
      %get3A_1383 = arith.index_cast %get3A_1382 : i32 to index
      %get3A_1384 = arith.constant 0 : index
      %get3A_1385 = tpu.vector_load %arg14[%get3A_1383, %get3A_1384] {strides = array<i32>} : memref<16x64xf32, #tpu.memory_space<vmem>>, vector<16xf32>,
      %mul3A_1386 = arith.mulf %get3A_1385, %gather3A_1381 : vector<16xf32>
      %swap3A_1387 = arith.constant 14 : i32
      %swap3A_1388 = arith.index_cast %swap3A_1387 : i32 to index
      %swap3A_1389 = arith.constant 0 : index
      %swap3A_1390 = tpu.vector_load %arg14[%swap3A_1388, %swap3A_1389] {strides = array<i32>} : memref<16x64xf32, #tpu.memory_space<vmem>>, vector<16xf32>,
      tpu.vector_store %arg14[%swap3A_1388, %swap3A_1389], %mul3A_1386 {strides = array<i32>} : memref<16x64xf32, #tpu.memory_space<vmem>>, vector<16xf32>,
      %get3A_1391 = arith.constant 14 : i32
      %get3A_1392 = arith.index_cast %get3A_1391 : i32 to index
      %get3A_1393 = arith.constant 16 : index
      %get3A_1394 = tpu.vector_load %arg14[%get3A_1392, %get3A_1393] {strides = array<i32>} : memref<16x64xf32, #tpu.memory_space<vmem>>, vector<16xf32>,
      %mul3A_1395 = arith.mulf %get3A_1394, %gather3A_1381 : vector<16xf32>
      %swap3A_1396 = arith.constant 14 : i32
      %swap3A_1397 = arith.index_cast %swap3A_1396 : i32 to index
      %swap3A_1398 = arith.constant 16 : index
      %swap3A_1399 = tpu.vector_load %arg14[%swap3A_1397, %swap3A_1398] {strides = array<i32>} : memref<16x64xf32, #tpu.memory_space<vmem>>, vector<16xf32>,
      tpu.vector_store %arg14[%swap3A_1397, %swap3A_1398], %mul3A_1395 {strides = array<i32>} : memref<16x64xf32, #tpu.memory_space<vmem>>, vector<16xf32>,
      %get3A_1400 = arith.constant 14 : i32
      %get3A_1401 = arith.index_cast %get3A_1400 : i32 to index
      %get3A_1402 = arith.constant 32 : index
      %get3A_1403 = tpu.vector_load %arg14[%get3A_1401, %get3A_1402] {strides = array<i32>} : memref<16x64xf32, #tpu.memory_space<vmem>>, vector<16xf32>,
      %mul3A_1404 = arith.mulf %get3A_1403, %gather3A_1381 : vector<16xf32>
      %swap3A_1405 = arith.constant 14 : i32
      %swap3A_1406 = arith.index_cast %swap3A_1405 : i32 to index
      %swap3A_1407 = arith.constant 32 : index
      %swap3A_1408 = tpu.vector_load %arg14[%swap3A_1406, %swap3A_1407] {strides = array<i32>} : memref<16x64xf32, #tpu.memory_space<vmem>>, vector<16xf32>,
      tpu.vector_store %arg14[%swap3A_1406, %swap3A_1407], %mul3A_1404 {strides = array<i32>} : memref<16x64xf32, #tpu.memory_space<vmem>>, vector<16xf32>,
      %get3A_1409 = arith.constant 14 : i32
      %get3A_1410 = arith.index_cast %get3A_1409 : i32 to index
      %get3A_1411 = arith.constant 48 : index
      %get3A_1412 = tpu.vector_load %arg14[%get3A_1410, %get3A_1411] {strides = array<i32>} : memref<16x64xf32, #tpu.memory_space<vmem>>, vector<16xf32>,
      %mul3A_1413 = arith.mulf %get3A_1412, %gather3A_1381 : vector<16xf32>
      %swap3A_1414 = arith.constant 14 : i32
      %swap3A_1415 = arith.index_cast %swap3A_1414 : i32 to index
      %swap3A_1416 = arith.constant 48 : index
      %swap3A_1417 = tpu.vector_load %arg14[%swap3A_1415, %swap3A_1416] {strides = array<i32>} : memref<16x64xf32, #tpu.memory_space<vmem>>, vector<16xf32>,
      tpu.vector_store %arg14[%swap3A_1415, %swap3A_1416], %mul3A_1413 {strides = array<i32>} : memref<16x64xf32, #tpu.memory_space<vmem>>, vector<16xf32>,
      %broadcast_in_dim3A_1418 = arith.constant 15 : i32
      %broadcast_in_dim3A_1419 = vector.broadcast %broadcast_in_dim3A_1418 : i32 to vector<16xi32>
      %broadcast_in_dim3A_1420 = vector.shape_cast %broadcast_in_dim3A_1419 : vector<16xi32> to vector<16x1xi32>
      %gather3A_1421 = vector.shape_cast %broadcast_in_dim3A_1420 : vector<16x1xi32> to vector<16xi32>
      %gather3A_1422 = tpu.dynamic_gather %exp3A_800[%gather3A_1421] in [0] : vector<16xf32>, vector<16xi32> -> vector<16xf32>
      %get3A_1423 = arith.constant 15 : i32
      %get3A_1424 = arith.index_cast %get3A_1423 : i32 to index
      %get3A_1425 = arith.constant 0 : index
      %get3A_1426 = tpu.vector_load %arg14[%get3A_1424, %get3A_1425] {strides = array<i32>} : memref<16x64xf32, #tpu.memory_space<vmem>>, vector<16xf32>,
      %mul3A_1427 = arith.mulf %get3A_1426, %gather3A_1422 : vector<16xf32>
      %swap3A_1428 = arith.constant 15 : i32
      %swap3A_1429 = arith.index_cast %swap3A_1428 : i32 to index
      %swap3A_1430 = arith.constant 0 : index
      %swap3A_1431 = tpu.vector_load %arg14[%swap3A_1429, %swap3A_1430] {strides = array<i32>} : memref<16x64xf32, #tpu.memory_space<vmem>>, vector<16xf32>,
      tpu.vector_store %arg14[%swap3A_1429, %swap3A_1430], %mul3A_1427 {strides = array<i32>} : memref<16x64xf32, #tpu.memory_space<vmem>>, vector<16xf32>,
      %get3A_1432 = arith.constant 15 : i32
      %get3A_1433 = arith.index_cast %get3A_1432 : i32 to index
      %get3A_1434 = arith.constant 16 : index
      %get3A_1435 = tpu.vector_load %arg14[%get3A_1433, %get3A_1434] {strides = array<i32>} : memref<16x64xf32, #tpu.memory_space<vmem>>, vector<16xf32>,
      %mul3A_1436 = arith.mulf %get3A_1435, %gather3A_1422 : vector<16xf32>
      %swap3A_1437 = arith.constant 15 : i32
      %swap3A_1438 = arith.index_cast %swap3A_1437 : i32 to index
      %swap3A_1439 = arith.constant 16 : index
      %swap3A_1440 = tpu.vector_load %arg14[%swap3A_1438, %swap3A_1439] {strides = array<i32>} : memref<16x64xf32, #tpu.memory_space<vmem>>, vector<16xf32>,
      tpu.vector_store %arg14[%swap3A_1438, %swap3A_1439], %mul3A_1436 {strides = array<i32>} : memref<16x64xf32, #tpu.memory_space<vmem>>, vector<16xf32>,
      %get3A_1441 = arith.constant 15 : i32
      %get3A_1442 = arith.index_cast %get3A_1441 : i32 to index
      %get3A_1443 = arith.constant 32 : index
      %get3A_1444 = tpu.vector_load %arg14[%get3A_1442, %get3A_1443] {strides = array<i32>} : memref<16x64xf32, #tpu.memory_space<vmem>>, vector<16xf32>,
      %mul3A_1445 = arith.mulf %get3A_1444, %gather3A_1422 : vector<16xf32>
      %swap3A_1446 = arith.constant 15 : i32
      %swap3A_1447 = arith.index_cast %swap3A_1446 : i32 to index
      %swap3A_1448 = arith.constant 32 : index
      %swap3A_1449 = tpu.vector_load %arg14[%swap3A_1447, %swap3A_1448] {strides = array<i32>} : memref<16x64xf32, #tpu.memory_space<vmem>>, vector<16xf32>,
      tpu.vector_store %arg14[%swap3A_1447, %swap3A_1448], %mul3A_1445 {strides = array<i32>} : memref<16x64xf32, #tpu.memory_space<vmem>>, vector<16xf32>,
      %get3A_1450 = arith.constant 15 : i32
      %get3A_1451 = arith.index_cast %get3A_1450 : i32 to index
      %get3A_1452 = arith.constant 48 : index
      %get3A_1453 = tpu.vector_load %arg14[%get3A_1451, %get3A_1452] {strides = array<i32>} : memref<16x64xf32, #tpu.memory_space<vmem>>, vector<16xf32>,
      %mul3A_1454 = arith.mulf %get3A_1453, %gather3A_1422 : vector<16xf32>
      %swap3A_1455 = arith.constant 15 : i32
      %swap3A_1456 = arith.index_cast %swap3A_1455 : i32 to index
      %swap3A_1457 = arith.constant 48 : index
      %swap3A_1458 = tpu.vector_load %arg14[%swap3A_1456, %swap3A_1457] {strides = array<i32>} : memref<16x64xf32, #tpu.memory_space<vmem>>, vector<16xf32>,
      tpu.vector_store %arg14[%swap3A_1456, %swap3A_1457], %mul3A_1454 {strides = array<i32>} : memref<16x64xf32, #tpu.memory_space<vmem>>, vector<16xf32>,
      "tpu.region"() ({
        %run_scoped3A_1468 = tpu.sem_alloc : memref<!tpu.dma_semaphore, #tpu.memory_space<semaphore_mem>>
        %dma_start3A = arith.constant 0 : i32
        %dma_start3A_1469 = arith.constant 0 : i32
        %dma_start3A_1470 = tpu.memref_slice %arg18[%dma_start3A, %dma_start3A_1469] : memref<10240x64xf32, #tpu.memory_space<vmem_shared>> -> memref<10240x64xf32, #tpu.memory_space<vmem_shared>>
        tpu.enqueue_indirect_dma source(%arg13 : memref<16x64xf32, #tpu.memory_space<vmem>>) target(%dma_start3A_1470 : memref<10240x64xf32, #tpu.memory_space<vmem_shared>>) offsets(%arg16 : memref<16xi32, #tpu.memory_space<vmem>>) semaphore(%run_scoped3A_1468 : memref<!tpu.dma_semaphore, #tpu.memory_space<semaphore_mem>>) {add = true}
        %dma_wait3A = arith.constant 0 : i32
        %dma_wait3A_1471 = arith.constant 0 : i32
        %dma_wait3A_1472 = tpu.memref_slice %arg18[%dma_wait3A, %dma_wait3A_1471] : memref<10240x64xf32, #tpu.memory_space<vmem_shared>> -> memref<10240x64xf32, #tpu.memory_space<vmem_shared>>
        tpu.wait_indirect_dma semaphore(%run_scoped3A_1468 : memref<!tpu.dma_semaphore, #tpu.memory_space<semaphore_mem>>) src(%arg13 : memref<16x64xf32, #tpu.memory_space<vmem>>) dst(%dma_wait3A_1472 : memref<10240x64xf32, #tpu.memory_space<vmem_shared>>)
        tpu.yield
      }) : () -> ()
      %mul3A_1459 = arith.constant 2 : i32
      %mul3A_1460 = arith.muli %mul3A_1459, %scan3A_774 : i32
      %add3A_1461 = arith.constant 2 : i32
      %add3A_1462 = arith.addi %mul3A_1460, %add3A_1461 : i32
      %lt3A = arith.constant 1290 : i32
      %lt3A_1463 = arith.cmpi slt, %add3A_1462, %lt3A : i32
      %convert_element_type3A_1464 = arith.extui %lt3A_1463 : i1 to i32
      %cond3A_1465 = arith.constant 0 : i32
      %cond3A_1466 = arith.cmpi ne, %convert_element_type3A_1464, %cond3A_1465 : i32
      scf.if %cond3A_1466 {
        %mul3A_1468 = arith.constant 2 : i32
        %mul3A_1469 = arith.muli %mul3A_1468, %scan3A_774 : i32
        %add3A_1470 = arith.constant 2 : i32
        %add3A_1471 = arith.addi %mul3A_1469, %add3A_1470 : i32
        %get3A_1472 = arith.index_cast %add3A_1471 : i32 to index
        %get3A_1473 = arith.constant 0 : index
        %get3A_1474 = tpu.vector_load %arg8[%get3A_1472, %get3A_1473] {strides = array<i32>} : memref<1290x16xi32, #tpu.memory_space<vmem>>, vector<16xi32>,
        %shift_right_logical3A_1475 = arith.constant 1 : i32
        %shift_right_logical3A_1476 = vector.broadcast %shift_right_logical3A_1475 : i32 to vector<16xi32>
        %shift_right_logical3A_1477 = arith.shrui %get3A_1474, %shift_right_logical3A_1476 : vector<16xi32>
        %get3A_1478 = arith.index_cast %add3A_1471 : i32 to index
        %get3A_1479 = arith.constant 0 : index
        %get3A_1480 = tpu.vector_load %arg9[%get3A_1478, %get3A_1479] {strides = array<i32>} : memref<1290x16xi32, #tpu.memory_space<vmem>>, vector<16xi32>,
        %gather3A_1481 = tpu.vector_load_idx %arg10[%shift_right_logical3A_1477] : memref<10240xf32, #tpu.memory_space<vmem>>[vector<16xi32>], vector<16xf32>,
        %gather3A_1482 = tpu.vector_load_idx %arg11[%get3A_1480] : memref<10240xf32, #tpu.memory_space<vmem>>[vector<16xi32>], vector<16xf32>,
        %add3A_1483 = arith.addf %gather3A_1481, %gather3A_1482 : vector<16xf32>
        %ge3A_1484 = arith.constant 0.000000e+00 : f32
        %ge3A_1485 = vector.broadcast %ge3A_1484 : f32 to vector<16xf32>
        %ge3A_1486 = arith.cmpf oge, %add3A_1483, %ge3A_1485 : vector<16xf32>
        %mul3A_1487 = arith.constant 2.000000e-01 : f32
        %mul3A_1488 = vector.broadcast %mul3A_1487 : f32 to vector<16xf32>
        %mul3A_1489 = arith.mulf %add3A_1483, %mul3A_1488 : vector<16xf32>
        %select_n3A_1490 = arith.select %ge3A_1486, %add3A_1483, %mul3A_1489 : vector<16xi1>, vector<16xf32>
        %sub3A_1491 = arith.subf %select_n3A_1490, %add3A : vector<16xf32>
        %exp3A_1492 = math.exp %sub3A_1491 : vector<16xf32>
        tpu.vector_store_idx %arg12[%get3A_1480], %exp3A_1492 {add = true} : memref<10240xf32, #tpu.memory_space<vmem>>[vector<16xi32>], vector<16xf32>,
        %swap3A_1493 = arith.constant 0 : index
        %swap3A_1494 = tpu.vector_load %arg16[%swap3A_1493] {strides = array<i32>} : memref<16xi32, #tpu.memory_space<vmem>>, vector<16xi32>,
        tpu.vector_store %arg16[%swap3A_1493], %get3A_1480 {strides = array<i32>} : memref<16xi32, #tpu.memory_space<vmem>>, vector<16xi32>,
        "tpu.region"() ({
          %run_scoped3A_2151 = tpu.sem_alloc : memref<!tpu.dma_semaphore, #tpu.memory_space<semaphore_mem>>
          %dma_start3A = arith.constant 0 : i32
          %dma_start3A_2152 = tpu.memref_slice %arg8[%add3A_1471, %dma_start3A] : memref<1290x16xi32, #tpu.memory_space<vmem>> -> memref<1x16xi32, #tpu.memory_space<vmem>>
          %dma_start3A_2153 = tpu.memref_squeeze %dma_start3A_2152 : memref<1x16xi32, #tpu.memory_space<vmem>> -> memref<16xi32, #tpu.memory_space<vmem>>
          %dma_start3A_2154 = arith.constant 0 : i32
          %dma_start3A_2155 = arith.constant 0 : i32
          %dma_start3A_2156 = tpu.memref_slice %arg5[%dma_start3A_2154, %dma_start3A_2155] : memref<20480x64xf32, #tpu.memory_space<hbm>> -> memref<20480x64xf32, #tpu.memory_space<hbm>>
          tpu.enqueue_indirect_dma source(%dma_start3A_2156 : memref<20480x64xf32, #tpu.memory_space<hbm>>) target(%arg13 : memref<16x64xf32, #tpu.memory_space<vmem>>) offsets(%dma_start3A_2153 : memref<16xi32, #tpu.memory_space<vmem>>) semaphore(%run_scoped3A_2151 : memref<!tpu.dma_semaphore, #tpu.memory_space<semaphore_mem>>)
          %dma_wait3A = arith.constant 0 : i32
          %dma_wait3A_2157 = tpu.memref_slice %arg8[%add3A_1471, %dma_wait3A] : memref<1290x16xi32, #tpu.memory_space<vmem>> -> memref<1x16xi32, #tpu.memory_space<vmem>>
          %dma_wait3A_2158 = tpu.memref_squeeze %dma_wait3A_2157 : memref<1x16xi32, #tpu.memory_space<vmem>> -> memref<16xi32, #tpu.memory_space<vmem>>
          %dma_wait3A_2159 = arith.constant 0 : i32
          %dma_wait3A_2160 = arith.constant 0 : i32
          %dma_wait3A_2161 = tpu.memref_slice %arg5[%dma_wait3A_2159, %dma_wait3A_2160] : memref<20480x64xf32, #tpu.memory_space<hbm>> -> memref<20480x64xf32, #tpu.memory_space<hbm>>
          tpu.wait_indirect_dma semaphore(%run_scoped3A_2151 : memref<!tpu.dma_semaphore, #tpu.memory_space<semaphore_mem>>) src(%dma_wait3A_2161 : memref<20480x64xf32, #tpu.memory_space<hbm>>) dst(%arg13 : memref<16x64xf32, #tpu.memory_space<vmem>>)
          tpu.yield
        }) : () -> ()
        %broadcast_in_dim3A_1495 = arith.constant 0 : i32
        %broadcast_in_dim3A_1496 = vector.broadcast %broadcast_in_dim3A_1495 : i32 to vector<16xi32>
        %broadcast_in_dim3A_1497 = vector.shape_cast %broadcast_in_dim3A_1496 : vector<16xi32> to vector<16x1xi32>
        %gather3A_1498 = vector.shape_cast %broadcast_in_dim3A_1497 : vector<16x1xi32> to vector<16xi32>
        %gather3A_1499 = tpu.dynamic_gather %exp3A_1492[%gather3A_1498] in [0] : vector<16xf32>, vector<16xi32> -> vector<16xf32>
        %get3A_1500 = arith.constant 0 : i32
        %get3A_1501 = arith.index_cast %get3A_1500 : i32 to index
        %get3A_1502 = arith.constant 0 : index
        %get3A_1503 = tpu.vector_load %arg13[%get3A_1501, %get3A_1502] {strides = array<i32>} : memref<16x64xf32, #tpu.memory_space<vmem>>, vector<16xf32>,
        %mul3A_1504 = arith.mulf %get3A_1503, %gather3A_1499 : vector<16xf32>
        %swap3A_1505 = arith.constant 0 : i32
        %swap3A_1506 = arith.index_cast %swap3A_1505 : i32 to index
        %swap3A_1507 = arith.constant 0 : index
        %swap3A_1508 = tpu.vector_load %arg13[%swap3A_1506, %swap3A_1507] {strides = array<i32>} : memref<16x64xf32, #tpu.memory_space<vmem>>, vector<16xf32>,
        tpu.vector_store %arg13[%swap3A_1506, %swap3A_1507], %mul3A_1504 {strides = array<i32>} : memref<16x64xf32, #tpu.memory_space<vmem>>, vector<16xf32>,
        %get3A_1509 = arith.constant 0 : i32
        %get3A_1510 = arith.index_cast %get3A_1509 : i32 to index
        %get3A_1511 = arith.constant 16 : index
        %get3A_1512 = tpu.vector_load %arg13[%get3A_1510, %get3A_1511] {strides = array<i32>} : memref<16x64xf32, #tpu.memory_space<vmem>>, vector<16xf32>,
        %mul3A_1513 = arith.mulf %get3A_1512, %gather3A_1499 : vector<16xf32>
        %swap3A_1514 = arith.constant 0 : i32
        %swap3A_1515 = arith.index_cast %swap3A_1514 : i32 to index
        %swap3A_1516 = arith.constant 16 : index
        %swap3A_1517 = tpu.vector_load %arg13[%swap3A_1515, %swap3A_1516] {strides = array<i32>} : memref<16x64xf32, #tpu.memory_space<vmem>>, vector<16xf32>,
        tpu.vector_store %arg13[%swap3A_1515, %swap3A_1516], %mul3A_1513 {strides = array<i32>} : memref<16x64xf32, #tpu.memory_space<vmem>>, vector<16xf32>,
        %get3A_1518 = arith.constant 0 : i32
        %get3A_1519 = arith.index_cast %get3A_1518 : i32 to index
        %get3A_1520 = arith.constant 32 : index
        %get3A_1521 = tpu.vector_load %arg13[%get3A_1519, %get3A_1520] {strides = array<i32>} : memref<16x64xf32, #tpu.memory_space<vmem>>, vector<16xf32>,
        %mul3A_1522 = arith.mulf %get3A_1521, %gather3A_1499 : vector<16xf32>
        %swap3A_1523 = arith.constant 0 : i32
        %swap3A_1524 = arith.index_cast %swap3A_1523 : i32 to index
        %swap3A_1525 = arith.constant 32 : index
        %swap3A_1526 = tpu.vector_load %arg13[%swap3A_1524, %swap3A_1525] {strides = array<i32>} : memref<16x64xf32, #tpu.memory_space<vmem>>, vector<16xf32>,
        tpu.vector_store %arg13[%swap3A_1524, %swap3A_1525], %mul3A_1522 {strides = array<i32>} : memref<16x64xf32, #tpu.memory_space<vmem>>, vector<16xf32>,
        %get3A_1527 = arith.constant 0 : i32
        %get3A_1528 = arith.index_cast %get3A_1527 : i32 to index
        %get3A_1529 = arith.constant 48 : index
        %get3A_1530 = tpu.vector_load %arg13[%get3A_1528, %get3A_1529] {strides = array<i32>} : memref<16x64xf32, #tpu.memory_space<vmem>>, vector<16xf32>,
        %mul3A_1531 = arith.mulf %get3A_1530, %gather3A_1499 : vector<16xf32>
        %swap3A_1532 = arith.constant 0 : i32
        %swap3A_1533 = arith.index_cast %swap3A_1532 : i32 to index
        %swap3A_1534 = arith.constant 48 : index
        %swap3A_1535 = tpu.vector_load %arg13[%swap3A_1533, %swap3A_1534] {strides = array<i32>} : memref<16x64xf32, #tpu.memory_space<vmem>>, vector<16xf32>,
        tpu.vector_store %arg13[%swap3A_1533, %swap3A_1534], %mul3A_1531 {strides = array<i32>} : memref<16x64xf32, #tpu.memory_space<vmem>>, vector<16xf32>,
        %broadcast_in_dim3A_1536 = arith.constant 1 : i32
        %broadcast_in_dim3A_1537 = vector.broadcast %broadcast_in_dim3A_1536 : i32 to vector<16xi32>
        %broadcast_in_dim3A_1538 = vector.shape_cast %broadcast_in_dim3A_1537 : vector<16xi32> to vector<16x1xi32>
        %gather3A_1539 = vector.shape_cast %broadcast_in_dim3A_1538 : vector<16x1xi32> to vector<16xi32>
        %gather3A_1540 = tpu.dynamic_gather %exp3A_1492[%gather3A_1539] in [0] : vector<16xf32>, vector<16xi32> -> vector<16xf32>
        %get3A_1541 = arith.constant 1 : i32
        %get3A_1542 = arith.index_cast %get3A_1541 : i32 to index
        %get3A_1543 = arith.constant 0 : index
        %get3A_1544 = tpu.vector_load %arg13[%get3A_1542, %get3A_1543] {strides = array<i32>} : memref<16x64xf32, #tpu.memory_space<vmem>>, vector<16xf32>,
        %mul3A_1545 = arith.mulf %get3A_1544, %gather3A_1540 : vector<16xf32>
        %swap3A_1546 = arith.constant 1 : i32
        %swap3A_1547 = arith.index_cast %swap3A_1546 : i32 to index
        %swap3A_1548 = arith.constant 0 : index
        %swap3A_1549 = tpu.vector_load %arg13[%swap3A_1547, %swap3A_1548] {strides = array<i32>} : memref<16x64xf32, #tpu.memory_space<vmem>>, vector<16xf32>,
        tpu.vector_store %arg13[%swap3A_1547, %swap3A_1548], %mul3A_1545 {strides = array<i32>} : memref<16x64xf32, #tpu.memory_space<vmem>>, vector<16xf32>,
        %get3A_1550 = arith.constant 1 : i32
        %get3A_1551 = arith.index_cast %get3A_1550 : i32 to index
        %get3A_1552 = arith.constant 16 : index
        %get3A_1553 = tpu.vector_load %arg13[%get3A_1551, %get3A_1552] {strides = array<i32>} : memref<16x64xf32, #tpu.memory_space<vmem>>, vector<16xf32>,
        %mul3A_1554 = arith.mulf %get3A_1553, %gather3A_1540 : vector<16xf32>
        %swap3A_1555 = arith.constant 1 : i32
        %swap3A_1556 = arith.index_cast %swap3A_1555 : i32 to index
        %swap3A_1557 = arith.constant 16 : index
        %swap3A_1558 = tpu.vector_load %arg13[%swap3A_1556, %swap3A_1557] {strides = array<i32>} : memref<16x64xf32, #tpu.memory_space<vmem>>, vector<16xf32>,
        tpu.vector_store %arg13[%swap3A_1556, %swap3A_1557], %mul3A_1554 {strides = array<i32>} : memref<16x64xf32, #tpu.memory_space<vmem>>, vector<16xf32>,
        %get3A_1559 = arith.constant 1 : i32
        %get3A_1560 = arith.index_cast %get3A_1559 : i32 to index
        %get3A_1561 = arith.constant 32 : index
        %get3A_1562 = tpu.vector_load %arg13[%get3A_1560, %get3A_1561] {strides = array<i32>} : memref<16x64xf32, #tpu.memory_space<vmem>>, vector<16xf32>,
        %mul3A_1563 = arith.mulf %get3A_1562, %gather3A_1540 : vector<16xf32>
        %swap3A_1564 = arith.constant 1 : i32
        %swap3A_1565 = arith.index_cast %swap3A_1564 : i32 to index
        %swap3A_1566 = arith.constant 32 : index
        %swap3A_1567 = tpu.vector_load %arg13[%swap3A_1565, %swap3A_1566] {strides = array<i32>} : memref<16x64xf32, #tpu.memory_space<vmem>>, vector<16xf32>,
        tpu.vector_store %arg13[%swap3A_1565, %swap3A_1566], %mul3A_1563 {strides = array<i32>} : memref<16x64xf32, #tpu.memory_space<vmem>>, vector<16xf32>,
        %get3A_1568 = arith.constant 1 : i32
        %get3A_1569 = arith.index_cast %get3A_1568 : i32 to index
        %get3A_1570 = arith.constant 48 : index
        %get3A_1571 = tpu.vector_load %arg13[%get3A_1569, %get3A_1570] {strides = array<i32>} : memref<16x64xf32, #tpu.memory_space<vmem>>, vector<16xf32>,
        %mul3A_1572 = arith.mulf %get3A_1571, %gather3A_1540 : vector<16xf32>
        %swap3A_1573 = arith.constant 1 : i32
        %swap3A_1574 = arith.index_cast %swap3A_1573 : i32 to index
        %swap3A_1575 = arith.constant 48 : index
        %swap3A_1576 = tpu.vector_load %arg13[%swap3A_1574, %swap3A_1575] {strides = array<i32>} : memref<16x64xf32, #tpu.memory_space<vmem>>, vector<16xf32>,
        tpu.vector_store %arg13[%swap3A_1574, %swap3A_1575], %mul3A_1572 {strides = array<i32>} : memref<16x64xf32, #tpu.memory_space<vmem>>, vector<16xf32>,
        %broadcast_in_dim3A_1577 = arith.constant 2 : i32
        %broadcast_in_dim3A_1578 = vector.broadcast %broadcast_in_dim3A_1577 : i32 to vector<16xi32>
        %broadcast_in_dim3A_1579 = vector.shape_cast %broadcast_in_dim3A_1578 : vector<16xi32> to vector<16x1xi32>
        %gather3A_1580 = vector.shape_cast %broadcast_in_dim3A_1579 : vector<16x1xi32> to vector<16xi32>
        %gather3A_1581 = tpu.dynamic_gather %exp3A_1492[%gather3A_1580] in [0] : vector<16xf32>, vector<16xi32> -> vector<16xf32>
        %get3A_1582 = arith.constant 2 : i32
        %get3A_1583 = arith.index_cast %get3A_1582 : i32 to index
        %get3A_1584 = arith.constant 0 : index
        %get3A_1585 = tpu.vector_load %arg13[%get3A_1583, %get3A_1584] {strides = array<i32>} : memref<16x64xf32, #tpu.memory_space<vmem>>, vector<16xf32>,
        %mul3A_1586 = arith.mulf %get3A_1585, %gather3A_1581 : vector<16xf32>
        %swap3A_1587 = arith.constant 2 : i32
        %swap3A_1588 = arith.index_cast %swap3A_1587 : i32 to index
        %swap3A_1589 = arith.constant 0 : index
        %swap3A_1590 = tpu.vector_load %arg13[%swap3A_1588, %swap3A_1589] {strides = array<i32>} : memref<16x64xf32, #tpu.memory_space<vmem>>, vector<16xf32>,
        tpu.vector_store %arg13[%swap3A_1588, %swap3A_1589], %mul3A_1586 {strides = array<i32>} : memref<16x64xf32, #tpu.memory_space<vmem>>, vector<16xf32>,
        %get3A_1591 = arith.constant 2 : i32
        %get3A_1592 = arith.index_cast %get3A_1591 : i32 to index
        %get3A_1593 = arith.constant 16 : index
        %get3A_1594 = tpu.vector_load %arg13[%get3A_1592, %get3A_1593] {strides = array<i32>} : memref<16x64xf32, #tpu.memory_space<vmem>>, vector<16xf32>,
        %mul3A_1595 = arith.mulf %get3A_1594, %gather3A_1581 : vector<16xf32>
        %swap3A_1596 = arith.constant 2 : i32
        %swap3A_1597 = arith.index_cast %swap3A_1596 : i32 to index
        %swap3A_1598 = arith.constant 16 : index
        %swap3A_1599 = tpu.vector_load %arg13[%swap3A_1597, %swap3A_1598] {strides = array<i32>} : memref<16x64xf32, #tpu.memory_space<vmem>>, vector<16xf32>,
        tpu.vector_store %arg13[%swap3A_1597, %swap3A_1598], %mul3A_1595 {strides = array<i32>} : memref<16x64xf32, #tpu.memory_space<vmem>>, vector<16xf32>,
        %get3A_1600 = arith.constant 2 : i32
        %get3A_1601 = arith.index_cast %get3A_1600 : i32 to index
        %get3A_1602 = arith.constant 32 : index
        %get3A_1603 = tpu.vector_load %arg13[%get3A_1601, %get3A_1602] {strides = array<i32>} : memref<16x64xf32, #tpu.memory_space<vmem>>, vector<16xf32>,
        %mul3A_1604 = arith.mulf %get3A_1603, %gather3A_1581 : vector<16xf32>
        %swap3A_1605 = arith.constant 2 : i32
        %swap3A_1606 = arith.index_cast %swap3A_1605 : i32 to index
        %swap3A_1607 = arith.constant 32 : index
        %swap3A_1608 = tpu.vector_load %arg13[%swap3A_1606, %swap3A_1607] {strides = array<i32>} : memref<16x64xf32, #tpu.memory_space<vmem>>, vector<16xf32>,
        tpu.vector_store %arg13[%swap3A_1606, %swap3A_1607], %mul3A_1604 {strides = array<i32>} : memref<16x64xf32, #tpu.memory_space<vmem>>, vector<16xf32>,
        %get3A_1609 = arith.constant 2 : i32
        %get3A_1610 = arith.index_cast %get3A_1609 : i32 to index
        %get3A_1611 = arith.constant 48 : index
        %get3A_1612 = tpu.vector_load %arg13[%get3A_1610, %get3A_1611] {strides = array<i32>} : memref<16x64xf32, #tpu.memory_space<vmem>>, vector<16xf32>,
        %mul3A_1613 = arith.mulf %get3A_1612, %gather3A_1581 : vector<16xf32>
        %swap3A_1614 = arith.constant 2 : i32
        %swap3A_1615 = arith.index_cast %swap3A_1614 : i32 to index
        %swap3A_1616 = arith.constant 48 : index
        %swap3A_1617 = tpu.vector_load %arg13[%swap3A_1615, %swap3A_1616] {strides = array<i32>} : memref<16x64xf32, #tpu.memory_space<vmem>>, vector<16xf32>,
        tpu.vector_store %arg13[%swap3A_1615, %swap3A_1616], %mul3A_1613 {strides = array<i32>} : memref<16x64xf32, #tpu.memory_space<vmem>>, vector<16xf32>,
        %broadcast_in_dim3A_1618 = arith.constant 3 : i32
        %broadcast_in_dim3A_1619 = vector.broadcast %broadcast_in_dim3A_1618 : i32 to vector<16xi32>
        %broadcast_in_dim3A_1620 = vector.shape_cast %broadcast_in_dim3A_1619 : vector<16xi32> to vector<16x1xi32>
        %gather3A_1621 = vector.shape_cast %broadcast_in_dim3A_1620 : vector<16x1xi32> to vector<16xi32>
        %gather3A_1622 = tpu.dynamic_gather %exp3A_1492[%gather3A_1621] in [0] : vector<16xf32>, vector<16xi32> -> vector<16xf32>
        %get3A_1623 = arith.constant 3 : i32
        %get3A_1624 = arith.index_cast %get3A_1623 : i32 to index
        %get3A_1625 = arith.constant 0 : index
        %get3A_1626 = tpu.vector_load %arg13[%get3A_1624, %get3A_1625] {strides = array<i32>} : memref<16x64xf32, #tpu.memory_space<vmem>>, vector<16xf32>,
        %mul3A_1627 = arith.mulf %get3A_1626, %gather3A_1622 : vector<16xf32>
        %swap3A_1628 = arith.constant 3 : i32
        %swap3A_1629 = arith.index_cast %swap3A_1628 : i32 to index
        %swap3A_1630 = arith.constant 0 : index
        %swap3A_1631 = tpu.vector_load %arg13[%swap3A_1629, %swap3A_1630] {strides = array<i32>} : memref<16x64xf32, #tpu.memory_space<vmem>>, vector<16xf32>,
        tpu.vector_store %arg13[%swap3A_1629, %swap3A_1630], %mul3A_1627 {strides = array<i32>} : memref<16x64xf32, #tpu.memory_space<vmem>>, vector<16xf32>,
        %get3A_1632 = arith.constant 3 : i32
        %get3A_1633 = arith.index_cast %get3A_1632 : i32 to index
        %get3A_1634 = arith.constant 16 : index
        %get3A_1635 = tpu.vector_load %arg13[%get3A_1633, %get3A_1634] {strides = array<i32>} : memref<16x64xf32, #tpu.memory_space<vmem>>, vector<16xf32>,
        %mul3A_1636 = arith.mulf %get3A_1635, %gather3A_1622 : vector<16xf32>
        %swap3A_1637 = arith.constant 3 : i32
        %swap3A_1638 = arith.index_cast %swap3A_1637 : i32 to index
        %swap3A_1639 = arith.constant 16 : index
        %swap3A_1640 = tpu.vector_load %arg13[%swap3A_1638, %swap3A_1639] {strides = array<i32>} : memref<16x64xf32, #tpu.memory_space<vmem>>, vector<16xf32>,
        tpu.vector_store %arg13[%swap3A_1638, %swap3A_1639], %mul3A_1636 {strides = array<i32>} : memref<16x64xf32, #tpu.memory_space<vmem>>, vector<16xf32>,
        %get3A_1641 = arith.constant 3 : i32
        %get3A_1642 = arith.index_cast %get3A_1641 : i32 to index
        %get3A_1643 = arith.constant 32 : index
        %get3A_1644 = tpu.vector_load %arg13[%get3A_1642, %get3A_1643] {strides = array<i32>} : memref<16x64xf32, #tpu.memory_space<vmem>>, vector<16xf32>,
        %mul3A_1645 = arith.mulf %get3A_1644, %gather3A_1622 : vector<16xf32>
        %swap3A_1646 = arith.constant 3 : i32
        %swap3A_1647 = arith.index_cast %swap3A_1646 : i32 to index
        %swap3A_1648 = arith.constant 32 : index
        %swap3A_1649 = tpu.vector_load %arg13[%swap3A_1647, %swap3A_1648] {strides = array<i32>} : memref<16x64xf32, #tpu.memory_space<vmem>>, vector<16xf32>,
        tpu.vector_store %arg13[%swap3A_1647, %swap3A_1648], %mul3A_1645 {strides = array<i32>} : memref<16x64xf32, #tpu.memory_space<vmem>>, vector<16xf32>,
        %get3A_1650 = arith.constant 3 : i32
        %get3A_1651 = arith.index_cast %get3A_1650 : i32 to index
        %get3A_1652 = arith.constant 48 : index
        %get3A_1653 = tpu.vector_load %arg13[%get3A_1651, %get3A_1652] {strides = array<i32>} : memref<16x64xf32, #tpu.memory_space<vmem>>, vector<16xf32>,
        %mul3A_1654 = arith.mulf %get3A_1653, %gather3A_1622 : vector<16xf32>
        %swap3A_1655 = arith.constant 3 : i32
        %swap3A_1656 = arith.index_cast %swap3A_1655 : i32 to index
        %swap3A_1657 = arith.constant 48 : index
        %swap3A_1658 = tpu.vector_load %arg13[%swap3A_1656, %swap3A_1657] {strides = array<i32>} : memref<16x64xf32, #tpu.memory_space<vmem>>, vector<16xf32>,
        tpu.vector_store %arg13[%swap3A_1656, %swap3A_1657], %mul3A_1654 {strides = array<i32>} : memref<16x64xf32, #tpu.memory_space<vmem>>, vector<16xf32>,
        %broadcast_in_dim3A_1659 = arith.constant 4 : i32
        %broadcast_in_dim3A_1660 = vector.broadcast %broadcast_in_dim3A_1659 : i32 to vector<16xi32>
        %broadcast_in_dim3A_1661 = vector.shape_cast %broadcast_in_dim3A_1660 : vector<16xi32> to vector<16x1xi32>
        %gather3A_1662 = vector.shape_cast %broadcast_in_dim3A_1661 : vector<16x1xi32> to vector<16xi32>
        %gather3A_1663 = tpu.dynamic_gather %exp3A_1492[%gather3A_1662] in [0] : vector<16xf32>, vector<16xi32> -> vector<16xf32>
        %get3A_1664 = arith.constant 4 : i32
        %get3A_1665 = arith.index_cast %get3A_1664 : i32 to index
        %get3A_1666 = arith.constant 0 : index
        %get3A_1667 = tpu.vector_load %arg13[%get3A_1665, %get3A_1666] {strides = array<i32>} : memref<16x64xf32, #tpu.memory_space<vmem>>, vector<16xf32>,
        %mul3A_1668 = arith.mulf %get3A_1667, %gather3A_1663 : vector<16xf32>
        %swap3A_1669 = arith.constant 4 : i32
        %swap3A_1670 = arith.index_cast %swap3A_1669 : i32 to index
        %swap3A_1671 = arith.constant 0 : index
        %swap3A_1672 = tpu.vector_load %arg13[%swap3A_1670, %swap3A_1671] {strides = array<i32>} : memref<16x64xf32, #tpu.memory_space<vmem>>, vector<16xf32>,
        tpu.vector_store %arg13[%swap3A_1670, %swap3A_1671], %mul3A_1668 {strides = array<i32>} : memref<16x64xf32, #tpu.memory_space<vmem>>, vector<16xf32>,
        %get3A_1673 = arith.constant 4 : i32
        %get3A_1674 = arith.index_cast %get3A_1673 : i32 to index
        %get3A_1675 = arith.constant 16 : index
        %get3A_1676 = tpu.vector_load %arg13[%get3A_1674, %get3A_1675] {strides = array<i32>} : memref<16x64xf32, #tpu.memory_space<vmem>>, vector<16xf32>,
        %mul3A_1677 = arith.mulf %get3A_1676, %gather3A_1663 : vector<16xf32>
        %swap3A_1678 = arith.constant 4 : i32
        %swap3A_1679 = arith.index_cast %swap3A_1678 : i32 to index
        %swap3A_1680 = arith.constant 16 : index
        %swap3A_1681 = tpu.vector_load %arg13[%swap3A_1679, %swap3A_1680] {strides = array<i32>} : memref<16x64xf32, #tpu.memory_space<vmem>>, vector<16xf32>,
        tpu.vector_store %arg13[%swap3A_1679, %swap3A_1680], %mul3A_1677 {strides = array<i32>} : memref<16x64xf32, #tpu.memory_space<vmem>>, vector<16xf32>,
        %get3A_1682 = arith.constant 4 : i32
        %get3A_1683 = arith.index_cast %get3A_1682 : i32 to index
        %get3A_1684 = arith.constant 32 : index
        %get3A_1685 = tpu.vector_load %arg13[%get3A_1683, %get3A_1684] {strides = array<i32>} : memref<16x64xf32, #tpu.memory_space<vmem>>, vector<16xf32>,
        %mul3A_1686 = arith.mulf %get3A_1685, %gather3A_1663 : vector<16xf32>
        %swap3A_1687 = arith.constant 4 : i32
        %swap3A_1688 = arith.index_cast %swap3A_1687 : i32 to index
        %swap3A_1689 = arith.constant 32 : index
        %swap3A_1690 = tpu.vector_load %arg13[%swap3A_1688, %swap3A_1689] {strides = array<i32>} : memref<16x64xf32, #tpu.memory_space<vmem>>, vector<16xf32>,
        tpu.vector_store %arg13[%swap3A_1688, %swap3A_1689], %mul3A_1686 {strides = array<i32>} : memref<16x64xf32, #tpu.memory_space<vmem>>, vector<16xf32>,
        %get3A_1691 = arith.constant 4 : i32
        %get3A_1692 = arith.index_cast %get3A_1691 : i32 to index
        %get3A_1693 = arith.constant 48 : index
        %get3A_1694 = tpu.vector_load %arg13[%get3A_1692, %get3A_1693] {strides = array<i32>} : memref<16x64xf32, #tpu.memory_space<vmem>>, vector<16xf32>,
        %mul3A_1695 = arith.mulf %get3A_1694, %gather3A_1663 : vector<16xf32>
        %swap3A_1696 = arith.constant 4 : i32
        %swap3A_1697 = arith.index_cast %swap3A_1696 : i32 to index
        %swap3A_1698 = arith.constant 48 : index
        %swap3A_1699 = tpu.vector_load %arg13[%swap3A_1697, %swap3A_1698] {strides = array<i32>} : memref<16x64xf32, #tpu.memory_space<vmem>>, vector<16xf32>,
        tpu.vector_store %arg13[%swap3A_1697, %swap3A_1698], %mul3A_1695 {strides = array<i32>} : memref<16x64xf32, #tpu.memory_space<vmem>>, vector<16xf32>,
        %broadcast_in_dim3A_1700 = arith.constant 5 : i32
        %broadcast_in_dim3A_1701 = vector.broadcast %broadcast_in_dim3A_1700 : i32 to vector<16xi32>
        %broadcast_in_dim3A_1702 = vector.shape_cast %broadcast_in_dim3A_1701 : vector<16xi32> to vector<16x1xi32>
        %gather3A_1703 = vector.shape_cast %broadcast_in_dim3A_1702 : vector<16x1xi32> to vector<16xi32>
        %gather3A_1704 = tpu.dynamic_gather %exp3A_1492[%gather3A_1703] in [0] : vector<16xf32>, vector<16xi32> -> vector<16xf32>
        %get3A_1705 = arith.constant 5 : i32
        %get3A_1706 = arith.index_cast %get3A_1705 : i32 to index
        %get3A_1707 = arith.constant 0 : index
        %get3A_1708 = tpu.vector_load %arg13[%get3A_1706, %get3A_1707] {strides = array<i32>} : memref<16x64xf32, #tpu.memory_space<vmem>>, vector<16xf32>,
        %mul3A_1709 = arith.mulf %get3A_1708, %gather3A_1704 : vector<16xf32>
        %swap3A_1710 = arith.constant 5 : i32
        %swap3A_1711 = arith.index_cast %swap3A_1710 : i32 to index
        %swap3A_1712 = arith.constant 0 : index
        %swap3A_1713 = tpu.vector_load %arg13[%swap3A_1711, %swap3A_1712] {strides = array<i32>} : memref<16x64xf32, #tpu.memory_space<vmem>>, vector<16xf32>,
        tpu.vector_store %arg13[%swap3A_1711, %swap3A_1712], %mul3A_1709 {strides = array<i32>} : memref<16x64xf32, #tpu.memory_space<vmem>>, vector<16xf32>,
        %get3A_1714 = arith.constant 5 : i32
        %get3A_1715 = arith.index_cast %get3A_1714 : i32 to index
        %get3A_1716 = arith.constant 16 : index
        %get3A_1717 = tpu.vector_load %arg13[%get3A_1715, %get3A_1716] {strides = array<i32>} : memref<16x64xf32, #tpu.memory_space<vmem>>, vector<16xf32>,
        %mul3A_1718 = arith.mulf %get3A_1717, %gather3A_1704 : vector<16xf32>
        %swap3A_1719 = arith.constant 5 : i32
        %swap3A_1720 = arith.index_cast %swap3A_1719 : i32 to index
        %swap3A_1721 = arith.constant 16 : index
        %swap3A_1722 = tpu.vector_load %arg13[%swap3A_1720, %swap3A_1721] {strides = array<i32>} : memref<16x64xf32, #tpu.memory_space<vmem>>, vector<16xf32>,
        tpu.vector_store %arg13[%swap3A_1720, %swap3A_1721], %mul3A_1718 {strides = array<i32>} : memref<16x64xf32, #tpu.memory_space<vmem>>, vector<16xf32>,
        %get3A_1723 = arith.constant 5 : i32
        %get3A_1724 = arith.index_cast %get3A_1723 : i32 to index
        %get3A_1725 = arith.constant 32 : index
        %get3A_1726 = tpu.vector_load %arg13[%get3A_1724, %get3A_1725] {strides = array<i32>} : memref<16x64xf32, #tpu.memory_space<vmem>>, vector<16xf32>,
        %mul3A_1727 = arith.mulf %get3A_1726, %gather3A_1704 : vector<16xf32>
        %swap3A_1728 = arith.constant 5 : i32
        %swap3A_1729 = arith.index_cast %swap3A_1728 : i32 to index
        %swap3A_1730 = arith.constant 32 : index
        %swap3A_1731 = tpu.vector_load %arg13[%swap3A_1729, %swap3A_1730] {strides = array<i32>} : memref<16x64xf32, #tpu.memory_space<vmem>>, vector<16xf32>,
        tpu.vector_store %arg13[%swap3A_1729, %swap3A_1730], %mul3A_1727 {strides = array<i32>} : memref<16x64xf32, #tpu.memory_space<vmem>>, vector<16xf32>,
        %get3A_1732 = arith.constant 5 : i32
        %get3A_1733 = arith.index_cast %get3A_1732 : i32 to index
        %get3A_1734 = arith.constant 48 : index
        %get3A_1735 = tpu.vector_load %arg13[%get3A_1733, %get3A_1734] {strides = array<i32>} : memref<16x64xf32, #tpu.memory_space<vmem>>, vector<16xf32>,
        %mul3A_1736 = arith.mulf %get3A_1735, %gather3A_1704 : vector<16xf32>
        %swap3A_1737 = arith.constant 5 : i32
        %swap3A_1738 = arith.index_cast %swap3A_1737 : i32 to index
        %swap3A_1739 = arith.constant 48 : index
        %swap3A_1740 = tpu.vector_load %arg13[%swap3A_1738, %swap3A_1739] {strides = array<i32>} : memref<16x64xf32, #tpu.memory_space<vmem>>, vector<16xf32>,
        tpu.vector_store %arg13[%swap3A_1738, %swap3A_1739], %mul3A_1736 {strides = array<i32>} : memref<16x64xf32, #tpu.memory_space<vmem>>, vector<16xf32>,
        %broadcast_in_dim3A_1741 = arith.constant 6 : i32
        %broadcast_in_dim3A_1742 = vector.broadcast %broadcast_in_dim3A_1741 : i32 to vector<16xi32>
        %broadcast_in_dim3A_1743 = vector.shape_cast %broadcast_in_dim3A_1742 : vector<16xi32> to vector<16x1xi32>
        %gather3A_1744 = vector.shape_cast %broadcast_in_dim3A_1743 : vector<16x1xi32> to vector<16xi32>
        %gather3A_1745 = tpu.dynamic_gather %exp3A_1492[%gather3A_1744] in [0] : vector<16xf32>, vector<16xi32> -> vector<16xf32>
        %get3A_1746 = arith.constant 6 : i32
        %get3A_1747 = arith.index_cast %get3A_1746 : i32 to index
        %get3A_1748 = arith.constant 0 : index
        %get3A_1749 = tpu.vector_load %arg13[%get3A_1747, %get3A_1748] {strides = array<i32>} : memref<16x64xf32, #tpu.memory_space<vmem>>, vector<16xf32>,
        %mul3A_1750 = arith.mulf %get3A_1749, %gather3A_1745 : vector<16xf32>
        %swap3A_1751 = arith.constant 6 : i32
        %swap3A_1752 = arith.index_cast %swap3A_1751 : i32 to index
        %swap3A_1753 = arith.constant 0 : index
        %swap3A_1754 = tpu.vector_load %arg13[%swap3A_1752, %swap3A_1753] {strides = array<i32>} : memref<16x64xf32, #tpu.memory_space<vmem>>, vector<16xf32>,
        tpu.vector_store %arg13[%swap3A_1752, %swap3A_1753], %mul3A_1750 {strides = array<i32>} : memref<16x64xf32, #tpu.memory_space<vmem>>, vector<16xf32>,
        %get3A_1755 = arith.constant 6 : i32
        %get3A_1756 = arith.index_cast %get3A_1755 : i32 to index
        %get3A_1757 = arith.constant 16 : index
        %get3A_1758 = tpu.vector_load %arg13[%get3A_1756, %get3A_1757] {strides = array<i32>} : memref<16x64xf32, #tpu.memory_space<vmem>>, vector<16xf32>,
        %mul3A_1759 = arith.mulf %get3A_1758, %gather3A_1745 : vector<16xf32>
        %swap3A_1760 = arith.constant 6 : i32
        %swap3A_1761 = arith.index_cast %swap3A_1760 : i32 to index
        %swap3A_1762 = arith.constant 16 : index
        %swap3A_1763 = tpu.vector_load %arg13[%swap3A_1761, %swap3A_1762] {strides = array<i32>} : memref<16x64xf32, #tpu.memory_space<vmem>>, vector<16xf32>,
        tpu.vector_store %arg13[%swap3A_1761, %swap3A_1762], %mul3A_1759 {strides = array<i32>} : memref<16x64xf32, #tpu.memory_space<vmem>>, vector<16xf32>,
        %get3A_1764 = arith.constant 6 : i32
        %get3A_1765 = arith.index_cast %get3A_1764 : i32 to index
        %get3A_1766 = arith.constant 32 : index
        %get3A_1767 = tpu.vector_load %arg13[%get3A_1765, %get3A_1766] {strides = array<i32>} : memref<16x64xf32, #tpu.memory_space<vmem>>, vector<16xf32>,
        %mul3A_1768 = arith.mulf %get3A_1767, %gather3A_1745 : vector<16xf32>
        %swap3A_1769 = arith.constant 6 : i32
        %swap3A_1770 = arith.index_cast %swap3A_1769 : i32 to index
        %swap3A_1771 = arith.constant 32 : index
        %swap3A_1772 = tpu.vector_load %arg13[%swap3A_1770, %swap3A_1771] {strides = array<i32>} : memref<16x64xf32, #tpu.memory_space<vmem>>, vector<16xf32>,
        tpu.vector_store %arg13[%swap3A_1770, %swap3A_1771], %mul3A_1768 {strides = array<i32>} : memref<16x64xf32, #tpu.memory_space<vmem>>, vector<16xf32>,
        %get3A_1773 = arith.constant 6 : i32
        %get3A_1774 = arith.index_cast %get3A_1773 : i32 to index
        %get3A_1775 = arith.constant 48 : index
        %get3A_1776 = tpu.vector_load %arg13[%get3A_1774, %get3A_1775] {strides = array<i32>} : memref<16x64xf32, #tpu.memory_space<vmem>>, vector<16xf32>,
        %mul3A_1777 = arith.mulf %get3A_1776, %gather3A_1745 : vector<16xf32>
        %swap3A_1778 = arith.constant 6 : i32
        %swap3A_1779 = arith.index_cast %swap3A_1778 : i32 to index
        %swap3A_1780 = arith.constant 48 : index
        %swap3A_1781 = tpu.vector_load %arg13[%swap3A_1779, %swap3A_1780] {strides = array<i32>} : memref<16x64xf32, #tpu.memory_space<vmem>>, vector<16xf32>,
        tpu.vector_store %arg13[%swap3A_1779, %swap3A_1780], %mul3A_1777 {strides = array<i32>} : memref<16x64xf32, #tpu.memory_space<vmem>>, vector<16xf32>,
        %broadcast_in_dim3A_1782 = arith.constant 7 : i32
        %broadcast_in_dim3A_1783 = vector.broadcast %broadcast_in_dim3A_1782 : i32 to vector<16xi32>
        %broadcast_in_dim3A_1784 = vector.shape_cast %broadcast_in_dim3A_1783 : vector<16xi32> to vector<16x1xi32>
        %gather3A_1785 = vector.shape_cast %broadcast_in_dim3A_1784 : vector<16x1xi32> to vector<16xi32>
        %gather3A_1786 = tpu.dynamic_gather %exp3A_1492[%gather3A_1785] in [0] : vector<16xf32>, vector<16xi32> -> vector<16xf32>
        %get3A_1787 = arith.constant 7 : i32
        %get3A_1788 = arith.index_cast %get3A_1787 : i32 to index
        %get3A_1789 = arith.constant 0 : index
        %get3A_1790 = tpu.vector_load %arg13[%get3A_1788, %get3A_1789] {strides = array<i32>} : memref<16x64xf32, #tpu.memory_space<vmem>>, vector<16xf32>,
        %mul3A_1791 = arith.mulf %get3A_1790, %gather3A_1786 : vector<16xf32>
        %swap3A_1792 = arith.constant 7 : i32
        %swap3A_1793 = arith.index_cast %swap3A_1792 : i32 to index
        %swap3A_1794 = arith.constant 0 : index
        %swap3A_1795 = tpu.vector_load %arg13[%swap3A_1793, %swap3A_1794] {strides = array<i32>} : memref<16x64xf32, #tpu.memory_space<vmem>>, vector<16xf32>,
        tpu.vector_store %arg13[%swap3A_1793, %swap3A_1794], %mul3A_1791 {strides = array<i32>} : memref<16x64xf32, #tpu.memory_space<vmem>>, vector<16xf32>,
        %get3A_1796 = arith.constant 7 : i32
        %get3A_1797 = arith.index_cast %get3A_1796 : i32 to index
        %get3A_1798 = arith.constant 16 : index
        %get3A_1799 = tpu.vector_load %arg13[%get3A_1797, %get3A_1798] {strides = array<i32>} : memref<16x64xf32, #tpu.memory_space<vmem>>, vector<16xf32>,
        %mul3A_1800 = arith.mulf %get3A_1799, %gather3A_1786 : vector<16xf32>
        %swap3A_1801 = arith.constant 7 : i32
        %swap3A_1802 = arith.index_cast %swap3A_1801 : i32 to index
        %swap3A_1803 = arith.constant 16 : index
        %swap3A_1804 = tpu.vector_load %arg13[%swap3A_1802, %swap3A_1803] {strides = array<i32>} : memref<16x64xf32, #tpu.memory_space<vmem>>, vector<16xf32>,
        tpu.vector_store %arg13[%swap3A_1802, %swap3A_1803], %mul3A_1800 {strides = array<i32>} : memref<16x64xf32, #tpu.memory_space<vmem>>, vector<16xf32>,
        %get3A_1805 = arith.constant 7 : i32
        %get3A_1806 = arith.index_cast %get3A_1805 : i32 to index
        %get3A_1807 = arith.constant 32 : index
        %get3A_1808 = tpu.vector_load %arg13[%get3A_1806, %get3A_1807] {strides = array<i32>} : memref<16x64xf32, #tpu.memory_space<vmem>>, vector<16xf32>,
        %mul3A_1809 = arith.mulf %get3A_1808, %gather3A_1786 : vector<16xf32>
        %swap3A_1810 = arith.constant 7 : i32
        %swap3A_1811 = arith.index_cast %swap3A_1810 : i32 to index
        %swap3A_1812 = arith.constant 32 : index
        %swap3A_1813 = tpu.vector_load %arg13[%swap3A_1811, %swap3A_1812] {strides = array<i32>} : memref<16x64xf32, #tpu.memory_space<vmem>>, vector<16xf32>,
        tpu.vector_store %arg13[%swap3A_1811, %swap3A_1812], %mul3A_1809 {strides = array<i32>} : memref<16x64xf32, #tpu.memory_space<vmem>>, vector<16xf32>,
        %get3A_1814 = arith.constant 7 : i32
        %get3A_1815 = arith.index_cast %get3A_1814 : i32 to index
        %get3A_1816 = arith.constant 48 : index
        %get3A_1817 = tpu.vector_load %arg13[%get3A_1815, %get3A_1816] {strides = array<i32>} : memref<16x64xf32, #tpu.memory_space<vmem>>, vector<16xf32>,
        %mul3A_1818 = arith.mulf %get3A_1817, %gather3A_1786 : vector<16xf32>
        %swap3A_1819 = arith.constant 7 : i32
        %swap3A_1820 = arith.index_cast %swap3A_1819 : i32 to index
        %swap3A_1821 = arith.constant 48 : index
        %swap3A_1822 = tpu.vector_load %arg13[%swap3A_1820, %swap3A_1821] {strides = array<i32>} : memref<16x64xf32, #tpu.memory_space<vmem>>, vector<16xf32>,
        tpu.vector_store %arg13[%swap3A_1820, %swap3A_1821], %mul3A_1818 {strides = array<i32>} : memref<16x64xf32, #tpu.memory_space<vmem>>, vector<16xf32>,
        %broadcast_in_dim3A_1823 = arith.constant 8 : i32
        %broadcast_in_dim3A_1824 = vector.broadcast %broadcast_in_dim3A_1823 : i32 to vector<16xi32>
        %broadcast_in_dim3A_1825 = vector.shape_cast %broadcast_in_dim3A_1824 : vector<16xi32> to vector<16x1xi32>
        %gather3A_1826 = vector.shape_cast %broadcast_in_dim3A_1825 : vector<16x1xi32> to vector<16xi32>
        %gather3A_1827 = tpu.dynamic_gather %exp3A_1492[%gather3A_1826] in [0] : vector<16xf32>, vector<16xi32> -> vector<16xf32>
        %get3A_1828 = arith.constant 8 : i32
        %get3A_1829 = arith.index_cast %get3A_1828 : i32 to index
        %get3A_1830 = arith.constant 0 : index
        %get3A_1831 = tpu.vector_load %arg13[%get3A_1829, %get3A_1830] {strides = array<i32>} : memref<16x64xf32, #tpu.memory_space<vmem>>, vector<16xf32>,
        %mul3A_1832 = arith.mulf %get3A_1831, %gather3A_1827 : vector<16xf32>
        %swap3A_1833 = arith.constant 8 : i32
        %swap3A_1834 = arith.index_cast %swap3A_1833 : i32 to index
        %swap3A_1835 = arith.constant 0 : index
        %swap3A_1836 = tpu.vector_load %arg13[%swap3A_1834, %swap3A_1835] {strides = array<i32>} : memref<16x64xf32, #tpu.memory_space<vmem>>, vector<16xf32>,
        tpu.vector_store %arg13[%swap3A_1834, %swap3A_1835], %mul3A_1832 {strides = array<i32>} : memref<16x64xf32, #tpu.memory_space<vmem>>, vector<16xf32>,
        %get3A_1837 = arith.constant 8 : i32
        %get3A_1838 = arith.index_cast %get3A_1837 : i32 to index
        %get3A_1839 = arith.constant 16 : index
        %get3A_1840 = tpu.vector_load %arg13[%get3A_1838, %get3A_1839] {strides = array<i32>} : memref<16x64xf32, #tpu.memory_space<vmem>>, vector<16xf32>,
        %mul3A_1841 = arith.mulf %get3A_1840, %gather3A_1827 : vector<16xf32>
        %swap3A_1842 = arith.constant 8 : i32
        %swap3A_1843 = arith.index_cast %swap3A_1842 : i32 to index
        %swap3A_1844 = arith.constant 16 : index
        %swap3A_1845 = tpu.vector_load %arg13[%swap3A_1843, %swap3A_1844] {strides = array<i32>} : memref<16x64xf32, #tpu.memory_space<vmem>>, vector<16xf32>,
        tpu.vector_store %arg13[%swap3A_1843, %swap3A_1844], %mul3A_1841 {strides = array<i32>} : memref<16x64xf32, #tpu.memory_space<vmem>>, vector<16xf32>,
        %get3A_1846 = arith.constant 8 : i32
        %get3A_1847 = arith.index_cast %get3A_1846 : i32 to index
        %get3A_1848 = arith.constant 32 : index
        %get3A_1849 = tpu.vector_load %arg13[%get3A_1847, %get3A_1848] {strides = array<i32>} : memref<16x64xf32, #tpu.memory_space<vmem>>, vector<16xf32>,
        %mul3A_1850 = arith.mulf %get3A_1849, %gather3A_1827 : vector<16xf32>
        %swap3A_1851 = arith.constant 8 : i32
        %swap3A_1852 = arith.index_cast %swap3A_1851 : i32 to index
        %swap3A_1853 = arith.constant 32 : index
        %swap3A_1854 = tpu.vector_load %arg13[%swap3A_1852, %swap3A_1853] {strides = array<i32>} : memref<16x64xf32, #tpu.memory_space<vmem>>, vector<16xf32>,
        tpu.vector_store %arg13[%swap3A_1852, %swap3A_1853], %mul3A_1850 {strides = array<i32>} : memref<16x64xf32, #tpu.memory_space<vmem>>, vector<16xf32>,
        %get3A_1855 = arith.constant 8 : i32
        %get3A_1856 = arith.index_cast %get3A_1855 : i32 to index
        %get3A_1857 = arith.constant 48 : index
        %get3A_1858 = tpu.vector_load %arg13[%get3A_1856, %get3A_1857] {strides = array<i32>} : memref<16x64xf32, #tpu.memory_space<vmem>>, vector<16xf32>,
        %mul3A_1859 = arith.mulf %get3A_1858, %gather3A_1827 : vector<16xf32>
        %swap3A_1860 = arith.constant 8 : i32
        %swap3A_1861 = arith.index_cast %swap3A_1860 : i32 to index
        %swap3A_1862 = arith.constant 48 : index
        %swap3A_1863 = tpu.vector_load %arg13[%swap3A_1861, %swap3A_1862] {strides = array<i32>} : memref<16x64xf32, #tpu.memory_space<vmem>>, vector<16xf32>,
        tpu.vector_store %arg13[%swap3A_1861, %swap3A_1862], %mul3A_1859 {strides = array<i32>} : memref<16x64xf32, #tpu.memory_space<vmem>>, vector<16xf32>,
        %broadcast_in_dim3A_1864 = arith.constant 9 : i32
        %broadcast_in_dim3A_1865 = vector.broadcast %broadcast_in_dim3A_1864 : i32 to vector<16xi32>
        %broadcast_in_dim3A_1866 = vector.shape_cast %broadcast_in_dim3A_1865 : vector<16xi32> to vector<16x1xi32>
        %gather3A_1867 = vector.shape_cast %broadcast_in_dim3A_1866 : vector<16x1xi32> to vector<16xi32>
        %gather3A_1868 = tpu.dynamic_gather %exp3A_1492[%gather3A_1867] in [0] : vector<16xf32>, vector<16xi32> -> vector<16xf32>
        %get3A_1869 = arith.constant 9 : i32
        %get3A_1870 = arith.index_cast %get3A_1869 : i32 to index
        %get3A_1871 = arith.constant 0 : index
        %get3A_1872 = tpu.vector_load %arg13[%get3A_1870, %get3A_1871] {strides = array<i32>} : memref<16x64xf32, #tpu.memory_space<vmem>>, vector<16xf32>,
        %mul3A_1873 = arith.mulf %get3A_1872, %gather3A_1868 : vector<16xf32>
        %swap3A_1874 = arith.constant 9 : i32
        %swap3A_1875 = arith.index_cast %swap3A_1874 : i32 to index
        %swap3A_1876 = arith.constant 0 : index
        %swap3A_1877 = tpu.vector_load %arg13[%swap3A_1875, %swap3A_1876] {strides = array<i32>} : memref<16x64xf32, #tpu.memory_space<vmem>>, vector<16xf32>,
        tpu.vector_store %arg13[%swap3A_1875, %swap3A_1876], %mul3A_1873 {strides = array<i32>} : memref<16x64xf32, #tpu.memory_space<vmem>>, vector<16xf32>,
        %get3A_1878 = arith.constant 9 : i32
        %get3A_1879 = arith.index_cast %get3A_1878 : i32 to index
        %get3A_1880 = arith.constant 16 : index
        %get3A_1881 = tpu.vector_load %arg13[%get3A_1879, %get3A_1880] {strides = array<i32>} : memref<16x64xf32, #tpu.memory_space<vmem>>, vector<16xf32>,
        %mul3A_1882 = arith.mulf %get3A_1881, %gather3A_1868 : vector<16xf32>
        %swap3A_1883 = arith.constant 9 : i32
        %swap3A_1884 = arith.index_cast %swap3A_1883 : i32 to index
        %swap3A_1885 = arith.constant 16 : index
        %swap3A_1886 = tpu.vector_load %arg13[%swap3A_1884, %swap3A_1885] {strides = array<i32>} : memref<16x64xf32, #tpu.memory_space<vmem>>, vector<16xf32>,
        tpu.vector_store %arg13[%swap3A_1884, %swap3A_1885], %mul3A_1882 {strides = array<i32>} : memref<16x64xf32, #tpu.memory_space<vmem>>, vector<16xf32>,
        %get3A_1887 = arith.constant 9 : i32
        %get3A_1888 = arith.index_cast %get3A_1887 : i32 to index
        %get3A_1889 = arith.constant 32 : index
        %get3A_1890 = tpu.vector_load %arg13[%get3A_1888, %get3A_1889] {strides = array<i32>} : memref<16x64xf32, #tpu.memory_space<vmem>>, vector<16xf32>,
        %mul3A_1891 = arith.mulf %get3A_1890, %gather3A_1868 : vector<16xf32>
        %swap3A_1892 = arith.constant 9 : i32
        %swap3A_1893 = arith.index_cast %swap3A_1892 : i32 to index
        %swap3A_1894 = arith.constant 32 : index
        %swap3A_1895 = tpu.vector_load %arg13[%swap3A_1893, %swap3A_1894] {strides = array<i32>} : memref<16x64xf32, #tpu.memory_space<vmem>>, vector<16xf32>,
        tpu.vector_store %arg13[%swap3A_1893, %swap3A_1894], %mul3A_1891 {strides = array<i32>} : memref<16x64xf32, #tpu.memory_space<vmem>>, vector<16xf32>,
        %get3A_1896 = arith.constant 9 : i32
        %get3A_1897 = arith.index_cast %get3A_1896 : i32 to index
        %get3A_1898 = arith.constant 48 : index
        %get3A_1899 = tpu.vector_load %arg13[%get3A_1897, %get3A_1898] {strides = array<i32>} : memref<16x64xf32, #tpu.memory_space<vmem>>, vector<16xf32>,
        %mul3A_1900 = arith.mulf %get3A_1899, %gather3A_1868 : vector<16xf32>
        %swap3A_1901 = arith.constant 9 : i32
        %swap3A_1902 = arith.index_cast %swap3A_1901 : i32 to index
        %swap3A_1903 = arith.constant 48 : index
        %swap3A_1904 = tpu.vector_load %arg13[%swap3A_1902, %swap3A_1903] {strides = array<i32>} : memref<16x64xf32, #tpu.memory_space<vmem>>, vector<16xf32>,
        tpu.vector_store %arg13[%swap3A_1902, %swap3A_1903], %mul3A_1900 {strides = array<i32>} : memref<16x64xf32, #tpu.memory_space<vmem>>, vector<16xf32>,
        %broadcast_in_dim3A_1905 = arith.constant 10 : i32
        %broadcast_in_dim3A_1906 = vector.broadcast %broadcast_in_dim3A_1905 : i32 to vector<16xi32>
        %broadcast_in_dim3A_1907 = vector.shape_cast %broadcast_in_dim3A_1906 : vector<16xi32> to vector<16x1xi32>
        %gather3A_1908 = vector.shape_cast %broadcast_in_dim3A_1907 : vector<16x1xi32> to vector<16xi32>
        %gather3A_1909 = tpu.dynamic_gather %exp3A_1492[%gather3A_1908] in [0] : vector<16xf32>, vector<16xi32> -> vector<16xf32>
        %get3A_1910 = arith.constant 10 : i32
        %get3A_1911 = arith.index_cast %get3A_1910 : i32 to index
        %get3A_1912 = arith.constant 0 : index
        %get3A_1913 = tpu.vector_load %arg13[%get3A_1911, %get3A_1912] {strides = array<i32>} : memref<16x64xf32, #tpu.memory_space<vmem>>, vector<16xf32>,
        %mul3A_1914 = arith.mulf %get3A_1913, %gather3A_1909 : vector<16xf32>
        %swap3A_1915 = arith.constant 10 : i32
        %swap3A_1916 = arith.index_cast %swap3A_1915 : i32 to index
        %swap3A_1917 = arith.constant 0 : index
        %swap3A_1918 = tpu.vector_load %arg13[%swap3A_1916, %swap3A_1917] {strides = array<i32>} : memref<16x64xf32, #tpu.memory_space<vmem>>, vector<16xf32>,
        tpu.vector_store %arg13[%swap3A_1916, %swap3A_1917], %mul3A_1914 {strides = array<i32>} : memref<16x64xf32, #tpu.memory_space<vmem>>, vector<16xf32>,
        %get3A_1919 = arith.constant 10 : i32
        %get3A_1920 = arith.index_cast %get3A_1919 : i32 to index
        %get3A_1921 = arith.constant 16 : index
        %get3A_1922 = tpu.vector_load %arg13[%get3A_1920, %get3A_1921] {strides = array<i32>} : memref<16x64xf32, #tpu.memory_space<vmem>>, vector<16xf32>,
        %mul3A_1923 = arith.mulf %get3A_1922, %gather3A_1909 : vector<16xf32>
        %swap3A_1924 = arith.constant 10 : i32
        %swap3A_1925 = arith.index_cast %swap3A_1924 : i32 to index
        %swap3A_1926 = arith.constant 16 : index
        %swap3A_1927 = tpu.vector_load %arg13[%swap3A_1925, %swap3A_1926] {strides = array<i32>} : memref<16x64xf32, #tpu.memory_space<vmem>>, vector<16xf32>,
        tpu.vector_store %arg13[%swap3A_1925, %swap3A_1926], %mul3A_1923 {strides = array<i32>} : memref<16x64xf32, #tpu.memory_space<vmem>>, vector<16xf32>,
        %get3A_1928 = arith.constant 10 : i32
        %get3A_1929 = arith.index_cast %get3A_1928 : i32 to index
        %get3A_1930 = arith.constant 32 : index
        %get3A_1931 = tpu.vector_load %arg13[%get3A_1929, %get3A_1930] {strides = array<i32>} : memref<16x64xf32, #tpu.memory_space<vmem>>, vector<16xf32>,
        %mul3A_1932 = arith.mulf %get3A_1931, %gather3A_1909 : vector<16xf32>
        %swap3A_1933 = arith.constant 10 : i32
        %swap3A_1934 = arith.index_cast %swap3A_1933 : i32 to index
        %swap3A_1935 = arith.constant 32 : index
        %swap3A_1936 = tpu.vector_load %arg13[%swap3A_1934, %swap3A_1935] {strides = array<i32>} : memref<16x64xf32, #tpu.memory_space<vmem>>, vector<16xf32>,
        tpu.vector_store %arg13[%swap3A_1934, %swap3A_1935], %mul3A_1932 {strides = array<i32>} : memref<16x64xf32, #tpu.memory_space<vmem>>, vector<16xf32>,
        %get3A_1937 = arith.constant 10 : i32
        %get3A_1938 = arith.index_cast %get3A_1937 : i32 to index
        %get3A_1939 = arith.constant 48 : index
        %get3A_1940 = tpu.vector_load %arg13[%get3A_1938, %get3A_1939] {strides = array<i32>} : memref<16x64xf32, #tpu.memory_space<vmem>>, vector<16xf32>,
        %mul3A_1941 = arith.mulf %get3A_1940, %gather3A_1909 : vector<16xf32>
        %swap3A_1942 = arith.constant 10 : i32
        %swap3A_1943 = arith.index_cast %swap3A_1942 : i32 to index
        %swap3A_1944 = arith.constant 48 : index
        %swap3A_1945 = tpu.vector_load %arg13[%swap3A_1943, %swap3A_1944] {strides = array<i32>} : memref<16x64xf32, #tpu.memory_space<vmem>>, vector<16xf32>,
        tpu.vector_store %arg13[%swap3A_1943, %swap3A_1944], %mul3A_1941 {strides = array<i32>} : memref<16x64xf32, #tpu.memory_space<vmem>>, vector<16xf32>,
        %broadcast_in_dim3A_1946 = arith.constant 11 : i32
        %broadcast_in_dim3A_1947 = vector.broadcast %broadcast_in_dim3A_1946 : i32 to vector<16xi32>
        %broadcast_in_dim3A_1948 = vector.shape_cast %broadcast_in_dim3A_1947 : vector<16xi32> to vector<16x1xi32>
        %gather3A_1949 = vector.shape_cast %broadcast_in_dim3A_1948 : vector<16x1xi32> to vector<16xi32>
        %gather3A_1950 = tpu.dynamic_gather %exp3A_1492[%gather3A_1949] in [0] : vector<16xf32>, vector<16xi32> -> vector<16xf32>
        %get3A_1951 = arith.constant 11 : i32
        %get3A_1952 = arith.index_cast %get3A_1951 : i32 to index
        %get3A_1953 = arith.constant 0 : index
        %get3A_1954 = tpu.vector_load %arg13[%get3A_1952, %get3A_1953] {strides = array<i32>} : memref<16x64xf32, #tpu.memory_space<vmem>>, vector<16xf32>,
        %mul3A_1955 = arith.mulf %get3A_1954, %gather3A_1950 : vector<16xf32>
        %swap3A_1956 = arith.constant 11 : i32
        %swap3A_1957 = arith.index_cast %swap3A_1956 : i32 to index
        %swap3A_1958 = arith.constant 0 : index
        %swap3A_1959 = tpu.vector_load %arg13[%swap3A_1957, %swap3A_1958] {strides = array<i32>} : memref<16x64xf32, #tpu.memory_space<vmem>>, vector<16xf32>,
        tpu.vector_store %arg13[%swap3A_1957, %swap3A_1958], %mul3A_1955 {strides = array<i32>} : memref<16x64xf32, #tpu.memory_space<vmem>>, vector<16xf32>,
        %get3A_1960 = arith.constant 11 : i32
        %get3A_1961 = arith.index_cast %get3A_1960 : i32 to index
        %get3A_1962 = arith.constant 16 : index
        %get3A_1963 = tpu.vector_load %arg13[%get3A_1961, %get3A_1962] {strides = array<i32>} : memref<16x64xf32, #tpu.memory_space<vmem>>, vector<16xf32>,
        %mul3A_1964 = arith.mulf %get3A_1963, %gather3A_1950 : vector<16xf32>
        %swap3A_1965 = arith.constant 11 : i32
        %swap3A_1966 = arith.index_cast %swap3A_1965 : i32 to index
        %swap3A_1967 = arith.constant 16 : index
        %swap3A_1968 = tpu.vector_load %arg13[%swap3A_1966, %swap3A_1967] {strides = array<i32>} : memref<16x64xf32, #tpu.memory_space<vmem>>, vector<16xf32>,
        tpu.vector_store %arg13[%swap3A_1966, %swap3A_1967], %mul3A_1964 {strides = array<i32>} : memref<16x64xf32, #tpu.memory_space<vmem>>, vector<16xf32>,
        %get3A_1969 = arith.constant 11 : i32
        %get3A_1970 = arith.index_cast %get3A_1969 : i32 to index
        %get3A_1971 = arith.constant 32 : index
        %get3A_1972 = tpu.vector_load %arg13[%get3A_1970, %get3A_1971] {strides = array<i32>} : memref<16x64xf32, #tpu.memory_space<vmem>>, vector<16xf32>,
        %mul3A_1973 = arith.mulf %get3A_1972, %gather3A_1950 : vector<16xf32>
        %swap3A_1974 = arith.constant 11 : i32
        %swap3A_1975 = arith.index_cast %swap3A_1974 : i32 to index
        %swap3A_1976 = arith.constant 32 : index
        %swap3A_1977 = tpu.vector_load %arg13[%swap3A_1975, %swap3A_1976] {strides = array<i32>} : memref<16x64xf32, #tpu.memory_space<vmem>>, vector<16xf32>,
        tpu.vector_store %arg13[%swap3A_1975, %swap3A_1976], %mul3A_1973 {strides = array<i32>} : memref<16x64xf32, #tpu.memory_space<vmem>>, vector<16xf32>,
        %get3A_1978 = arith.constant 11 : i32
        %get3A_1979 = arith.index_cast %get3A_1978 : i32 to index
        %get3A_1980 = arith.constant 48 : index
        %get3A_1981 = tpu.vector_load %arg13[%get3A_1979, %get3A_1980] {strides = array<i32>} : memref<16x64xf32, #tpu.memory_space<vmem>>, vector<16xf32>,
        %mul3A_1982 = arith.mulf %get3A_1981, %gather3A_1950 : vector<16xf32>
        %swap3A_1983 = arith.constant 11 : i32
        %swap3A_1984 = arith.index_cast %swap3A_1983 : i32 to index
        %swap3A_1985 = arith.constant 48 : index
        %swap3A_1986 = tpu.vector_load %arg13[%swap3A_1984, %swap3A_1985] {strides = array<i32>} : memref<16x64xf32, #tpu.memory_space<vmem>>, vector<16xf32>,
        tpu.vector_store %arg13[%swap3A_1984, %swap3A_1985], %mul3A_1982 {strides = array<i32>} : memref<16x64xf32, #tpu.memory_space<vmem>>, vector<16xf32>,
        %broadcast_in_dim3A_1987 = arith.constant 12 : i32
        %broadcast_in_dim3A_1988 = vector.broadcast %broadcast_in_dim3A_1987 : i32 to vector<16xi32>
        %broadcast_in_dim3A_1989 = vector.shape_cast %broadcast_in_dim3A_1988 : vector<16xi32> to vector<16x1xi32>
        %gather3A_1990 = vector.shape_cast %broadcast_in_dim3A_1989 : vector<16x1xi32> to vector<16xi32>
        %gather3A_1991 = tpu.dynamic_gather %exp3A_1492[%gather3A_1990] in [0] : vector<16xf32>, vector<16xi32> -> vector<16xf32>
        %get3A_1992 = arith.constant 12 : i32
        %get3A_1993 = arith.index_cast %get3A_1992 : i32 to index
        %get3A_1994 = arith.constant 0 : index
        %get3A_1995 = tpu.vector_load %arg13[%get3A_1993, %get3A_1994] {strides = array<i32>} : memref<16x64xf32, #tpu.memory_space<vmem>>, vector<16xf32>,
        %mul3A_1996 = arith.mulf %get3A_1995, %gather3A_1991 : vector<16xf32>
        %swap3A_1997 = arith.constant 12 : i32
        %swap3A_1998 = arith.index_cast %swap3A_1997 : i32 to index
        %swap3A_1999 = arith.constant 0 : index
        %swap3A_2000 = tpu.vector_load %arg13[%swap3A_1998, %swap3A_1999] {strides = array<i32>} : memref<16x64xf32, #tpu.memory_space<vmem>>, vector<16xf32>,
        tpu.vector_store %arg13[%swap3A_1998, %swap3A_1999], %mul3A_1996 {strides = array<i32>} : memref<16x64xf32, #tpu.memory_space<vmem>>, vector<16xf32>,
        %get3A_2001 = arith.constant 12 : i32
        %get3A_2002 = arith.index_cast %get3A_2001 : i32 to index
        %get3A_2003 = arith.constant 16 : index
        %get3A_2004 = tpu.vector_load %arg13[%get3A_2002, %get3A_2003] {strides = array<i32>} : memref<16x64xf32, #tpu.memory_space<vmem>>, vector<16xf32>,
        %mul3A_2005 = arith.mulf %get3A_2004, %gather3A_1991 : vector<16xf32>
        %swap3A_2006 = arith.constant 12 : i32
        %swap3A_2007 = arith.index_cast %swap3A_2006 : i32 to index
        %swap3A_2008 = arith.constant 16 : index
        %swap3A_2009 = tpu.vector_load %arg13[%swap3A_2007, %swap3A_2008] {strides = array<i32>} : memref<16x64xf32, #tpu.memory_space<vmem>>, vector<16xf32>,
        tpu.vector_store %arg13[%swap3A_2007, %swap3A_2008], %mul3A_2005 {strides = array<i32>} : memref<16x64xf32, #tpu.memory_space<vmem>>, vector<16xf32>,
        %get3A_2010 = arith.constant 12 : i32
        %get3A_2011 = arith.index_cast %get3A_2010 : i32 to index
        %get3A_2012 = arith.constant 32 : index
        %get3A_2013 = tpu.vector_load %arg13[%get3A_2011, %get3A_2012] {strides = array<i32>} : memref<16x64xf32, #tpu.memory_space<vmem>>, vector<16xf32>,
        %mul3A_2014 = arith.mulf %get3A_2013, %gather3A_1991 : vector<16xf32>
        %swap3A_2015 = arith.constant 12 : i32
        %swap3A_2016 = arith.index_cast %swap3A_2015 : i32 to index
        %swap3A_2017 = arith.constant 32 : index
        %swap3A_2018 = tpu.vector_load %arg13[%swap3A_2016, %swap3A_2017] {strides = array<i32>} : memref<16x64xf32, #tpu.memory_space<vmem>>, vector<16xf32>,
        tpu.vector_store %arg13[%swap3A_2016, %swap3A_2017], %mul3A_2014 {strides = array<i32>} : memref<16x64xf32, #tpu.memory_space<vmem>>, vector<16xf32>,
        %get3A_2019 = arith.constant 12 : i32
        %get3A_2020 = arith.index_cast %get3A_2019 : i32 to index
        %get3A_2021 = arith.constant 48 : index
        %get3A_2022 = tpu.vector_load %arg13[%get3A_2020, %get3A_2021] {strides = array<i32>} : memref<16x64xf32, #tpu.memory_space<vmem>>, vector<16xf32>,
        %mul3A_2023 = arith.mulf %get3A_2022, %gather3A_1991 : vector<16xf32>
        %swap3A_2024 = arith.constant 12 : i32
        %swap3A_2025 = arith.index_cast %swap3A_2024 : i32 to index
        %swap3A_2026 = arith.constant 48 : index
        %swap3A_2027 = tpu.vector_load %arg13[%swap3A_2025, %swap3A_2026] {strides = array<i32>} : memref<16x64xf32, #tpu.memory_space<vmem>>, vector<16xf32>,
        tpu.vector_store %arg13[%swap3A_2025, %swap3A_2026], %mul3A_2023 {strides = array<i32>} : memref<16x64xf32, #tpu.memory_space<vmem>>, vector<16xf32>,
        %broadcast_in_dim3A_2028 = arith.constant 13 : i32
        %broadcast_in_dim3A_2029 = vector.broadcast %broadcast_in_dim3A_2028 : i32 to vector<16xi32>
        %broadcast_in_dim3A_2030 = vector.shape_cast %broadcast_in_dim3A_2029 : vector<16xi32> to vector<16x1xi32>
        %gather3A_2031 = vector.shape_cast %broadcast_in_dim3A_2030 : vector<16x1xi32> to vector<16xi32>
        %gather3A_2032 = tpu.dynamic_gather %exp3A_1492[%gather3A_2031] in [0] : vector<16xf32>, vector<16xi32> -> vector<16xf32>
        %get3A_2033 = arith.constant 13 : i32
        %get3A_2034 = arith.index_cast %get3A_2033 : i32 to index
        %get3A_2035 = arith.constant 0 : index
        %get3A_2036 = tpu.vector_load %arg13[%get3A_2034, %get3A_2035] {strides = array<i32>} : memref<16x64xf32, #tpu.memory_space<vmem>>, vector<16xf32>,
        %mul3A_2037 = arith.mulf %get3A_2036, %gather3A_2032 : vector<16xf32>
        %swap3A_2038 = arith.constant 13 : i32
        %swap3A_2039 = arith.index_cast %swap3A_2038 : i32 to index
        %swap3A_2040 = arith.constant 0 : index
        %swap3A_2041 = tpu.vector_load %arg13[%swap3A_2039, %swap3A_2040] {strides = array<i32>} : memref<16x64xf32, #tpu.memory_space<vmem>>, vector<16xf32>,
        tpu.vector_store %arg13[%swap3A_2039, %swap3A_2040], %mul3A_2037 {strides = array<i32>} : memref<16x64xf32, #tpu.memory_space<vmem>>, vector<16xf32>,
        %get3A_2042 = arith.constant 13 : i32
        %get3A_2043 = arith.index_cast %get3A_2042 : i32 to index
        %get3A_2044 = arith.constant 16 : index
        %get3A_2045 = tpu.vector_load %arg13[%get3A_2043, %get3A_2044] {strides = array<i32>} : memref<16x64xf32, #tpu.memory_space<vmem>>, vector<16xf32>,
        %mul3A_2046 = arith.mulf %get3A_2045, %gather3A_2032 : vector<16xf32>
        %swap3A_2047 = arith.constant 13 : i32
        %swap3A_2048 = arith.index_cast %swap3A_2047 : i32 to index
        %swap3A_2049 = arith.constant 16 : index
        %swap3A_2050 = tpu.vector_load %arg13[%swap3A_2048, %swap3A_2049] {strides = array<i32>} : memref<16x64xf32, #tpu.memory_space<vmem>>, vector<16xf32>,
        tpu.vector_store %arg13[%swap3A_2048, %swap3A_2049], %mul3A_2046 {strides = array<i32>} : memref<16x64xf32, #tpu.memory_space<vmem>>, vector<16xf32>,
        %get3A_2051 = arith.constant 13 : i32
        %get3A_2052 = arith.index_cast %get3A_2051 : i32 to index
        %get3A_2053 = arith.constant 32 : index
        %get3A_2054 = tpu.vector_load %arg13[%get3A_2052, %get3A_2053] {strides = array<i32>} : memref<16x64xf32, #tpu.memory_space<vmem>>, vector<16xf32>,
        %mul3A_2055 = arith.mulf %get3A_2054, %gather3A_2032 : vector<16xf32>
        %swap3A_2056 = arith.constant 13 : i32
        %swap3A_2057 = arith.index_cast %swap3A_2056 : i32 to index
        %swap3A_2058 = arith.constant 32 : index
        %swap3A_2059 = tpu.vector_load %arg13[%swap3A_2057, %swap3A_2058] {strides = array<i32>} : memref<16x64xf32, #tpu.memory_space<vmem>>, vector<16xf32>,
        tpu.vector_store %arg13[%swap3A_2057, %swap3A_2058], %mul3A_2055 {strides = array<i32>} : memref<16x64xf32, #tpu.memory_space<vmem>>, vector<16xf32>,
        %get3A_2060 = arith.constant 13 : i32
        %get3A_2061 = arith.index_cast %get3A_2060 : i32 to index
        %get3A_2062 = arith.constant 48 : index
        %get3A_2063 = tpu.vector_load %arg13[%get3A_2061, %get3A_2062] {strides = array<i32>} : memref<16x64xf32, #tpu.memory_space<vmem>>, vector<16xf32>,
        %mul3A_2064 = arith.mulf %get3A_2063, %gather3A_2032 : vector<16xf32>
        %swap3A_2065 = arith.constant 13 : i32
        %swap3A_2066 = arith.index_cast %swap3A_2065 : i32 to index
        %swap3A_2067 = arith.constant 48 : index
        %swap3A_2068 = tpu.vector_load %arg13[%swap3A_2066, %swap3A_2067] {strides = array<i32>} : memref<16x64xf32, #tpu.memory_space<vmem>>, vector<16xf32>,
        tpu.vector_store %arg13[%swap3A_2066, %swap3A_2067], %mul3A_2064 {strides = array<i32>} : memref<16x64xf32, #tpu.memory_space<vmem>>, vector<16xf32>,
        %broadcast_in_dim3A_2069 = arith.constant 14 : i32
        %broadcast_in_dim3A_2070 = vector.broadcast %broadcast_in_dim3A_2069 : i32 to vector<16xi32>
        %broadcast_in_dim3A_2071 = vector.shape_cast %broadcast_in_dim3A_2070 : vector<16xi32> to vector<16x1xi32>
        %gather3A_2072 = vector.shape_cast %broadcast_in_dim3A_2071 : vector<16x1xi32> to vector<16xi32>
        %gather3A_2073 = tpu.dynamic_gather %exp3A_1492[%gather3A_2072] in [0] : vector<16xf32>, vector<16xi32> -> vector<16xf32>
        %get3A_2074 = arith.constant 14 : i32
        %get3A_2075 = arith.index_cast %get3A_2074 : i32 to index
        %get3A_2076 = arith.constant 0 : index
        %get3A_2077 = tpu.vector_load %arg13[%get3A_2075, %get3A_2076] {strides = array<i32>} : memref<16x64xf32, #tpu.memory_space<vmem>>, vector<16xf32>,
        %mul3A_2078 = arith.mulf %get3A_2077, %gather3A_2073 : vector<16xf32>
        %swap3A_2079 = arith.constant 14 : i32
        %swap3A_2080 = arith.index_cast %swap3A_2079 : i32 to index
        %swap3A_2081 = arith.constant 0 : index
        %swap3A_2082 = tpu.vector_load %arg13[%swap3A_2080, %swap3A_2081] {strides = array<i32>} : memref<16x64xf32, #tpu.memory_space<vmem>>, vector<16xf32>,
        tpu.vector_store %arg13[%swap3A_2080, %swap3A_2081], %mul3A_2078 {strides = array<i32>} : memref<16x64xf32, #tpu.memory_space<vmem>>, vector<16xf32>,
        %get3A_2083 = arith.constant 14 : i32
        %get3A_2084 = arith.index_cast %get3A_2083 : i32 to index
        %get3A_2085 = arith.constant 16 : index
        %get3A_2086 = tpu.vector_load %arg13[%get3A_2084, %get3A_2085] {strides = array<i32>} : memref<16x64xf32, #tpu.memory_space<vmem>>, vector<16xf32>,
        %mul3A_2087 = arith.mulf %get3A_2086, %gather3A_2073 : vector<16xf32>
        %swap3A_2088 = arith.constant 14 : i32
        %swap3A_2089 = arith.index_cast %swap3A_2088 : i32 to index
        %swap3A_2090 = arith.constant 16 : index
        %swap3A_2091 = tpu.vector_load %arg13[%swap3A_2089, %swap3A_2090] {strides = array<i32>} : memref<16x64xf32, #tpu.memory_space<vmem>>, vector<16xf32>,
        tpu.vector_store %arg13[%swap3A_2089, %swap3A_2090], %mul3A_2087 {strides = array<i32>} : memref<16x64xf32, #tpu.memory_space<vmem>>, vector<16xf32>,
        %get3A_2092 = arith.constant 14 : i32
        %get3A_2093 = arith.index_cast %get3A_2092 : i32 to index
        %get3A_2094 = arith.constant 32 : index
        %get3A_2095 = tpu.vector_load %arg13[%get3A_2093, %get3A_2094] {strides = array<i32>} : memref<16x64xf32, #tpu.memory_space<vmem>>, vector<16xf32>,
        %mul3A_2096 = arith.mulf %get3A_2095, %gather3A_2073 : vector<16xf32>
        %swap3A_2097 = arith.constant 14 : i32
        %swap3A_2098 = arith.index_cast %swap3A_2097 : i32 to index
        %swap3A_2099 = arith.constant 32 : index
        %swap3A_2100 = tpu.vector_load %arg13[%swap3A_2098, %swap3A_2099] {strides = array<i32>} : memref<16x64xf32, #tpu.memory_space<vmem>>, vector<16xf32>,
        tpu.vector_store %arg13[%swap3A_2098, %swap3A_2099], %mul3A_2096 {strides = array<i32>} : memref<16x64xf32, #tpu.memory_space<vmem>>, vector<16xf32>,
        %get3A_2101 = arith.constant 14 : i32
        %get3A_2102 = arith.index_cast %get3A_2101 : i32 to index
        %get3A_2103 = arith.constant 48 : index
        %get3A_2104 = tpu.vector_load %arg13[%get3A_2102, %get3A_2103] {strides = array<i32>} : memref<16x64xf32, #tpu.memory_space<vmem>>, vector<16xf32>,
        %mul3A_2105 = arith.mulf %get3A_2104, %gather3A_2073 : vector<16xf32>
        %swap3A_2106 = arith.constant 14 : i32
        %swap3A_2107 = arith.index_cast %swap3A_2106 : i32 to index
        %swap3A_2108 = arith.constant 48 : index
        %swap3A_2109 = tpu.vector_load %arg13[%swap3A_2107, %swap3A_2108] {strides = array<i32>} : memref<16x64xf32, #tpu.memory_space<vmem>>, vector<16xf32>,
        tpu.vector_store %arg13[%swap3A_2107, %swap3A_2108], %mul3A_2105 {strides = array<i32>} : memref<16x64xf32, #tpu.memory_space<vmem>>, vector<16xf32>,
        %broadcast_in_dim3A_2110 = arith.constant 15 : i32
        %broadcast_in_dim3A_2111 = vector.broadcast %broadcast_in_dim3A_2110 : i32 to vector<16xi32>
        %broadcast_in_dim3A_2112 = vector.shape_cast %broadcast_in_dim3A_2111 : vector<16xi32> to vector<16x1xi32>
        %gather3A_2113 = vector.shape_cast %broadcast_in_dim3A_2112 : vector<16x1xi32> to vector<16xi32>
        %gather3A_2114 = tpu.dynamic_gather %exp3A_1492[%gather3A_2113] in [0] : vector<16xf32>, vector<16xi32> -> vector<16xf32>
        %get3A_2115 = arith.constant 15 : i32
        %get3A_2116 = arith.index_cast %get3A_2115 : i32 to index
        %get3A_2117 = arith.constant 0 : index
        %get3A_2118 = tpu.vector_load %arg13[%get3A_2116, %get3A_2117] {strides = array<i32>} : memref<16x64xf32, #tpu.memory_space<vmem>>, vector<16xf32>,
        %mul3A_2119 = arith.mulf %get3A_2118, %gather3A_2114 : vector<16xf32>
        %swap3A_2120 = arith.constant 15 : i32
        %swap3A_2121 = arith.index_cast %swap3A_2120 : i32 to index
        %swap3A_2122 = arith.constant 0 : index
        %swap3A_2123 = tpu.vector_load %arg13[%swap3A_2121, %swap3A_2122] {strides = array<i32>} : memref<16x64xf32, #tpu.memory_space<vmem>>, vector<16xf32>,
        tpu.vector_store %arg13[%swap3A_2121, %swap3A_2122], %mul3A_2119 {strides = array<i32>} : memref<16x64xf32, #tpu.memory_space<vmem>>, vector<16xf32>,
        %get3A_2124 = arith.constant 15 : i32
        %get3A_2125 = arith.index_cast %get3A_2124 : i32 to index
        %get3A_2126 = arith.constant 16 : index
        %get3A_2127 = tpu.vector_load %arg13[%get3A_2125, %get3A_2126] {strides = array<i32>} : memref<16x64xf32, #tpu.memory_space<vmem>>, vector<16xf32>,
        %mul3A_2128 = arith.mulf %get3A_2127, %gather3A_2114 : vector<16xf32>
        %swap3A_2129 = arith.constant 15 : i32
        %swap3A_2130 = arith.index_cast %swap3A_2129 : i32 to index
        %swap3A_2131 = arith.constant 16 : index
        %swap3A_2132 = tpu.vector_load %arg13[%swap3A_2130, %swap3A_2131] {strides = array<i32>} : memref<16x64xf32, #tpu.memory_space<vmem>>, vector<16xf32>,
        tpu.vector_store %arg13[%swap3A_2130, %swap3A_2131], %mul3A_2128 {strides = array<i32>} : memref<16x64xf32, #tpu.memory_space<vmem>>, vector<16xf32>,
        %get3A_2133 = arith.constant 15 : i32
        %get3A_2134 = arith.index_cast %get3A_2133 : i32 to index
        %get3A_2135 = arith.constant 32 : index
        %get3A_2136 = tpu.vector_load %arg13[%get3A_2134, %get3A_2135] {strides = array<i32>} : memref<16x64xf32, #tpu.memory_space<vmem>>, vector<16xf32>,
        %mul3A_2137 = arith.mulf %get3A_2136, %gather3A_2114 : vector<16xf32>
        %swap3A_2138 = arith.constant 15 : i32
        %swap3A_2139 = arith.index_cast %swap3A_2138 : i32 to index
        %swap3A_2140 = arith.constant 32 : index
        %swap3A_2141 = tpu.vector_load %arg13[%swap3A_2139, %swap3A_2140] {strides = array<i32>} : memref<16x64xf32, #tpu.memory_space<vmem>>, vector<16xf32>,
        tpu.vector_store %arg13[%swap3A_2139, %swap3A_2140], %mul3A_2137 {strides = array<i32>} : memref<16x64xf32, #tpu.memory_space<vmem>>, vector<16xf32>,
        %get3A_2142 = arith.constant 15 : i32
        %get3A_2143 = arith.index_cast %get3A_2142 : i32 to index
        %get3A_2144 = arith.constant 48 : index
        %get3A_2145 = tpu.vector_load %arg13[%get3A_2143, %get3A_2144] {strides = array<i32>} : memref<16x64xf32, #tpu.memory_space<vmem>>, vector<16xf32>,
        %mul3A_2146 = arith.mulf %get3A_2145, %gather3A_2114 : vector<16xf32>
        %swap3A_2147 = arith.constant 15 : i32
        %swap3A_2148 = arith.index_cast %swap3A_2147 : i32 to index
        %swap3A_2149 = arith.constant 48 : index
        %swap3A_2150 = tpu.vector_load %arg13[%swap3A_2148, %swap3A_2149] {strides = array<i32>} : memref<16x64xf32, #tpu.memory_space<vmem>>, vector<16xf32>,
        tpu.vector_store %arg13[%swap3A_2148, %swap3A_2149], %mul3A_2146 {strides = array<i32>} : memref<16x64xf32, #tpu.memory_space<vmem>>, vector<16xf32>,
      } else {
      }
      "tpu.region"() ({
        %run_scoped3A_1468 = tpu.sem_alloc : memref<!tpu.dma_semaphore, #tpu.memory_space<semaphore_mem>>
        %dma_start3A = arith.constant 0 : i32
        %dma_start3A_1469 = arith.constant 0 : i32
        %dma_start3A_1470 = tpu.memref_slice %arg18[%dma_start3A, %dma_start3A_1469] : memref<10240x64xf32, #tpu.memory_space<vmem_shared>> -> memref<10240x64xf32, #tpu.memory_space<vmem_shared>>
        tpu.enqueue_indirect_dma source(%arg14 : memref<16x64xf32, #tpu.memory_space<vmem>>) target(%dma_start3A_1470 : memref<10240x64xf32, #tpu.memory_space<vmem_shared>>) offsets(%arg17 : memref<16xi32, #tpu.memory_space<vmem>>) semaphore(%run_scoped3A_1468 : memref<!tpu.dma_semaphore, #tpu.memory_space<semaphore_mem>>) {add = true}
        %dma_wait3A = arith.constant 0 : i32
        %dma_wait3A_1471 = arith.constant 0 : i32
        %dma_wait3A_1472 = tpu.memref_slice %arg18[%dma_wait3A, %dma_wait3A_1471] : memref<10240x64xf32, #tpu.memory_space<vmem_shared>> -> memref<10240x64xf32, #tpu.memory_space<vmem_shared>>
        tpu.wait_indirect_dma semaphore(%run_scoped3A_1468 : memref<!tpu.dma_semaphore, #tpu.memory_space<semaphore_mem>>) src(%arg14 : memref<16x64xf32, #tpu.memory_space<vmem>>) dst(%dma_wait3A_1472 : memref<10240x64xf32, #tpu.memory_space<vmem_shared>>)
        tpu.yield
      }) : () -> ()
      %scan3A_1467 = arith.constant 0 : i32
      scf.yield %scan3A_1467 : i32
    }
    %scan3A_763 = arith.constant 645 : i32
    %barrier3A_764 = arith.constant 0 : index
    tpu.barrier barrier_id(%barrier3A_764)
    %eq3A = arith.constant 0 : i32
    %eq3A_765 = arith.cmpi eq, %arg0, %eq3A : i32
    %convert_element_type3A = arith.extui %eq3A_765 : i1 to i32
    %cond3A = arith.constant 0 : i32
    %cond3A_766 = arith.cmpi ne, %convert_element_type3A, %cond3A : i32
    scf.if %cond3A_766 {
      "tpu.region"() ({
        %run_scoped3A_774 = tpu.sem_alloc : memref<!tpu.dma_semaphore, #tpu.memory_space<semaphore_mem>>
        %dma_start3A = arith.constant 0 : i32
        %dma_start3A_775 = tpu.memref_slice %arg6[%arg1, %dma_start3A] : memref<16x10240xf32, #tpu.memory_space<hbm>> -> memref<1x10240xf32, #tpu.memory_space<hbm>>
        %dma_start3A_776 = tpu.memref_squeeze %dma_start3A_775 : memref<1x10240xf32, #tpu.memory_space<hbm>> -> memref<10240xf32, #tpu.memory_space<hbm>>
        %dma_start3A_777 = arith.constant 0 : i32
        %dma_start3A_778 = tpu.memref_slice %arg6[%arg1, %dma_start3A_777] : memref<16x10240xf32, #tpu.memory_space<hbm>> -> memref<1x10240xf32, #tpu.memory_space<hbm>>
        %dma_start3A_779 = tpu.memref_squeeze %dma_start3A_778 : memref<1x10240xf32, #tpu.memory_space<hbm>> -> memref<10240xf32, #tpu.memory_space<hbm>>
        tpu.enqueue_dma source(%arg12 : memref<10240xf32, #tpu.memory_space<vmem>>) target(%dma_start3A_779 : memref<10240xf32, #tpu.memory_space<hbm>>) target_semaphore(%run_scoped3A_774 : memref<!tpu.dma_semaphore, #tpu.memory_space<semaphore_mem>>)
        %dma_wait3A = arith.constant 0 : i32
        %dma_wait3A_780 = tpu.memref_slice %arg6[%arg1, %dma_wait3A] : memref<16x10240xf32, #tpu.memory_space<hbm>> -> memref<1x10240xf32, #tpu.memory_space<hbm>>
        %dma_wait3A_781 = tpu.memref_squeeze %dma_wait3A_780 : memref<1x10240xf32, #tpu.memory_space<hbm>> -> memref<10240xf32, #tpu.memory_space<hbm>>
        %dma_wait3A_782 = arith.constant 0 : i32
        %dma_wait3A_783 = tpu.memref_slice %arg6[%arg1, %dma_wait3A_782] : memref<16x10240xf32, #tpu.memory_space<hbm>> -> memref<1x10240xf32, #tpu.memory_space<hbm>>
        %dma_wait3A_784 = tpu.memref_squeeze %dma_wait3A_783 : memref<1x10240xf32, #tpu.memory_space<hbm>> -> memref<10240xf32, #tpu.memory_space<hbm>>
        tpu.wait_dma2 semaphore(%run_scoped3A_774 : memref<!tpu.dma_semaphore, #tpu.memory_space<semaphore_mem>>) src(%arg12 : memref<10240xf32, #tpu.memory_space<vmem>>) dst(%dma_wait3A_784 : memref<10240xf32, #tpu.memory_space<hbm>>)
        tpu.yield
      }) : () -> ()
    } else {
    }
    %scan3A_767 = arith.constant 0 : i32
    %scan3A_768 = arith.constant 0 : i32
    %scan3A_769 = arith.constant 10 : i32
    %scan3A_770 = arith.addi %scan3A_768, %scan3A_769 : i32
    %scan3A_771 = arith.constant 1 : i32
    %scan3A_772 = scf.for %scan3A_774 = %scan3A_768 to %scan3A_770 step %scan3A_771 iter_args(%scan3A_775 = %scan3A_767) -> (i32)  : i32 {
      %mul3A_776 = arith.constant 640 : i32
      %mul3A_777 = arith.muli %arg1, %mul3A_776 : i32
      %mul3A_778 = arith.constant 64 : i32
      %mul3A_779 = arith.muli %scan3A_774, %mul3A_778 : i32
      %add3A_780 = arith.addi %mul3A_777, %mul3A_779 : i32
      "tpu.region"() ({
        %run_scoped3A_782 = tpu.sem_alloc : memref<!tpu.dma_semaphore, #tpu.memory_space<semaphore_mem>>
        %dma_start3A = arith.constant 0 : i32
        %dma_start3A_783 = tpu.memref_slice %arg18[%add3A_780, %dma_start3A] : memref<10240x64xf32, #tpu.memory_space<vmem_shared>> -> memref<64x64xf32, #tpu.memory_space<vmem_shared>>
        %dma_start3A_784 = arith.constant 0 : i32
        %dma_start3A_785 = tpu.memref_slice %arg18[%add3A_780, %dma_start3A_784] : memref<10240x64xf32, #tpu.memory_space<vmem_shared>> -> memref<64x64xf32, #tpu.memory_space<vmem_shared>>
        tpu.enqueue_dma source(%dma_start3A_785 : memref<64x64xf32, #tpu.memory_space<vmem_shared>>) target(%arg15 : memref<64x64xf32, #tpu.memory_space<vmem>>) target_semaphore(%run_scoped3A_782 : memref<!tpu.dma_semaphore, #tpu.memory_space<semaphore_mem>>)
        %dma_wait3A = arith.constant 0 : i32
        %dma_wait3A_786 = tpu.memref_slice %arg18[%add3A_780, %dma_wait3A] : memref<10240x64xf32, #tpu.memory_space<vmem_shared>> -> memref<64x64xf32, #tpu.memory_space<vmem_shared>>
        %dma_wait3A_787 = arith.constant 0 : i32
        %dma_wait3A_788 = tpu.memref_slice %arg18[%add3A_780, %dma_wait3A_787] : memref<10240x64xf32, #tpu.memory_space<vmem_shared>> -> memref<64x64xf32, #tpu.memory_space<vmem_shared>>
        tpu.wait_dma2 semaphore(%run_scoped3A_782 : memref<!tpu.dma_semaphore, #tpu.memory_space<semaphore_mem>>) src(%dma_wait3A_788 : memref<64x64xf32, #tpu.memory_space<vmem_shared>>) dst(%arg15 : memref<64x64xf32, #tpu.memory_space<vmem>>)
        tpu.yield
      }) : () -> ()
      "tpu.region"() ({
        %run_scoped3A_782 = tpu.sem_alloc : memref<!tpu.dma_semaphore, #tpu.memory_space<semaphore_mem>>
        %dma_start3A = arith.constant 0 : i32
        %dma_start3A_783 = tpu.memref_slice %arg7[%add3A_780, %arg0, %dma_start3A] : memref<10240x2x64xf32, #tpu.memory_space<hbm>> -> memref<64x1x64xf32, #tpu.memory_space<hbm>>
        %dma_start3A_784 = tpu.memref_squeeze %dma_start3A_783 : memref<64x1x64xf32, #tpu.memory_space<hbm>> -> memref<64x64xf32, #tpu.memory_space<hbm>>
        %dma_start3A_785 = arith.constant 0 : i32
        %dma_start3A_786 = tpu.memref_slice %arg7[%add3A_780, %arg0, %dma_start3A_785] : memref<10240x2x64xf32, #tpu.memory_space<hbm>> -> memref<64x1x64xf32, #tpu.memory_space<hbm>>
        %dma_start3A_787 = tpu.memref_squeeze %dma_start3A_786 : memref<64x1x64xf32, #tpu.memory_space<hbm>> -> memref<64x64xf32, #tpu.memory_space<hbm>>
        tpu.enqueue_dma source(%arg15 : memref<64x64xf32, #tpu.memory_space<vmem>>) target(%dma_start3A_787 : memref<64x64xf32, #tpu.memory_space<hbm>>) target_semaphore(%run_scoped3A_782 : memref<!tpu.dma_semaphore, #tpu.memory_space<semaphore_mem>>)
        %dma_wait3A = arith.constant 0 : i32
        %dma_wait3A_788 = tpu.memref_slice %arg7[%add3A_780, %arg0, %dma_wait3A] : memref<10240x2x64xf32, #tpu.memory_space<hbm>> -> memref<64x1x64xf32, #tpu.memory_space<hbm>>
        %dma_wait3A_789 = tpu.memref_squeeze %dma_wait3A_788 : memref<64x1x64xf32, #tpu.memory_space<hbm>> -> memref<64x64xf32, #tpu.memory_space<hbm>>
        %dma_wait3A_790 = arith.constant 0 : i32
        %dma_wait3A_791 = tpu.memref_slice %arg7[%add3A_780, %arg0, %dma_wait3A_790] : memref<10240x2x64xf32, #tpu.memory_space<hbm>> -> memref<64x1x64xf32, #tpu.memory_space<hbm>>
        %dma_wait3A_792 = tpu.memref_squeeze %dma_wait3A_791 : memref<64x1x64xf32, #tpu.memory_space<hbm>> -> memref<64x64xf32, #tpu.memory_space<hbm>>
        tpu.wait_dma2 semaphore(%run_scoped3A_782 : memref<!tpu.dma_semaphore, #tpu.memory_space<semaphore_mem>>) src(%arg15 : memref<64x64xf32, #tpu.memory_space<vmem>>) dst(%dma_wait3A_792 : memref<64x64xf32, #tpu.memory_space<hbm>>)
        tpu.yield
      }) : () -> ()
      %scan3A_781 = arith.constant 0 : i32
      scf.yield %scan3A_781 : i32
    }
    %scan3A_773 = arith.constant 10 : i32
    return
  }
}

</mosaic_0001>

<sc_bundles>
// kernel: _edge_pass.3.cloned.1.call-start
scs
__scs_entry_jumppad:
0x0: {  	(pc) =	sbr.rel $0x88, $3  }
0x1: {  	(tag) =	ssettag $0x0;
	lr =	simm.s32 $0x1  }
0x2: {  	[smem:$0x3F9D] =	sst lr;
	_ =	strace $0xD0000000  }
0x3: {  	_ = 	snop  }
0x4: {  	_ = 	snop  }
0x5: {  	_ = 	snop  }
0x6: {  	_ = 	snop  }
0x7: {  	_ = 	snop  }
__scs_overlays_trampoline_lowered:
0x8: {  	[smem:$0x3FAC] =	sst s0  }
0x9: {  	[smem:$0x3FAD] =	sst s1  }
0xa: {  	[smem:$0x3FAE] =	sst s2  }
0xb: {  	[smem:$0x3FAF] =	sst s3  }
0xc: {  	[smem:$0x3FB0] =	sst s4  }
0xd: {  	[smem:$0x3FB1] =	sst s5  }
0xe: {  	[smem:$0x3FB2] =	sst s6  }
0xf: {  	[smem:$0x3FB3] =	sst s7  }
0x10: {  	[smem:$0x3FB4] =	sst s8  }
0x11: {  	[smem:$0x3FB5] =	sst s9;
	s0 =	simm.s32 @!p0 $0x0  }
0x12: {  	s1 =	sld [smem:$0x3F9B];
	s0 =	simm.s32 @p0 $0x1  }
0x13: {  	[smem:$0x3FB6] =	sst s0;
	s0 =	simm.s32 @!p1 $0x0  }
0x14: {  	s2 =	sld [smem:$0x3F9A];
	s0 =	simm.s32 @p1 $0x1  }
0x15: {  	[smem:$0x3FB7] =	sst s0;
	s0 =	simm.s32 @!p2 $0x0  }
0x16: {  	s3 =	sld [smem:$0x3FDB];
	s0 =	simm.s32 @p2 $0x1  }
0x17: {  	s4 =	simm.s32 $0x1BF5;
	[smem:$0x3FB9] =	sst s0  }
0x18: {  	s0 =	sld [smem:$0x3F9C];
	_ =	swait.ge [sflag:s4], $0x0  }
0x19: {  	s7 =	sld [smem:$0x3F9D]  }
0x1a: {  	s8 =	sadd.s32 $0xFFFFE003, lr  }
0x1b: {  	s9 =	sadd.s32 $0xFFFFFEF7, lr;
	s5 =	simm.s32 $0xFFFFFFFF;
	p2 =	slt.u32 s8, $0xFFFFF086  }
0x1c: {  	p1 =	slt.u32 s9, $0xF7A;
	s5 =	simm.s32 @!p2 $0x0  }
0x1d: {  	s5 =	simm.s32 @p1 $0x1;
	p0 =	seq.s32 s7, s2  }
0x1e: {  	s7 =	smul.u32 @!p0 $0xF7A, s2;
	p2 =	seq.s32 @!p0 s5, $0x0  }
0x1f: {  	s9 =	smul.u32 $0xF7A, s1;
	s8 =	simm.s32 @!p0 $0x1BF5;
	p2 =	por !p2, p0  }
0x20: {  	[sflag:s8] =	ssyncset.s32 @!p0 $0xFFFFF086;
	s6 =	sadd.s32 @!p0 s3, s7;
	s7 =	simm.s32 @!p0 $0x108  }
0x21: {  	s3 =	sadd.s32 s3, s9;
	s6 =	sadd.s32 @!p0 $0x88, s6;
	s7 =	simm.s32 @p2 $0x1082  }
0x22: {  	[simem:s7], [sflag:s8] =	dma.local @!p0 [hbm:s6], $0xF7A  }
0x23: {  	s9 =	sor.u32 $0xD0000000, s2;
	s6 =	simm.s32 $0x108;
	_ =	swait.ge @!p0 [sflag:s8], $0x0  }
0x24: {  	s3 =	sadd.s32 $0x88, s3;
	s6 =	simm.s32 @!p1 $0x1082;
	[sflag:s4] =	ssyncset.s32 $0xFFFFF086  }
0x25: {  	[simem:s6], [sflag:s4] =	dma.local [hbm:s3], $0xF7A  }
0x26: {  	[smem:$0x3F9D] =	sst s1;
	(tag) =	ssettag s2;
	_ =	strace s9  }
0x27: {  	s1 =	sld [smem:$0x3FAD]  }
0x28: {  	s2 =	sld [smem:$0x3FAE]  }
0x29: {  	s4 =	sld [smem:$0x3FB0]  }
0x2a: {  	p0 =	seq.s32 s5, $0x0;
	s5 =	sld [smem:$0x3FB1]  }
0x2b: {  	s6 =	sld [smem:$0x3FB2]  }
0x2c: {  	s7 =	sld [smem:$0x3FB3]  }
0x2d: {  	s3 =	simm.s32 $0x108;
	s8 =	sld [smem:$0x3FB4]  }
0x2e: {  	s3 =	simm.s32 @!p0 $0x1082;
	s9 =	sld [smem:$0x3FB5]  }
0x2f: {  	lr =	sadd.s32 s0, s3;
	s0 =	sld [smem:$0x3FAC]  }
0x30: {  	s3 =	sld [smem:$0x3FAF]  }
0x31: {  	[smem:$0x3FB8] =	sst s10  }
0x32: {  	s10 =	sld [smem:$0x3FB6];
	_ =	sdelay $0x3  }
0x33: {  	p0 =	seq.s32 s10, $0x1;
	s10 =	sld [smem:$0x3FB8];
	_ =	sdelay $0x3  }
0x34: {  	[smem:$0x3FB8] =	sst s10  }
0x35: {  	s10 =	sld [smem:$0x3FB7];
	_ =	sdelay $0x3  }
0x36: {  	p1 =	seq.s32 s10, $0x1;
	s10 =	sld [smem:$0x3FB8];
	_ =	sdelay $0x3  }
0x37: {  	[smem:$0x3FB8] =	sst s10  }
0x38: {  	s10 =	sld [smem:$0x3FB9]  }
0x39: {  	_ = 	snop;
	(pc) =	sbr.ind lr, $3  }
0x3a: {  	_ = 	snop  }
0x3b: {  	_ = 	snop  }
0x3c: {  	p2 =	seq.s32 s10, $0x1;
	s10 =	sld [smem:$0x3FB8]  }
0x3d: {  	_ =	shalt  }
0x3e: {  	_ =	shalt  }
0x3f: {  	_ =	shalt  }
0x40: {  	_ =	shalt  }
0x41: {  	_ =	shalt  }
0x42: {  	_ =	shalt  }
0x43: {  	_ =	shalt  }
0x44: {  	_ =	shalt  }
0x45: {  	_ =	shalt  }
0x46: {  	_ =	shalt  }
0x47: {  	_ =	shalt  }
0x48: {  	_ =	shalt  }
0x49: {  	_ =	shalt  }
0x4a: {  	_ =	shalt  }
0x4b: {  	_ =	shalt  }
0x4c: {  	_ =	shalt  }
0x4d: {  	_ =	shalt  }
0x4e: {  	_ =	shalt  }
0x4f: {  	_ =	shalt  }
0x50: {  	_ =	shalt  }
0x51: {  	_ =	shalt  }
0x52: {  	_ =	shalt  }
0x53: {  	_ =	shalt  }
0x54: {  	_ =	shalt  }
0x55: {  	_ =	shalt  }
0x56: {  	_ =	shalt  }
0x57: {  	_ =	shalt  }
0x58: {  	_ =	shalt  }
0x59: {  	_ =	shalt  }
0x5a: {  	_ =	shalt  }
0x5b: {  	_ =	shalt  }
0x5c: {  	_ =	shalt  }
0x5d: {  	_ =	shalt  }
0x5e: {  	_ =	shalt  }
0x5f: {  	_ =	shalt  }
0x60: {  	_ =	shalt  }
0x61: {  	_ =	shalt  }
0x62: {  	_ =	shalt  }
0x63: {  	_ =	shalt  }
0x64: {  	_ =	shalt  }
0x65: {  	_ =	shalt  }
0x66: {  	_ =	shalt  }
0x67: {  	_ =	shalt  }
0x68: {  	_ =	shalt  }
0x69: {  	_ =	shalt  }
0x6a: {  	_ =	shalt  }
0x6b: {  	_ =	shalt  }
0x6c: {  	_ =	shalt  }
0x6d: {  	_ =	shalt  }
0x6e: {  	_ =	shalt  }
0x6f: {  	_ =	shalt  }
0x70: {  	_ =	shalt  }
0x71: {  	_ =	shalt  }
0x72: {  	_ =	shalt  }
0x73: {  	_ =	shalt  }
0x74: {  	_ =	shalt  }
0x75: {  	_ =	shalt  }
0x76: {  	_ =	shalt  }
0x77: {  	_ =	shalt  }
0x78: {  	_ =	shalt  }
0x79: {  	_ =	shalt  }
0x7a: {  	_ =	shalt  }
0x7b: {  	_ =	shalt  }
0x7c: {  	_ =	shalt  }
0x7d: {  	_ =	shalt  }
0x7e: {  	_ =	shalt  }
0x7f: {  	_ =	shalt  }
0x80: {  	_ =	shalt  }
0x81: {  	_ =	shalt  }
0x82: {  	_ =	shalt  }
0x83: {  	_ =	shalt  }
0x84: {  	_ =	shalt  }
0x85: {  	_ =	shalt  }
0x86: {  	_ =	shalt  }
0x87: {  	_ =	shalt  }
.Lfunc_end0:
.L_simem_size_0:
called_computation_lowered:
.L_overlay_start_0:
0x88: {  	s2 =	sld [smem:$0x3FD9]  }
0x89: {  	s3 =	sld [smem:$0x3FFE];
	_ =	sdelay $0x1  }
0x8a: {  	s1 =	srdreg.scid  }
0x8b: {  	s0 =	sand.u32 $0x1, s1  }
0x8c: {  	s14 =	sshll.u32 s0, $0xA;
	s2 =	sadd.s32 s3, s2  }
0x8d: {  	s2 =	sadd.s32 s2, s14  }
0x8e: {  	[smem:$0x3FC4] =	sst s2  }
0x8f: {  	_ = 	snop  }
0x90: {  	s2 =	sld [smem:$0x3FD0];
	_ =	sdelay $0x2  }
0x91: {  	s4 =	simm.s32 $0xA;
	s5 =	simm.s32 $0x10;
	s15 =	sld [smem:$0x3FC6]  }
0x92: {  	[smem:s5], [sflag:s4] =	dma.local [hbm:s2], $0x1  }
0x93: {  	_ =	swait.eq [sflag:s4], $0x1  }
0x94: {  	[sflag:s4] =	ssyncset.done $0x0  }
0x95: {  	s16 =	sld [smem:$0x10];
	[sflag:s4] =	ssyncadd.s32 $0xFFFFFFFF  }
0x96: {  	s17 =	sld [smem:$0x11];
	(tm) =	ssettm $0x1  }
0x97: {  	s18 =	sld [smem:$0x3FFB];
	_ =	sdelay $0x3  }
0x98: {  	_ =	strace s18  }
0x99: {  	s5 =	sld [smem:$0x3FFC];
	_ =	sdelay $0x3  }
0x9a: {  	_ =	strace s5  }
0x9b: {  	s5 =	sld [smem:$0x3FFD];
	_ =	sdelay $0x3  }
0x9c: {  	_ =	strace s5  }
0x9d: {  	_ =	strace $0x8FFFFFFF  }
0x9e: {  	s19 =	sld [smem:$0x3FDB];
	_ =	sdelay $0x1  }
0x9f: {  	s6 =	simm.s32 $_scs_section_size  }
0xa0: {  	s7 =	simm.s32 $_size__tile_overlayer_lowered;
	s8 =	simm.s32 $_tile_overlayer_lowered  }
0xa1: {  	s22 =	simm.s32 $0x1BFF;
	s21 =	sshll.u32 s8, $0x1;
	s5 =	sadd.s32 s6, s19  }
0xa2: {  	s9 =	simm.s32 $0x0;
	s20 =	sshll.u32 s7, $0x1;
	s7 =	sadd.s32 s21, s5  }
0xa3: {  	[timem:s9], [sflag:s22] =	dma.local [hbm:s7], s20  }
0xa4: {  	_ =	swait.ge [sflag:s22], s20  }
0xa5: {  	s6 =	ssub.s32 $0x0, s20;
	[sflag:s22] =	ssyncset.done $0x0  }
0xa6: {  	[sflag:s22] =	ssyncadd.s32 s6;
	_ =	sdelay $0x1  }
0xa7: {  	s23 =	simm.s32 $0x1B8B  }
0xa8: {  	_ =	swait.ge [sflag:s23], $0x1  }
0xa9: {  	[sflag:s23] =	ssyncset.done $0x0  }
0xaa: {  	s25 =	simm.s32 $0x1B8E;
	s24 =	sld [smem:$0x3FFE];
	[sflag:s23] =	ssyncadd.s32 $0xFFFFFFFF  }
0xab: {  	s26 =	simm.s32 $execute0_lowered;
	[smem:$0x3FD2] =	sst s25  }
0xac: {  	s7 =	sshll.u32 s26, $0x1;
	_ =	strace $0x80000046;
	[dreg:$0x1] =	wrdreg $0xFFFFFFFF  }
0xad: {  	s28 =	simm.s32 $_size_execute0_lowered;
	s5 =	sadd.s32 s5, s7;
	[dreg:$0x0] =	wrdreg $0x0  }
0xae: {  	s7 =	sshll.u32 s28, $0x1;
	[dreg:$0x2] =	wrdreg s5  }
0xaf: {  	[dreg:$0x3] =	wrdreg s7  }
0xb0: {  	[dreg:$0x4] =	wrdreg $0xC0  }
0xb1: {  	_ =	task [dreg:s9], $0x5FFFF  }
0xb2: {  	[dreg:$0x1] =	wrdreg $0xFFFFFFFF  }
0xb3: {  	[dreg:$0x0] =	wrdreg $0x60  }
0xb4: {  	[dreg:$0x2] =	wrdreg s24  }
0xb5: {  	[dreg:$0x3] =	wrdreg s16  }
0xb6: {  	[dreg:$0x4] =	wrdreg s15  }
0xb7: {  	[dreg:$0x5] =	wrdreg s17  }
0xb8: {  	[dreg:$0x6] =	wrdreg $0x131600  }
0xb9: {  	[dreg:$0x7] =	wrdreg $0x9  }
0xba: {  	_ =	task.clear_ibuf [dreg:s9], $0x8FFFF;
	_ =	strace $0x90000046  }
0xbb: {  	s29 =	simm.s32 $0x9;
	_ =	strace $0x80000048  }
0xbc: {  	_ =	swait.ge [sflag:s29], $0x1  }
0xbd: {  	[sflag:s29] =	ssyncadd.s32 $0xFFFFFFFF  }
0xbe: {  	_ =	strace $0x90000048  }
0xbf: {  	_ =	sfence  }
0xc0: {  	s30 =	sld [smem:$0x0];
	_ =	sdelay $0x2  }
0xc1: {  	s31 =	sshll.u32 s1, $0xD;
	s1 =	sshrl.u32 s1, $0x2  }
0xc2: {  	s3 =	sand.u32 $0x4000, s31;
	s1 =	sadd.s32 s1, s30  }
0xc3: {  	s0 =	sor.u32 s3, s0;
	s1 =	sshll.u32 s1, $0x11  }
0xc4: {  	s0 =	sor.u32 s1, s0  }
0xc5: {  	s0 =	sadd.s32 $0x8F2B, s0  }
0xc6: {  	[sflag:s0] =	ssyncadd.remote.s32 $0x1  }
0xc7: {  	_ =	sfence.sel $0xFFFF  }
0xc8: {  	[dreg:$0x0] =	wrdreg $0xFFFFFFFF;
	(pc) =	sbr.abs _section_cstart, $3  }
0xc9: {  	[dreg:$0x1] =	wrdreg $0xFFFFFFFF  }
0xca: {  	_ =	task.clear_ibuf [dreg:s9], $0x2FFFF;
	_ =	strace $0x9FFFFFFF  }
0xcb: {  	(tm) =	ssettm $0x7FFFFFFF  }
tec
execute0_lowered:
.L_overlay_start_1:
0x0: {  	(tag) =	ssettag $0x1  }
0x1: {  	s0 =	rddreg [dreg:$0x0]  }
0x2: {  	s20 =	rddreg [dreg:$0x1];
	s18 =	stileid.u32  }
0x3: {  	s3 =	rddreg [dreg:$0x2];
	s2 =	smul.u32 $0xA14, s18  }
0x4: {  	s1 =	rddreg [dreg:$0x3];
	s6 =	smul.u32 $0x500, s18  }
0x5: {  	s4 =	rddreg [dreg:$0x4];
	s30 =	smul.u32 $0x280, s18  }
0x6: {  	s5 =	simm.s32 $0x0;
	s7 =	srdreg.scid;
	s10 =	smul.u32 $0x2800, s18  }
0x7: {  	[smem:$0x7FF] =	sst s5;
	s26 =	smul.u32 $0x28000, s18;
	s31 =	sadd.s32 $0x500, s20  }
0x8: {  	s20 =	simm.s32 $0x11D40;
	_ =	strace $0x80000047;
	s2 =	sadd.s32 s2, s0  }
0x9: {  	s0 =	sadd.s32 s6, s0;
	s6 =	sand.u32 $0x1, s7;
	s14 =	sadd.s32 $0x100, s30  }
0xa: {  	s22 =	sadd.s32 $0x140, s30;
	s23 =	sadd.s32 $0x180, s30;
	s7 =	sadd.s32 $0x240, s30  }
0xb: {  	s8 =	ssub.s32 $0x2, s6;
	s9 =	sshll.u32 s6, $0x3;
	s21 =	sshll.u32 s14, $0x4  }
0xc: {  	s15 =	sshll.u32 s22, $0x4;
	s16 =	sshll.u32 s23, $0x4;
	s29 =	sadd.s32 $0xA00, s2  }
0xd: {  	p0 =	sne.s32 s6, $0x0;
	s0 =	sadd.s32 $0x14E00, s0;
	s11 =	sshrl.u32 s8, $0x1  }
0xe: {  	s1 =	sadd.s32 s1, s9;
	s9 =	sor.u32 $0x40, s30;
	[dreg:$0x10] =	wrdreg s29  }
0xf: {  	[dreg:$0x12] =	wrdreg s0;
	s8 =	ssub.s32 s8, s11;
	s10 =	sadd.s32 s10, s1  }
0x10: {  	s17 =	sshll.u32 s9, $0x4;
	s11 =	sadd.s32 $0xC0, s30;
	s15 =	sadd.s32 s15, s1  }
0x11: {  	v0 =	vimm.s32 $0xEFCDAB89;
	s24 =	sadd.s32 s16, s1;
	[dreg:$0x6] =	wrdreg s10;
	s10 =	sadd.s32 s17, s1  }
0x12: {  	v1 =	vunpack.c.l.s4.s8 v0;
	v0 =	vimm.s32 $0x67452301;
	s13 =	sshll.u32 s11, $0x4;
	s17 =	sadd.s32 $0x1C0, s30;
	[dreg:$0xb] =	wrdreg s15  }
0x13: {  	v3 =	vunpack.c.l.s4.s8 v0;
	v0 =	vmov s6;
	[dreg:$0xc] =	wrdreg s24;
	s6 =	smax.u32 s8, $0x1;
	s8 =	sshll.u32 s9, $0x6  }
0x14: {  	[dreg:$0x7] =	wrdreg s10;
	s10 =	sadd.s32 $0x80, s30;
	s19 =	sadd.s32 s13, s1  }
0x15: {  	s25 =	sshll.u32 s17, $0x4;
	[dreg:$0x13] =	wrdreg s6;
	s0 =	sadd.s32 s8, s4  }
0x16: {  	s13 =	simm.s32 $0xA140;
	s12 =	sshll.u32 s10, $0x4;
	[dreg:$0x9] =	wrdreg s19  }
0x17: {  	s15 =	sadd.s32 s25, s1;
	s19 =	sshll.u32 s7, $0x4;
	s9 =	sshll.u32 s10, $0x6  }
0x18: {  	s10 =	sshll.u32 s11, $0x6;
	[dreg:$0x14] =	wrdreg s0;
	s25 =	sshll.u32 s17, $0x6  }
0x19: {  	s17 =	simm.s32 $0x10;
	s12 =	sadd.s32 s12, s1;
	[dreg:$0xd] =	wrdreg s15  }
0x1a: {  	s15 =	sadd.s32 $0x200, s30;
	s30 =	sadd.s32 $0xAC00, s2;
	[dreg:$0x8] =	wrdreg s12  }
0x1b: {  	s2 =	sshrl.u32 s26, $0x2;
	s11 =	sadd.s32 s9, s4;
	[dreg:$0x11] =	wrdreg s30  }
0x1c: {  	v2 =	vimm.s32 $0xDCFE98BA;
	s16 =	sadd.s32 s10, s4;
	s12 =	sadd.s32 s21, s1;
	[dreg:$0x15] =	wrdreg s11  }
0x1d: {  	v4 =	vimm.s32 $0x54761032;
	v5 =	vimm.s32 $0xBA98FEDC;
	v6 =	vimm.s32 $0x32107654;
	s28 =	sshll.u32 s15, $0x4;
	[dreg:$0x16] =	wrdreg s16;
	s21 =	sshll.u32 s22, $0x6  }
0x1e: {  	v7 =	vimm.s32 $0xFEDCBA98;
	v8 =	vimm.s32 $0x76543210;
	s22 =	sshll.u32 s23, $0x6;
	s26 =	sshll.u32 s15, $0x6;
	s15 =	simm.s32 $0x12140  }
0x1f: {  	v9 =	vimm.s32 $0x3;
	v10 =	vimm.s32 $0x4;
	v11 =	vimm.s32 $0x5;
	s16 =	simm.s32 $0xF140;
	[dreg:$0xa] =	wrdreg s12;
	s18 =	sadd.s32 s28, s1  }
0x20: {  	v12 =	vimm.s32 $0x6;
	v13 =	vimm.s32 $0x7;
	v14 =	vimm.s32 $0x8;
	s1 =	sadd.s32 s19, s1;
	s19 =	sshll.u32 s14, $0x6;
	s23 =	sadd.s32 s21, s4  }
0x21: {  	v15 =	vimm.s32 $0x9;
	v16 =	vimm.s32 $0xA;
	v17 =	vimm.s32 $0xB;
	s24 =	sadd.s32 s22, s4;
	s28 =	sshll.u32 s7, $0x6;
	[dreg:$0xe] =	wrdreg s18  }
0x22: {  	v18 =	vimm.s32 $0xC;
	v19 =	vimm.s32 $0xD;
	v20 =	vimm.s32 $0xE;
	s29 =	sadd.s32 s26, s4;
	s12 =	simm.s32 $0x1;
	[dreg:$0xf] =	wrdreg s1  }
0x23: {  	v2 =	vunpack.c.l.s4.s8 v2;
	v4 =	vunpack.c.l.s4.s8 v4;
	v5 =	vunpack.c.l.s4.s8 v5;
	s14 =	simm.s32 $0xC940;
	s21 =	simm.s32 $0x13140;
	[dreg:$0x18] =	wrdreg s23  }
0x24: {  	v6 =	vunpack.c.l.s4.s8 v6;
	v7 =	vunpack.c.l.s4.s8 v7;
	v8 =	vunpack.c.l.s4.s8 v8;
	s22 =	simm.s32 $0x13150;
	s18 =	sadd.s32 s2, s4;
	[dreg:$0x19] =	wrdreg s24  }
0x25: {  	v1 =	vunpack.c.0.s8.s32 v1;
	v2 =	vunpack.c.0.s8.s32 v2;
	v4 =	vunpack.c.0.s8.s32 v4;
	s0 =	sadd.s32 s19, s4;
	[dreg:$0x1b] =	wrdreg s29;
	s30 =	sadd.s32 s28, s4  }
0x26: {  	v5 =	vunpack.c.0.s8.s32 v5;
	v6 =	vunpack.c.0.s8.s32 v6;
	v3 =	vunpack.c.0.s8.s32 v3;
	s19 =	simm.s32 $0x11940;
	s23 =	simm.s32 $0x40;
	s24 =	simm.s32 $0x80  }
.Ltmp0:
0x27: {  	v21 =	vimm.s32 $0xF;
	v7 =	vunpack.c.0.s8.s32 v7;
	v4 =	vcombine.low v4, v2;
	[dreg:$0x17] =	wrdreg s0;
	s0 =	sadd.s32 s25, s4;
	(pc) =	sbr.rel .LBB2_1-.Ltmp0, $4  }
0x28: {  	v5 =	vcombine.low v6, v5;
	v6 =	vunpack.c.0.s8.s32 v8;
	v3 =	vcombine.low v3, v1;
	[dreg:$0x1c] =	wrdreg s30;
	s1 =	sadd.s32 $0x2000, s18;
	s2 =	sadd.s32 $0x3000, s18  }
0x29: {  	v7 =	vand.u32 $0xF, v7;
	v8 =	vimm.s32 $0x2;
	v1 =	vimm.f32 $0.0e+00;
	s6 =	sadd.s32 $0x4000, s18;
	s7 =	sadd.s32 $0x5000, s18;
	s8 =	sadd.s32 $0x6000, s18  }
0x2a: {  	v2 =	vand.u32 $0xF, v3;
	v3 =	vand.u32 $0xF, v4;
	v4 =	vand.u32 $0xF, v5;
	s9 =	sadd.s32 $0x7000, s18;
	s10 =	sadd.s32 $0x8000, s18;
	s11 =	sadd.s32 $0x9000, s18  }
0x2b: {  	v5 =	vcombine.low v7, v6;
	v6 =	vimm.s32 $0x1;
	v7 =	vimm.s32 $0x0;
	s25 =	simm.s32 $0x0;
	[dreg:$0x1a] =	wrdreg s0;
	s0 =	sadd.s32 $0x1000, s18  }
.LBB2_11:
0x2c: {  	[bflag:$0x0] =	sbarrier.arrive $0xFFFF  }
0x2d: {  	s26 =	simm.s32 @!p0 $0x0;
	s28 =	simm.s32 @!p0 $0xF140;
	s29 =	rddreg [dreg:$0x12]  }
0x2e: {  	[hbm4b:s29+s26] =	stream.linear.scatter @!p0 [tilespmem:s28], [sflag:$0x1], $0x2800, $0x38;
	[tilespmem:$0x1D160] =	vst v63  }
0x2f: {  	s26 =	simm.s32 @!p0 $0x1  }
0x30: {  	_ =	swait.ge @!p0 [sflag:s26], $0x2800  }
0x31: {  	[sflag:s26] =	ssyncset.done @!p0 $0x0  }
0x32: {  	[sflag:s26] =	ssyncadd.s32 @!p0 $0xFFFFD800  }
0x33: {  	[tilespmem:s15], [sflag:$0x1] =	stream.linear.gather [spmem:s18], $0x1000, $0x38;
	[tilespmem:$0x1D160] =	vst v63  }
0x34: {  	_ =	swait.ge [sflag:s12], $0x1000  }
0x35: {  	[sflag:s12] =	ssyncset.done $0x0  }
0x36: {  	s29 =	rddreg [dreg:$0x6];
	[sflag:s12] =	ssyncadd.s32 $0xFFFFF000  }
0x37: {  	[hbm4b:s29+s23] =	stream.strided.scatter [tilespmem:s15], [sflag:$0x1], $0x1000, s24, s23, $0x38;
	[tilespmem:$0x1D160] =	vst v63  }
0x38: {  	_ =	swait.ge [sflag:s12], $0x1000  }
0x39: {  	[sflag:s12] =	ssyncset.done $0x0  }
0x3a: {  	s30 =	rddreg [dreg:$0x14];
	[sflag:s12] =	ssyncadd.s32 $0xFFFFF000  }
0x3b: {  	[tilespmem:s15], [sflag:$0x1] =	stream.linear.gather [spmem:s30], $0x1000, $0x38;
	[tilespmem:$0x1D160] =	vst v63  }
0x3c: {  	_ =	swait.ge [sflag:s12], $0x1000  }
0x3d: {  	[sflag:s12] =	ssyncset.done $0x0  }
0x3e: {  	s28 =	rddreg [dreg:$0x7];
	[sflag:s12] =	ssyncadd.s32 $0xFFFFF000  }
0x3f: {  	[hbm4b:s28+s23] =	stream.strided.scatter [tilespmem:s15], [sflag:$0x1], $0x1000, s24, s23, $0x38;
	[tilespmem:$0x1D160] =	vst v63  }
0x40: {  	_ =	swait.ge [sflag:s12], $0x1000  }
0x41: {  	[sflag:s12] =	ssyncset.done $0x0  }
0x42: {  	s29 =	rddreg [dreg:$0x15];
	[sflag:s12] =	ssyncadd.s32 $0xFFFFF000  }
0x43: {  	[tilespmem:s15], [sflag:$0x1] =	stream.linear.gather [spmem:s29], $0x1000, $0x38;
	[tilespmem:$0x1D160] =	vst v63  }
0x44: {  	_ =	swait.ge [sflag:s12], $0x1000  }
0x45: {  	[sflag:s12] =	ssyncset.done $0x0  }
0x46: {  	s30 =	rddreg [dreg:$0x8];
	[sflag:s12] =	ssyncadd.s32 $0xFFFFF000  }
0x47: {  	[hbm4b:s30+s23] =	stream.strided.scatter [tilespmem:s15], [sflag:$0x1], $0x1000, s24, s23, $0x38;
	[tilespmem:$0x1D160] =	vst v63  }
0x48: {  	_ =	swait.ge [sflag:s12], $0x1000  }
0x49: {  	[sflag:s12] =	ssyncset.done $0x0  }
0x4a: {  	s28 =	rddreg [dreg:$0x16];
	[sflag:s12] =	ssyncadd.s32 $0xFFFFF000  }
0x4b: {  	[tilespmem:s15], [sflag:$0x1] =	stream.linear.gather [spmem:s28], $0x1000, $0x38;
	[tilespmem:$0x1D160] =	vst v63  }
0x4c: {  	_ =	swait.ge [sflag:s12], $0x1000  }
0x4d: {  	[sflag:s12] =	ssyncset.done $0x0  }
0x4e: {  	s29 =	rddreg [dreg:$0x9];
	[sflag:s12] =	ssyncadd.s32 $0xFFFFF000  }
0x4f: {  	[hbm4b:s29+s23] =	stream.strided.scatter [tilespmem:s15], [sflag:$0x1], $0x1000, s24, s23, $0x38;
	[tilespmem:$0x1D160] =	vst v63  }
0x50: {  	_ =	swait.ge [sflag:s12], $0x1000  }
0x51: {  	[sflag:s12] =	ssyncset.done $0x0  }
0x52: {  	s30 =	rddreg [dreg:$0x17];
	[sflag:s12] =	ssyncadd.s32 $0xFFFFF000  }
0x53: {  	[tilespmem:s15], [sflag:$0x1] =	stream.linear.gather [spmem:s30], $0x1000, $0x38;
	[tilespmem:$0x1D160] =	vst v63  }
0x54: {  	_ =	swait.ge [sflag:s12], $0x1000  }
0x55: {  	[sflag:s12] =	ssyncset.done $0x0  }
0x56: {  	s28 =	rddreg [dreg:$0xa];
	[sflag:s12] =	ssyncadd.s32 $0xFFFFF000  }
0x57: {  	[hbm4b:s28+s23] =	stream.strided.scatter [tilespmem:s15], [sflag:$0x1], $0x1000, s24, s23, $0x38;
	[tilespmem:$0x1D160] =	vst v63  }
0x58: {  	_ =	swait.ge [sflag:s12], $0x1000  }
0x59: {  	[sflag:s12] =	ssyncset.done $0x0  }
0x5a: {  	s29 =	rddreg [dreg:$0x18];
	[sflag:s12] =	ssyncadd.s32 $0xFFFFF000  }
0x5b: {  	[tilespmem:s15], [sflag:$0x1] =	stream.linear.gather [spmem:s29], $0x1000, $0x38;
	[tilespmem:$0x1D160] =	vst v63  }
0x5c: {  	_ =	swait.ge [sflag:s12], $0x1000  }
0x5d: {  	[sflag:s12] =	ssyncset.done $0x0  }
0x5e: {  	s30 =	rddreg [dreg:$0xb];
	[sflag:s12] =	ssyncadd.s32 $0xFFFFF000  }
0x5f: {  	[hbm4b:s30+s23] =	stream.strided.scatter [tilespmem:s15], [sflag:$0x1], $0x1000, s24, s23, $0x38;
	[tilespmem:$0x1D160] =	vst v63  }
0x60: {  	_ =	swait.ge [sflag:s12], $0x1000  }
0x61: {  	[sflag:s12] =	ssyncset.done $0x0  }
0x62: {  	s28 =	rddreg [dreg:$0x19];
	[sflag:s12] =	ssyncadd.s32 $0xFFFFF000  }
0x63: {  	[tilespmem:s15], [sflag:$0x1] =	stream.linear.gather [spmem:s28], $0x1000, $0x38;
	[tilespmem:$0x1D160] =	vst v63  }
0x64: {  	_ =	swait.ge [sflag:s12], $0x1000  }
0x65: {  	[sflag:s12] =	ssyncset.done $0x0  }
0x66: {  	s29 =	rddreg [dreg:$0xc];
	[sflag:s12] =	ssyncadd.s32 $0xFFFFF000  }
0x67: {  	[hbm4b:s29+s23] =	stream.strided.scatter [tilespmem:s15], [sflag:$0x1], $0x1000, s24, s23, $0x38;
	[tilespmem:$0x1D160] =	vst v63  }
0x68: {  	_ =	swait.ge [sflag:s12], $0x1000  }
0x69: {  	[sflag:s12] =	ssyncset.done $0x0  }
0x6a: {  	s30 =	rddreg [dreg:$0x1a];
	[sflag:s12] =	ssyncadd.s32 $0xFFFFF000  }
0x6b: {  	[tilespmem:s15], [sflag:$0x1] =	stream.linear.gather [spmem:s30], $0x1000, $0x38;
	[tilespmem:$0x1D160] =	vst v63  }
0x6c: {  	_ =	swait.ge [sflag:s12], $0x1000  }
0x6d: {  	[sflag:s12] =	ssyncset.done $0x0  }
0x6e: {  	s28 =	rddreg [dreg:$0xd];
	[sflag:s12] =	ssyncadd.s32 $0xFFFFF000  }
0x6f: {  	[hbm4b:s28+s23] =	stream.strided.scatter [tilespmem:s15], [sflag:$0x1], $0x1000, s24, s23, $0x38;
	[tilespmem:$0x1D160] =	vst v63  }
0x70: {  	_ =	swait.ge [sflag:s12], $0x1000  }
0x71: {  	[sflag:s12] =	ssyncset.done $0x0  }
0x72: {  	s29 =	rddreg [dreg:$0x1b];
	[sflag:s12] =	ssyncadd.s32 $0xFFFFF000  }
0x73: {  	[tilespmem:s15], [sflag:$0x1] =	stream.linear.gather [spmem:s29], $0x1000, $0x38;
	[tilespmem:$0x1D160] =	vst v63  }
0x74: {  	_ =	swait.ge [sflag:s12], $0x1000  }
0x75: {  	[sflag:s12] =	ssyncset.done $0x0  }
0x76: {  	s30 =	rddreg [dreg:$0xe];
	[sflag:s12] =	ssyncadd.s32 $0xFFFFF000  }
0x77: {  	[hbm4b:s30+s23] =	stream.strided.scatter [tilespmem:s15], [sflag:$0x1], $0x1000, s24, s23, $0x38;
	[tilespmem:$0x1D160] =	vst v63  }
0x78: {  	_ =	swait.ge [sflag:s12], $0x1000  }
0x79: {  	[sflag:s12] =	ssyncset.done $0x0  }
0x7a: {  	s28 =	rddreg [dreg:$0x1c];
	[sflag:s12] =	ssyncadd.s32 $0xFFFFF000  }
0x7b: {  	[tilespmem:s15], [sflag:$0x1] =	stream.linear.gather [spmem:s28], $0x1000, $0x38;
	[tilespmem:$0x1D160] =	vst v63  }
0x7c: {  	_ =	swait.ge [sflag:s12], $0x1000  }
0x7d: {  	[sflag:s12] =	ssyncset.done $0x0  }
0x7e: {  	s29 =	rddreg [dreg:$0xf];
	[sflag:s12] =	ssyncadd.s32 $0xFFFFF000  }
0x7f: {  	[hbm4b:s29+s23] =	stream.strided.scatter [tilespmem:s15], [sflag:$0x1], $0x1000, s24, s23, $0x38;
	[tilespmem:$0x1D160] =	vst v63  }
0x80: {  	_ =	swait.ge [sflag:s12], $0x1000  }
0x81: {  	s25 =	sadd.s32 $0x1, s25;
	s30 =	rddreg [dreg:$0x13]  }
0x82: {  	p1 =	sne.s32 s25, s30  }
.Ltmp1:
0x83: {  	_ = 	snop;
	(pc) =	sbr.rel @!p1 .LBB2_12-.Ltmp1, $3  }
0x84: {  	_ =	sdelay $0x1  }
0x85: {  	[sflag:s12] =	ssyncset.done $0x0  }
0x86: {  	[sflag:s12] =	ssyncadd.s32 $0xFFFFF000  }
.LBB2_1:
0x87: {  	s26 =	rddreg [dreg:$0x10]  }
0x88: {  	[tilespmem:s5], [sflag:$0x1] =	stream.linear.gather [hbm4b:s26+s5], $0x50A0, $0x38;
	[tilespmem:$0x1D160] =	vst v63  }
0x89: {  	_ =	swait.ge [sflag:s12], $0x50A0  }
0x8a: {  	[sflag:s12] =	ssyncset.done $0x0  }
0x8b: {  	s28 =	simm.s32 $0x50A0;
	s29 =	rddreg [dreg:$0x11];
	[sflag:s12] =	ssyncadd.s32 $0xFFFFAF60  }
0x8c: {  	[tilespmem:s28], [sflag:$0x1] =	stream.linear.gather [hbm4b:s29+s5], $0x50A0, $0x38;
	[tilespmem:$0x1D160] =	vst v63  }
0x8d: {  	_ =	swait.ge [sflag:s12], $0x50A0  }
0x8e: {  	[sflag:s12] =	ssyncset.done $0x0  }
0x8f: {  	[sflag:s12] =	ssyncadd.s32 $0xFFFFAF60  }
0x90: {  	s30 =	rddreg [dreg:$0x1]  }
0x91: {  	[tilespmem:s13], [sflag:$0x1] =	stream.linear.gather [hbm4b:s30+s5], $0x2800, $0x38;
	[tilespmem:$0x1D160] =	vst v63  }
0x92: {  	_ =	swait.ge [sflag:s12], $0x2800  }
0x93: {  	[sflag:s12] =	ssyncset.done $0x0  }
0x94: {  	[sflag:s12] =	ssyncadd.s32 $0xFFFFD800  }
0x95: {  	[tilespmem:s14], [sflag:$0x1] =	stream.linear.gather [hbm4b:s31+s5], $0x2800, $0x38;
	[tilespmem:$0x1D160] =	vst v63  }
0x96: {  	_ =	swait.ge [sflag:s12], $0x2800  }
0x97: {  	[sflag:s12] =	ssyncset.done $0x0  }
0x98: {  	s26 =	simm.s32 $0x0;
	s28 =	simm.s32 $0x40;
	[sflag:s12] =	ssyncadd.s32 $0xFFFFD800  }
.LBB2_2:
0x99: {  	p1 =	sne.s32 s28, $0x14240;
	v22 =	vld [tilespmem:s26+$0x0];
	_ =	sdelay $0x2  }
.Ltmp2:
0x9a: {  	(pc) =	sbr.rel @p1 .LBB2_2-.Ltmp2, $4  }
0x9b: {  	_ = 	snop  }
0x9c: {  	v22 =	vshll.u32 v22, $0x1  }
0x9d: {  	v22 =	vor.u32 v0, v22  }
0x9e: {  	[tilespmem:s26+$0x0] =	vst v22;
	s26 =	sshra.s32 s28, $0x2;
	s28 =	sadd.s32 $0x40, s28  }
0x9f: {  	v22 =	vld [tilespmem:s26+$0x0];
	_ =	sdelay $0x4  }
0xa0: {  	v22 =	vshll.u32 v22, $0x1  }
0xa1: {  	v22 =	vor.u32 v0, v22  }
0xa2: {  	s28 =	simm.s32 $0x0;
	[tilespmem:s26+$0x0] =	vst v22  }
0xa3: {  	v23 =	vld [tilespmem:s28+$0xC940]  }
0xa4: {  	v24 =	vimm.f32 $-3.000000010e+38;
	v22 =	vimm.f32 $-3.000000010e+38;
	s26 =	simm.s32 $0x40;
	[tilespmem:s28+$0xF140] =	vst v1;
	v25 =	vld [tilespmem:s28+$0xA140]  }
.LBB2_4:
0xa5: {  	p1 =	sne.s32 s26, $0x9FC0  }
.Ltmp3:
0xa6: {  	_ = 	snop;
	(pc) =	sbr.rel @p1 .LBB2_4-.Ltmp3, $4  }
0xa7: {  	_ = 	snop  }
0xa8: {  	s28 =	sshra.s32 s26, $0x2;
	s26 =	sadd.s32 $0x40, s26;
	v22 =	vmax.f32 v22, v23  }
0xa9: {  	[tilespmem:s28+$0xF140] =	vst v1;
	v23 =	vld [tilespmem:s28+$0xC940];
	v24 =	vmax.f32 v24, v25  }
0xaa: {  	v25 =	vld [tilespmem:s28+$0xA140]  }
0xab: {  	_ =	sdelay $0x3  }
0xac: {  	v22 =	vmax.f32 v22, v23;
	v23 =	vmax.f32 v24, v25  }
0xad: {  	v25 =	vperm.xlane v22, v2;
	v24 =	vperm.xlane v23, v2;
	_ =	sdelay $0x1  }
0xae: {  	v22 =	vmax.f32 v22, v25;
	v23 =	vmax.f32 v23, v24  }
0xaf: {  	v25 =	vperm.xlane v22, v3;
	v24 =	vperm.xlane v23, v3;
	_ =	sdelay $0x1  }
0xb0: {  	v23 =	vmax.f32 v23, v24;
	v24 =	vmax.f32 v22, v25  }
0xb1: {  	s26 =	simm.s32 $0x0;
	v22 =	vperm.xlane v23, v4;
	v25 =	vperm.xlane v24, v4  }
0xb2: {  	s28 =	sand.u32 $0xC0, s26  }
0xb3: {  	s29 =	sand.u32 $0xFC0, s26;
	s30 =	sshrl.u32 s28, $0x2;
	v22 =	vmax.f32 v23, v22;
	v23 =	vmax.f32 v24, v25  }
0xb4: {  	s28 =	simm.s32 $0x1;
	s29 =	sor.u32 s30, s29;
	v24 =	vperm.xlane v22, v5;
	v25 =	vperm.xlane v23, v5  }
.LBB2_6:
0xb5: {  	p1 =	sne.s32 s28, $0xFF  }
0xb6: {  	[tilespmem:s29+$0x12140] =	vst v1;
	s26 =	sadd.s32 $0x40, s26;
	s29 =	smov.u32 s28;
	s28 =	sadd.s32 $0x1, s28  }
.Ltmp4:
0xb7: {  	(pc) =	sbr.rel @p1 .LBB2_6-.Ltmp4, $4  }
0xb8: {  	_ = 	snop  }
0xb9: {  	s29 =	sand.u32 $0xC0, s29  }
0xba: {  	s30 =	sand.u32 $0xFC0, s26;
	s29 =	sshrl.u32 s29, $0x2  }
0xbb: {  	s29 =	sor.u32 s29, s30  }
0xbc: {  	[tilespmem:s29+$0x12140] =	vst v1  }
0xbd: {  	[spmem:s18] =	stream.linear.scatter [tilespmem:s15], [sflag:$0x1], $0x1000, $0x38;
	[tilespmem:$0x1D160] =	vst v63  }
0xbe: {  	_ =	swait.ge [sflag:s12], $0x1000  }
0xbf: {  	[sflag:s12] =	ssyncset.done $0x0  }
0xc0: {  	[sflag:s12] =	ssyncadd.s32 $0xFFFFF000  }
0xc1: {  	[spmem:s0] =	stream.linear.scatter [tilespmem:s15], [sflag:$0x1], $0x1000, $0x38;
	[tilespmem:$0x1D160] =	vst v63  }
0xc2: {  	_ =	swait.ge [sflag:s12], $0x1000  }
0xc3: {  	[sflag:s12] =	ssyncset.done $0x0  }
0xc4: {  	[sflag:s12] =	ssyncadd.s32 $0xFFFFF000  }
0xc5: {  	[spmem:s1] =	stream.linear.scatter [tilespmem:s15], [sflag:$0x1], $0x1000, $0x38;
	[tilespmem:$0x1D160] =	vst v63  }
0xc6: {  	_ =	swait.ge [sflag:s12], $0x1000  }
0xc7: {  	[sflag:s12] =	ssyncset.done $0x0  }
0xc8: {  	[sflag:s12] =	ssyncadd.s32 $0xFFFFF000  }
0xc9: {  	[spmem:s2] =	stream.linear.scatter [tilespmem:s15], [sflag:$0x1], $0x1000, $0x38;
	[tilespmem:$0x1D160] =	vst v63  }
0xca: {  	_ =	swait.ge [sflag:s12], $0x1000  }
0xcb: {  	[sflag:s12] =	ssyncset.done $0x0  }
0xcc: {  	[sflag:s12] =	ssyncadd.s32 $0xFFFFF000  }
0xcd: {  	[spmem:s6] =	stream.linear.scatter [tilespmem:s15], [sflag:$0x1], $0x1000, $0x38;
	[tilespmem:$0x1D160] =	vst v63  }
0xce: {  	_ =	swait.ge [sflag:s12], $0x1000  }
0xcf: {  	[sflag:s12] =	ssyncset.done $0x0  }
0xd0: {  	[sflag:s12] =	ssyncadd.s32 $0xFFFFF000  }
0xd1: {  	[spmem:s7] =	stream.linear.scatter [tilespmem:s15], [sflag:$0x1], $0x1000, $0x38;
	[tilespmem:$0x1D160] =	vst v63  }
0xd2: {  	_ =	swait.ge [sflag:s12], $0x1000  }
0xd3: {  	[sflag:s12] =	ssyncset.done $0x0  }
0xd4: {  	[sflag:s12] =	ssyncadd.s32 $0xFFFFF000  }
0xd5: {  	[spmem:s8] =	stream.linear.scatter [tilespmem:s15], [sflag:$0x1], $0x1000, $0x38;
	[tilespmem:$0x1D160] =	vst v63  }
0xd6: {  	_ =	swait.ge [sflag:s12], $0x1000  }
0xd7: {  	[sflag:s12] =	ssyncset.done $0x0  }
0xd8: {  	[sflag:s12] =	ssyncadd.s32 $0xFFFFF000  }
0xd9: {  	[spmem:s9] =	stream.linear.scatter [tilespmem:s15], [sflag:$0x1], $0x1000, $0x38;
	[tilespmem:$0x1D160] =	vst v63  }
0xda: {  	_ =	swait.ge [sflag:s12], $0x1000  }
0xdb: {  	[sflag:s12] =	ssyncset.done $0x0  }
0xdc: {  	[sflag:s12] =	ssyncadd.s32 $0xFFFFF000  }
0xdd: {  	[spmem:s10] =	stream.linear.scatter [tilespmem:s15], [sflag:$0x1], $0x1000, $0x38;
	[tilespmem:$0x1D160] =	vst v63  }
0xde: {  	_ =	swait.ge [sflag:s12], $0x1000  }
0xdf: {  	[sflag:s12] =	ssyncset.done $0x0  }
0xe0: {  	[sflag:s12] =	ssyncadd.s32 $0xFFFFF000  }
0xe1: {  	[spmem:s11] =	stream.linear.scatter [tilespmem:s15], [sflag:$0x1], $0x1000, $0x38;
	[tilespmem:$0x1D160] =	vst v63  }
0xe2: {  	_ =	swait.ge [sflag:s12], $0x1000  }
0xe3: {  	[sflag:s12] =	ssyncset.done $0x0  }
0xe4: {  	[sflag:s12] =	ssyncadd.s32 $0xFFFFF000  }
0xe5: {  	[bflag:$0x0] =	sbarrier.arrive $0xFFFF  }
0xe6: {  	v26 =	vld [tilespmem:$0x0]  }
0xe7: {  	v27 =	vld [tilespmem:$0x50A0];
	_ =	sdelay $0x3  }
0xe8: {  	v26 =	vshrl.u32 v26, $0x1;
	_ =	sdelay $0x3  }
0xe9: {  	v28 =	vld.idx.msk [tilespmem:v27+s14+$0x0], $0xffff  }
0xea: {  	v26 =	vld.idx.msk [tilespmem:v26+s13+$0x0], $0xffff;
	_ =	sdelay $0x4  }
0xeb: {  	v26 =	vadd.f32 v28, v26;
	_ =	sdelay $0x1  }
0xec: {  	v22 =	vmax.f32 v22, v24;
	v23 =	vmax.f32 v23, v25;
	v40 =	vmul.f32 $2.000000030e-01, v26  }
0xed: {  	v22 =	vadd.f32 v23, v22;
	vm0 =	vge.f32 v26, $0.0e+00  }
0xee: {  	v23 =	vsel vm0, v26, v40  }
0xef: {  	v23 =	vsub.f32 v23, v22;
	_ =	sdelay $0x1  }
0xf0: {  	v23 =	vmul.f32 $1.442695020e+00, v23;
	_ =	sdelay $0x1  }
0xf1: {  	(erf) = vpow2.f32 v23;
	_ =	sdelay $0x8  }
0xf2: {  	v23 =	vpop (erf)  }
0xf3: {  	[tilespmem:v27+s16+$0x0] =	vst.idx.add.f32.msk $0xffff, v23  }
0xf4: {  	s26 =	simm.s32 $0x0;
	[tilespmem:$0x13140] =	vst v27  }
0xf5: {  	[tilespmem:s19], [sflag:$0x1] =	stream.indirect.gather [hbm4b:s3+s17], $0x40, s26, s17, $0xb8;
	[tilespmem:$0x1D160] =	vst v63  }
0xf6: {  	_ =	swait.ge [sflag:s12], $0x400  }
0xf7: {  	[sflag:s12] =	ssyncset.done $0x0  }
0xf8: {  	[sflag:s12] =	ssyncadd.s32 $0xFFFFFC00  }
0xf9: {  	v41 =	vld [tilespmem:$0x11940]  }
0xfa: {  	v42 =	vld [tilespmem:$0x11950]  }
0xfb: {  	v43 =	vld [tilespmem:$0x11960]  }
0xfc: {  	v44 =	vperm.xlane v23, v7;
	v45 =	vld [tilespmem:$0x11970]  }
0xfd: {  	v29 =	vld [tilespmem:$0x11980]  }
0xfe: {  	v30 =	vld [tilespmem:$0x11990];
	v24 =	vmul.f32 v41, v44  }
0xff: {  	v31 =	vld [tilespmem:$0x119A0];
	v25 =	vmul.f32 v42, v44  }
0x100: {  	v47 =	vperm.xlane v23, v6;
	v32 =	vld [tilespmem:$0x119B0];
	v46 =	vmul.f32 v43, v44;
	[tilespmem:$0x11940] =	vst v24  }
0x101: {  	v49 =	vld [tilespmem:$0x119C0];
	v48 =	vmul.f32 v45, v44;
	[tilespmem:$0x11950] =	vst v25  }
0x102: {  	v51 =	vld [tilespmem:$0x119D0];
	v50 =	vmul.f32 v29, v47;
	[tilespmem:$0x11960] =	vst v46  }
0x103: {  	v53 =	vld [tilespmem:$0x119E0];
	v52 =	vmul.f32 v30, v47;
	[tilespmem:$0x11970] =	vst v48  }
0x104: {  	v55 =	vperm.xlane v23, v8;
	v56 =	vld [tilespmem:$0x119F0];
	v54 =	vmul.f32 v31, v47;
	[tilespmem:$0x11980] =	vst v50  }
0x105: {  	v58 =	vld [tilespmem:$0x11A00];
	v57 =	vmul.f32 v32, v47;
	[tilespmem:$0x11990] =	vst v52  }
0x106: {  	v60 =	vld [tilespmem:$0x11A10];
	v59 =	vmul.f32 v49, v55;
	[tilespmem:$0x119A0] =	vst v54  }
0x107: {  	v62 =	vld [tilespmem:$0x11A20];
	v61 =	vmul.f32 v51, v55;
	[tilespmem:$0x119B0] =	vst v57  }
0x108: {  	v36 =	vperm.xlane v23, v9;
	v37 =	vld [tilespmem:$0x11A30];
	v63 =	vmul.f32 v53, v55;
	[tilespmem:$0x119C0] =	vst v59  }
0x109: {  	v39 =	vld [tilespmem:$0x11A40];
	v38 =	vmul.f32 v56, v55;
	[tilespmem:$0x119D0] =	vst v61  }
0x10a: {  	v40 =	vmul.f32 v58, v36;
	v41 =	vld [tilespmem:$0x11A50];
	[tilespmem:$0x119E0] =	vst v63  }
0x10b: {  	v42 =	vmul.f32 v60, v36;
	v43 =	vld [tilespmem:$0x11A60];
	[tilespmem:$0x119F0] =	vst v38  }
0x10c: {  	v44 =	vmul.f32 v62, v36;
	v45 =	vperm.xlane v23, v10;
	v55 =	vld [tilespmem:$0x11AB0];
	[tilespmem:$0x11A00] =	vst v40  }
0x10d: {  	v47 =	vmul.f32 v37, v36;
	v46 =	vld [tilespmem:$0x11A70];
	[tilespmem:$0x11A10] =	vst v42  }
0x10e: {  	v48 =	vld [tilespmem:$0x11A80];
	[tilespmem:$0x11A20] =	vst v44;
	v49 =	vmul.f32 v39, v45  }
0x10f: {  	v50 =	vld [tilespmem:$0x11A90];
	[tilespmem:$0x11A30] =	vst v47;
	v54 =	vperm.xlane v23, v11;
	v51 =	vmul.f32 v41, v45  }
0x110: {  	v52 =	vld [tilespmem:$0x11AA0];
	[tilespmem:$0x11A40] =	vst v49;
	v53 =	vmul.f32 v43, v45  }
0x111: {  	v57 =	vld [tilespmem:$0x11AC0];
	v37 =	vmul.f32 v55, v54;
	[tilespmem:$0x11A50] =	vst v51  }
0x112: {  	v59 =	vld [tilespmem:$0x11AD0];
	v56 =	vmul.f32 v46, v45;
	[tilespmem:$0x11A60] =	vst v53  }
0x113: {  	v61 =	vld [tilespmem:$0x11AE0];
	v58 =	vmul.f32 v48, v54;
	[tilespmem:$0x11AB0] =	vst v37  }
0x114: {  	v36 =	vld [tilespmem:$0x11AF0];
	v63 =	vperm.xlane v23, v12;
	v60 =	vmul.f32 v50, v54;
	[tilespmem:$0x11A70] =	vst v56  }
0x115: {  	v38 =	vld [tilespmem:$0x11B00];
	v62 =	vmul.f32 v52, v54;
	[tilespmem:$0x11A80] =	vst v58  }
0x116: {  	v40 =	vld [tilespmem:$0x11B10];
	v39 =	vmul.f32 v57, v63;
	[tilespmem:$0x11A90] =	vst v60  }
0x117: {  	v42 =	vld [tilespmem:$0x11B20];
	v41 =	vmul.f32 v59, v63;
	[tilespmem:$0x11AA0] =	vst v62  }
0x118: {  	v44 =	vperm.xlane v23, v13;
	v47 =	vld [tilespmem:$0x11B40];
	v43 =	vmul.f32 v61, v63;
	[tilespmem:$0x11AC0] =	vst v39  }
0x119: {  	v49 =	vld [tilespmem:$0x11B50];
	v46 =	vmul.f32 v36, v63;
	[tilespmem:$0x11AD0] =	vst v41  }
0x11a: {  	v45 =	vld [tilespmem:$0x11B30];
	v48 =	vmul.f32 v38, v44;
	[tilespmem:$0x11AE0] =	vst v43  }
0x11b: {  	v50 =	vmul.f32 v40, v44;
	v51 =	vld [tilespmem:$0x11B60];
	v53 =	vperm.xlane v23, v14;
	[tilespmem:$0x11AF0] =	vst v46  }
0x11c: {  	v52 =	vmul.f32 v42, v44;
	v54 =	vld [tilespmem:$0x11B70];
	[tilespmem:$0x11B00] =	vst v48  }
0x11d: {  	v63 =	vld [tilespmem:$0x11BB0];
	[tilespmem:$0x11B10] =	vst v50;
	v57 =	vmul.f32 v47, v53  }
0x11e: {  	v36 =	vld [tilespmem:$0x11BC0];
	[tilespmem:$0x11B20] =	vst v52;
	v59 =	vmul.f32 v49, v53  }
0x11f: {  	v38 =	vld [tilespmem:$0x11BD0];
	[tilespmem:$0x11B40] =	vst v57;
	v55 =	vmul.f32 v45, v44  }
0x120: {  	v40 =	vld [tilespmem:$0x11BE0];
	v62 =	vperm.xlane v23, v15;
	[tilespmem:$0x11B50] =	vst v59;
	v61 =	vmul.f32 v51, v53  }
0x121: {  	v42 =	vperm.xlane v23, v16;
	v56 =	vld [tilespmem:$0x11B80];
	v35 =	vmul.f32 v54, v53;
	[tilespmem:$0x11B30] =	vst v55  }
0x122: {  	v58 =	vld [tilespmem:$0x11B90];
	v44 =	vmul.f32 v63, v62;
	[tilespmem:$0x11B60] =	vst v61  }
0x123: {  	v60 =	vld [tilespmem:$0x11BA0];
	v46 =	vmul.f32 v36, v42;
	[tilespmem:$0x11B70] =	vst v35  }
0x124: {  	v43 =	vld [tilespmem:$0x11BF0];
	v48 =	vmul.f32 v38, v42;
	[tilespmem:$0x11BB0] =	vst v44  }
0x125: {  	v47 =	vld [tilespmem:$0x11C10];
	v50 =	vmul.f32 v40, v42;
	[tilespmem:$0x11BC0] =	vst v46  }
0x126: {  	v49 =	vld [tilespmem:$0x11C20];
	v37 =	vmul.f32 v56, v62;
	[tilespmem:$0x11BD0] =	vst v48  }
0x127: {  	v52 =	vld [tilespmem:$0x11C30];
	v39 =	vmul.f32 v58, v62;
	[tilespmem:$0x11BE0] =	vst v50  }
0x128: {  	v45 =	vld [tilespmem:$0x11C00];
	v51 =	vperm.xlane v23, v17;
	v41 =	vmul.f32 v60, v62;
	[tilespmem:$0x11B80] =	vst v37  }
0x129: {  	v54 =	vld [tilespmem:$0x11C40];
	v53 =	vmul.f32 v43, v42;
	[tilespmem:$0x11B90] =	vst v39  }
0x12a: {  	v63 =	vld [tilespmem:$0x11C80];
	v57 =	vmul.f32 v47, v51;
	[tilespmem:$0x11BA0] =	vst v41  }
0x12b: {  	v56 =	vld [tilespmem:$0x11C50];
	v59 =	vmul.f32 v49, v51;
	[tilespmem:$0x11BF0] =	vst v53  }
0x12c: {  	v58 =	vld [tilespmem:$0x11C60];
	v60 =	vperm.xlane v23, v18;
	v62 =	vmul.f32 v52, v51;
	[tilespmem:$0x11C10] =	vst v57  }
0x12d: {  	v61 =	vld [tilespmem:$0x11C70];
	[tilespmem:$0x11C20] =	vst v59;
	v41 =	vperm.xlane v23, v19;
	v55 =	vmul.f32 v45, v51  }
0x12e: {  	v42 =	vld [tilespmem:$0x11CB0];
	[tilespmem:$0x11C30] =	vst v62;
	v36 =	vmul.f32 v54, v60  }
0x12f: {  	v44 =	vld [tilespmem:$0x11CC0];
	v45 =	vmul.f32 v63, v41;
	[tilespmem:$0x11C00] =	vst v55  }
0x130: {  	v46 =	vld [tilespmem:$0x11CD0];
	v38 =	vmul.f32 v56, v60;
	[tilespmem:$0x11C40] =	vst v36  }
0x131: {  	v48 =	vld [tilespmem:$0x11CE0];
	v40 =	vmul.f32 v58, v60;
	[tilespmem:$0x11C80] =	vst v45  }
0x132: {  	v50 =	vperm.xlane v23, v20;
	v37 =	vld [tilespmem:$0x11C90];
	v43 =	vmul.f32 v61, v60;
	[tilespmem:$0x11C50] =	vst v38  }
0x133: {  	v39 =	vld [tilespmem:$0x11CA0];
	v52 =	vmul.f32 v42, v41;
	[tilespmem:$0x11C60] =	vst v40  }
0x134: {  	v53 =	vld [tilespmem:$0x11D00];
	v54 =	vmul.f32 v44, v50;
	[tilespmem:$0x11C70] =	vst v43  }
0x135: {  	v57 =	vld [tilespmem:$0x11D20];
	v56 =	vmul.f32 v46, v50;
	[tilespmem:$0x11CB0] =	vst v52  }
0x136: {  	v51 =	vld [tilespmem:$0x11CF0];
	v58 =	vmul.f32 v48, v50;
	[tilespmem:$0x11CC0] =	vst v54  }
0x137: {  	v23 =	vperm.xlane v23, v21;
	v55 =	vld [tilespmem:$0x11D10];
	v47 =	vmul.f32 v37, v41;
	[tilespmem:$0x11CD0] =	vst v56  }
0x138: {  	v59 =	vld [tilespmem:$0x11D30];
	v49 =	vmul.f32 v39, v41;
	[tilespmem:$0x11CE0] =	vst v58  }
0x139: {  	v61 =	vmul.f32 v53, v23;
	[tilespmem:$0x11C90] =	vst v47  }
0x13a: {  	v63 =	vmul.f32 v57, v23;
	[tilespmem:$0x11CA0] =	vst v49  }
.Ltmp5:
0x13b: {  	v60 =	vmul.f32 v51, v50;
	[tilespmem:$0x11D00] =	vst v61;
	(pc) =	sbr.rel .LBB2_8-.Ltmp5, $4  }
0x13c: {  	[tilespmem:$0x11D20] =	vst v63;
	v62 =	vmul.f32 v55, v23  }
0x13d: {  	[tilespmem:$0x11CF0] =	vst v60;
	v23 =	vmul.f32 v59, v23  }
0x13e: {  	[tilespmem:$0x11D10] =	vst v62  }
0x13f: {  	[tilespmem:$0x11D30] =	vst v23  }
.LBB2_10:
0x140: {  	s26 =	sadd.s32 $0x80, s26  }
0x141: {  	p1 =	sne.s32 s26, $0x14280  }
.Ltmp6:
0x142: {  	_ = 	snop;
	(pc) =	sbr.rel @!p1 .LBB2_11-.Ltmp6, $4  }
0x143: {  	[spmem:s4] =	stream.indirect.scatter.add.f32 [tilespmem:s20], [sflag:$0x1], $0x40, s22, s17, $0xb8;
	[tilespmem:$0x1D160] =	vst v63  }
0x144: {  	_ =	swait.ge [sflag:s12], $0x400  }
0x145: {  	[sflag:s12] =	ssyncset.done $0x0  }
0x146: {  	[sflag:s12] =	ssyncadd.s32 $0xFFFFFC00  }
.LBB2_8:
0x147: {  	s28 =	sshra.s32 s26, $0x2  }
0x148: {  	v23 =	vld [tilespmem:s28+$0x10]  }
0x149: {  	v24 =	vld [tilespmem:s28+$0x50B0];
	_ =	sdelay $0x3  }
0x14a: {  	v23 =	vshrl.u32 v23, $0x1;
	_ =	sdelay $0x3  }
0x14b: {  	v25 =	vld.idx.msk [tilespmem:v24+s14+$0x0], $0xffff  }
0x14c: {  	v23 =	vld.idx.msk [tilespmem:v23+s13+$0x0], $0xffff;
	_ =	sdelay $0x4  }
0x14d: {  	v23 =	vadd.f32 v25, v23;
	_ =	sdelay $0x1  }
0x14e: {  	v25 =	vmul.f32 $2.000000030e-01, v23  }
0x14f: {  	vm0 =	vge.f32 v23, $0.0e+00  }
0x150: {  	v23 =	vsel vm0, v23, v25  }
0x151: {  	v23 =	vsub.f32 v23, v22;
	_ =	sdelay $0x1  }
0x152: {  	v23 =	vmul.f32 $1.442695020e+00, v23;
	_ =	sdelay $0x1  }
0x153: {  	(erf) = vpow2.f32 v23;
	_ =	sdelay $0x8  }
0x154: {  	v23 =	vpop (erf)  }
0x155: {  	[tilespmem:v24+s16+$0x0] =	vst.idx.add.f32.msk $0xffff, v23  }
0x156: {  	s29 =	sadd.s32 $0x10, s28;
	[tilespmem:$0x13150] =	vst v24  }
0x157: {  	[tilespmem:s20], [sflag:$0x1] =	stream.indirect.gather [hbm4b:s3+s17], $0x40, s29, s17, $0xb8;
	[tilespmem:$0x1D160] =	vst v63  }
0x158: {  	_ =	swait.ge [sflag:s12], $0x400  }
0x159: {  	[sflag:s12] =	ssyncset.done $0x0  }
0x15a: {  	[sflag:s12] =	ssyncadd.s32 $0xFFFFFC00  }
0x15b: {  	v44 =	vld [tilespmem:$0x11D40]  }
0x15c: {  	v45 =	vld [tilespmem:$0x11D50]  }
0x15d: {  	v26 =	vld [tilespmem:$0x11D60]  }
0x15e: {  	v27 =	vperm.xlane v23, v7;
	v28 =	vld [tilespmem:$0x11D70]  }
0x15f: {  	v29 =	vld [tilespmem:$0x11D80]  }
0x160: {  	v30 =	vld [tilespmem:$0x11D90];
	v24 =	vmul.f32 v44, v27  }
0x161: {  	v31 =	vld [tilespmem:$0x11DA0];
	v25 =	vmul.f32 v45, v27  }
0x162: {  	v47 =	vperm.xlane v23, v6;
	v32 =	vld [tilespmem:$0x11DB0];
	v46 =	vmul.f32 v26, v27;
	[tilespmem:$0x11D40] =	vst v24  }
0x163: {  	v49 =	vld [tilespmem:$0x11DC0];
	v48 =	vmul.f32 v28, v27;
	[tilespmem:$0x11D50] =	vst v25  }
0x164: {  	v51 =	vld [tilespmem:$0x11DD0];
	v50 =	vmul.f32 v29, v47;
	[tilespmem:$0x11D60] =	vst v46  }
0x165: {  	v53 =	vld [tilespmem:$0x11DE0];
	v52 =	vmul.f32 v30, v47;
	[tilespmem:$0x11D70] =	vst v48  }
0x166: {  	v55 =	vperm.xlane v23, v8;
	v56 =	vld [tilespmem:$0x11DF0];
	v54 =	vmul.f32 v31, v47;
	[tilespmem:$0x11D80] =	vst v50  }
0x167: {  	v58 =	vld [tilespmem:$0x11E00];
	v57 =	vmul.f32 v32, v47;
	[tilespmem:$0x11D90] =	vst v52  }
0x168: {  	v60 =	vld [tilespmem:$0x11E10];
	v59 =	vmul.f32 v49, v55;
	[tilespmem:$0x11DA0] =	vst v54  }
0x169: {  	v62 =	vld [tilespmem:$0x11E20];
	v61 =	vmul.f32 v51, v55;
	[tilespmem:$0x11DB0] =	vst v57  }
0x16a: {  	v36 =	vperm.xlane v23, v9;
	v37 =	vld [tilespmem:$0x11E30];
	v63 =	vmul.f32 v53, v55;
	[tilespmem:$0x11DC0] =	vst v59  }
0x16b: {  	v39 =	vld [tilespmem:$0x11E40];
	v38 =	vmul.f32 v56, v55;
	[tilespmem:$0x11DD0] =	vst v61  }
0x16c: {  	v41 =	vld [tilespmem:$0x11E50];
	v40 =	vmul.f32 v58, v36;
	[tilespmem:$0x11DE0] =	vst v63  }
0x16d: {  	v43 =	vld [tilespmem:$0x11E60];
	v42 =	vmul.f32 v60, v36;
	[tilespmem:$0x11DF0] =	vst v38  }
0x16e: {  	v44 =	vmul.f32 v62, v36;
	v45 =	vperm.xlane v23, v10;
	v55 =	vld [tilespmem:$0x11EB0];
	[tilespmem:$0x11E00] =	vst v40  }
0x16f: {  	v47 =	vmul.f32 v37, v36;
	v46 =	vld [tilespmem:$0x11E70];
	[tilespmem:$0x11E10] =	vst v42  }
0x170: {  	v48 =	vld [tilespmem:$0x11E80];
	[tilespmem:$0x11E20] =	vst v44;
	v49 =	vmul.f32 v39, v45  }
0x171: {  	v50 =	vld [tilespmem:$0x11E90];
	[tilespmem:$0x11E30] =	vst v47;
	v51 =	vmul.f32 v41, v45;
	v54 =	vperm.xlane v23, v11  }
0x172: {  	v52 =	vld [tilespmem:$0x11EA0];
	v53 =	vmul.f32 v43, v45;
	[tilespmem:$0x11E40] =	vst v49  }
0x173: {  	v57 =	vld [tilespmem:$0x11EC0];
	[tilespmem:$0x11E50] =	vst v51;
	v37 =	vmul.f32 v55, v54  }
0x174: {  	v59 =	vld [tilespmem:$0x11ED0];
	[tilespmem:$0x11E60] =	vst v53;
	v56 =	vmul.f32 v46, v45  }
0x175: {  	v61 =	vld [tilespmem:$0x11EE0];
	v58 =	vmul.f32 v48, v54;
	[tilespmem:$0x11EB0] =	vst v37  }
0x176: {  	v36 =	vld [tilespmem:$0x11EF0];
	v63 =	vperm.xlane v23, v12;
	v60 =	vmul.f32 v50, v54;
	[tilespmem:$0x11E70] =	vst v56  }
0x177: {  	v38 =	vld [tilespmem:$0x11F00];
	v62 =	vmul.f32 v52, v54;
	[tilespmem:$0x11E80] =	vst v58  }
0x178: {  	v40 =	vld [tilespmem:$0x11F10];
	v39 =	vmul.f32 v57, v63;
	[tilespmem:$0x11E90] =	vst v60  }
0x179: {  	v42 =	vld [tilespmem:$0x11F20];
	v41 =	vmul.f32 v59, v63;
	[tilespmem:$0x11EA0] =	vst v62  }
0x17a: {  	v44 =	vperm.xlane v23, v13;
	v47 =	vld [tilespmem:$0x11F40];
	v43 =	vmul.f32 v61, v63;
	[tilespmem:$0x11EC0] =	vst v39  }
0x17b: {  	v49 =	vld [tilespmem:$0x11F50];
	v46 =	vmul.f32 v36, v63;
	[tilespmem:$0x11ED0] =	vst v41  }
0x17c: {  	v51 =	vld [tilespmem:$0x11F60];
	v48 =	vmul.f32 v38, v44;
	[tilespmem:$0x11EE0] =	vst v43  }
0x17d: {  	v53 =	vperm.xlane v23, v14;
	v45 =	vld [tilespmem:$0x11F30];
	v50 =	vmul.f32 v40, v44;
	[tilespmem:$0x11EF0] =	vst v46  }
0x17e: {  	v52 =	vmul.f32 v42, v44;
	v54 =	vld [tilespmem:$0x11F70];
	[tilespmem:$0x11F00] =	vst v48  }
0x17f: {  	v57 =	vmul.f32 v47, v53;
	v63 =	vld [tilespmem:$0x11FB0];
	[tilespmem:$0x11F10] =	vst v50  }
0x180: {  	v36 =	vld [tilespmem:$0x11FC0];
	[tilespmem:$0x11F20] =	vst v52;
	v59 =	vmul.f32 v49, v53  }
0x181: {  	v38 =	vld [tilespmem:$0x11FD0];
	[tilespmem:$0x11F40] =	vst v57;
	v61 =	vmul.f32 v51, v53  }
0x182: {  	v40 =	vld [tilespmem:$0x11FE0];
	v62 =	vperm.xlane v23, v15;
	[tilespmem:$0x11F50] =	vst v59;
	v55 =	vmul.f32 v45, v44  }
0x183: {  	v42 =	vperm.xlane v23, v16;
	v47 =	vld [tilespmem:$0x12010];
	[tilespmem:$0x11F60] =	vst v61;
	v35 =	vmul.f32 v54, v53  }
0x184: {  	v56 =	vld [tilespmem:$0x11F80];
	v44 =	vmul.f32 v63, v62;
	[tilespmem:$0x11F30] =	vst v55  }
0x185: {  	v58 =	vld [tilespmem:$0x11F90];
	v46 =	vmul.f32 v36, v42;
	[tilespmem:$0x11F70] =	vst v35  }
0x186: {  	v60 =	vld [tilespmem:$0x11FA0];
	v51 =	vperm.xlane v23, v17;
	v48 =	vmul.f32 v38, v42;
	[tilespmem:$0x11FB0] =	vst v44  }
0x187: {  	v43 =	vld [tilespmem:$0x11FF0];
	v50 =	vmul.f32 v40, v42;
	[tilespmem:$0x11FC0] =	vst v46  }
0x188: {  	v49 =	vld [tilespmem:$0x12020];
	v57 =	vmul.f32 v47, v51;
	[tilespmem:$0x11FD0] =	vst v48  }
0x189: {  	v52 =	vld [tilespmem:$0x12030];
	v37 =	vmul.f32 v56, v62;
	[tilespmem:$0x11FE0] =	vst v50  }
0x18a: {  	v61 =	vld [tilespmem:$0x12070];
	v39 =	vmul.f32 v58, v62;
	[tilespmem:$0x12010] =	vst v57  }
0x18b: {  	v45 =	vld [tilespmem:$0x12000];
	v41 =	vmul.f32 v60, v62;
	[tilespmem:$0x11F80] =	vst v37  }
0x18c: {  	v54 =	vld [tilespmem:$0x12040];
	v53 =	vmul.f32 v43, v42;
	[tilespmem:$0x11F90] =	vst v39  }
0x18d: {  	v63 =	vld [tilespmem:$0x12080];
	v59 =	vmul.f32 v49, v51;
	v60 =	vperm.xlane v23, v18;
	[tilespmem:$0x11FA0] =	vst v41  }
0x18e: {  	v56 =	vld [tilespmem:$0x12050];
	v62 =	vmul.f32 v52, v51;
	[tilespmem:$0x11FF0] =	vst v53  }
0x18f: {  	v58 =	vld [tilespmem:$0x12060];
	[tilespmem:$0x12020] =	vst v59;
	v43 =	vmul.f32 v61, v60  }
0x190: {  	v42 =	vld [tilespmem:$0x120B0];
	[tilespmem:$0x12030] =	vst v62;
	v41 =	vperm.xlane v23, v19;
	v55 =	vmul.f32 v45, v51  }
0x191: {  	v44 =	vld [tilespmem:$0x120C0];
	v36 =	vmul.f32 v54, v60;
	[tilespmem:$0x12070] =	vst v43  }
0x192: {  	v46 =	vld [tilespmem:$0x120D0];
	v45 =	vmul.f32 v63, v41;
	[tilespmem:$0x12000] =	vst v55  }
0x193: {  	v48 =	vld [tilespmem:$0x120E0];
	v38 =	vmul.f32 v56, v60;
	[tilespmem:$0x12040] =	vst v36  }
0x194: {  	v50 =	vperm.xlane v23, v20;
	v57 =	vld [tilespmem:$0x12120];
	v40 =	vmul.f32 v58, v60;
	[tilespmem:$0x12080] =	vst v45  }
0x195: {  	v37 =	vld [tilespmem:$0x12090];
	v52 =	vmul.f32 v42, v41;
	[tilespmem:$0x12050] =	vst v38  }
0x196: {  	v39 =	vld [tilespmem:$0x120A0];
	v54 =	vmul.f32 v44, v50;
	[tilespmem:$0x12060] =	vst v40  }
0x197: {  	v53 =	vld [tilespmem:$0x12100];
	v23 =	vperm.xlane v23, v21;
	v56 =	vmul.f32 v46, v50;
	[tilespmem:$0x120B0] =	vst v52  }
0x198: {  	v51 =	vld [tilespmem:$0x120F0];
	v58 =	vmul.f32 v48, v50;
	[tilespmem:$0x120C0] =	vst v54  }
0x199: {  	v55 =	vld [tilespmem:$0x12110];
	v63 =	vmul.f32 v57, v23;
	[tilespmem:$0x120D0] =	vst v56  }
0x19a: {  	v59 =	vld [tilespmem:$0x12130];
	v47 =	vmul.f32 v37, v41;
	[tilespmem:$0x120E0] =	vst v58  }
0x19b: {  	v49 =	vmul.f32 v39, v41;
	[tilespmem:$0x12120] =	vst v63  }
0x19c: {  	v61 =	vmul.f32 v53, v23;
	[tilespmem:$0x12090] =	vst v47  }
0x19d: {  	v60 =	vmul.f32 v51, v50;
	[tilespmem:$0x120A0] =	vst v49  }
0x19e: {  	[tilespmem:$0x12100] =	vst v61;
	v62 =	vmul.f32 v55, v23  }
0x19f: {  	[tilespmem:$0x120F0] =	vst v60;
	v23 =	vmul.f32 v59, v23  }
0x1a0: {  	p1 =	seq.s32 s26, $0x14200;
	[tilespmem:$0x12110] =	vst v62  }
.Ltmp7:
0x1a1: {  	[tilespmem:$0x12130] =	vst v23;
	(pc) =	sbr.rel @p1 .LBB2_10-.Ltmp7, $4  }
0x1a2: {  	[spmem:s4] =	stream.indirect.scatter.add.f32 [tilespmem:s19], [sflag:$0x1], $0x40, s21, s17, $0xb8;
	[tilespmem:$0x1D160] =	vst v63  }
0x1a3: {  	_ =	swait.ge [sflag:s12], $0x400  }
0x1a4: {  	[sflag:s12] =	ssyncset.done $0x0  }
0x1a5: {  	[sflag:s12] =	ssyncadd.s32 $0xFFFFFC00  }
0x1a6: {  	v23 =	vld [tilespmem:s28+$0x20]  }
0x1a7: {  	v24 =	vld [tilespmem:s28+$0x50C0];
	_ =	sdelay $0x3  }
0x1a8: {  	v23 =	vshrl.u32 v23, $0x1;
	_ =	sdelay $0x3  }
0x1a9: {  	v25 =	vld.idx.msk [tilespmem:v24+s14+$0x0], $0xffff  }
0x1aa: {  	v23 =	vld.idx.msk [tilespmem:v23+s13+$0x0], $0xffff;
	_ =	sdelay $0x4  }
0x1ab: {  	v23 =	vadd.f32 v25, v23;
	_ =	sdelay $0x1  }
0x1ac: {  	v25 =	vmul.f32 $2.000000030e-01, v23  }
0x1ad: {  	vm0 =	vge.f32 v23, $0.0e+00  }
0x1ae: {  	v23 =	vsel vm0, v23, v25  }
0x1af: {  	v23 =	vsub.f32 v23, v22;
	_ =	sdelay $0x1  }
0x1b0: {  	v23 =	vmul.f32 $1.442695020e+00, v23;
	_ =	sdelay $0x1  }
0x1b1: {  	(erf) = vpow2.f32 v23;
	_ =	sdelay $0x8  }
0x1b2: {  	v23 =	vpop (erf)  }
0x1b3: {  	[tilespmem:v24+s16+$0x0] =	vst.idx.add.f32.msk $0xffff, v23  }
0x1b4: {  	s30 =	sadd.s32 $0x20, s28;
	[tilespmem:$0x13140] =	vst v24  }
0x1b5: {  	[tilespmem:s19], [sflag:$0x1] =	stream.indirect.gather [hbm4b:s3+s17], $0x40, s30, s17, $0xb8;
	[tilespmem:$0x1D160] =	vst v63  }
0x1b6: {  	_ =	swait.ge [sflag:s12], $0x400  }
0x1b7: {  	[sflag:s12] =	ssyncset.done $0x0  }
0x1b8: {  	[sflag:s12] =	ssyncadd.s32 $0xFFFFFC00  }
0x1b9: {  	v44 =	vld [tilespmem:$0x11940]  }
0x1ba: {  	v45 =	vld [tilespmem:$0x11950]  }
0x1bb: {  	v26 =	vld [tilespmem:$0x11960]  }
0x1bc: {  	v27 =	vperm.xlane v23, v7;
	v28 =	vld [tilespmem:$0x11970]  }
0x1bd: {  	v29 =	vld [tilespmem:$0x11980]  }
0x1be: {  	v30 =	vld [tilespmem:$0x11990];
	v24 =	vmul.f32 v44, v27  }
0x1bf: {  	v31 =	vld [tilespmem:$0x119A0];
	v25 =	vmul.f32 v45, v27  }
0x1c0: {  	v47 =	vperm.xlane v23, v6;
	v32 =	vld [tilespmem:$0x119B0];
	v46 =	vmul.f32 v26, v27;
	[tilespmem:$0x11940] =	vst v24  }
0x1c1: {  	v49 =	vld [tilespmem:$0x119C0];
	v48 =	vmul.f32 v28, v27;
	[tilespmem:$0x11950] =	vst v25  }
0x1c2: {  	v51 =	vld [tilespmem:$0x119D0];
	v50 =	vmul.f32 v29, v47;
	[tilespmem:$0x11960] =	vst v46  }
0x1c3: {  	v53 =	vld [tilespmem:$0x119E0];
	v52 =	vmul.f32 v30, v47;
	[tilespmem:$0x11970] =	vst v48  }
0x1c4: {  	v55 =	vperm.xlane v23, v8;
	v56 =	vld [tilespmem:$0x119F0];
	v54 =	vmul.f32 v31, v47;
	[tilespmem:$0x11980] =	vst v50  }
0x1c5: {  	v58 =	vld [tilespmem:$0x11A00];
	v57 =	vmul.f32 v32, v47;
	[tilespmem:$0x11990] =	vst v52  }
0x1c6: {  	v60 =	vld [tilespmem:$0x11A10];
	v59 =	vmul.f32 v49, v55;
	[tilespmem:$0x119A0] =	vst v54  }
0x1c7: {  	v62 =	vld [tilespmem:$0x11A20];
	v61 =	vmul.f32 v51, v55;
	[tilespmem:$0x119B0] =	vst v57  }
0x1c8: {  	v36 =	vperm.xlane v23, v9;
	v37 =	vld [tilespmem:$0x11A30];
	v63 =	vmul.f32 v53, v55;
	[tilespmem:$0x119C0] =	vst v59  }
0x1c9: {  	v39 =	vld [tilespmem:$0x11A40];
	v38 =	vmul.f32 v56, v55;
	[tilespmem:$0x119D0] =	vst v61  }
0x1ca: {  	v41 =	vld [tilespmem:$0x11A50];
	v40 =	vmul.f32 v58, v36;
	[tilespmem:$0x119E0] =	vst v63  }
0x1cb: {  	v43 =	vld [tilespmem:$0x11A60];
	v42 =	vmul.f32 v60, v36;
	[tilespmem:$0x119F0] =	vst v38  }
0x1cc: {  	v44 =	vmul.f32 v62, v36;
	v45 =	vperm.xlane v23, v10;
	v55 =	vld [tilespmem:$0x11AB0];
	[tilespmem:$0x11A00] =	vst v40  }
0x1cd: {  	v47 =	vmul.f32 v37, v36;
	v46 =	vld [tilespmem:$0x11A70];
	[tilespmem:$0x11A10] =	vst v42  }
0x1ce: {  	v48 =	vld [tilespmem:$0x11A80];
	[tilespmem:$0x11A20] =	vst v44;
	v49 =	vmul.f32 v39, v45  }
0x1cf: {  	v50 =	vld [tilespmem:$0x11A90];
	[tilespmem:$0x11A30] =	vst v47;
	v51 =	vmul.f32 v41, v45;
	v54 =	vperm.xlane v23, v11  }
0x1d0: {  	v52 =	vld [tilespmem:$0x11AA0];
	v53 =	vmul.f32 v43, v45;
	[tilespmem:$0x11A40] =	vst v49  }
0x1d1: {  	v57 =	vld [tilespmem:$0x11AC0];
	[tilespmem:$0x11A50] =	vst v51;
	v37 =	vmul.f32 v55, v54  }
0x1d2: {  	v59 =	vld [tilespmem:$0x11AD0];
	[tilespmem:$0x11A60] =	vst v53;
	v56 =	vmul.f32 v46, v45  }
0x1d3: {  	v61 =	vld [tilespmem:$0x11AE0];
	v58 =	vmul.f32 v48, v54;
	[tilespmem:$0x11AB0] =	vst v37  }
0x1d4: {  	v36 =	vld [tilespmem:$0x11AF0];
	v63 =	vperm.xlane v23, v12;
	v60 =	vmul.f32 v50, v54;
	[tilespmem:$0x11A70] =	vst v56  }
0x1d5: {  	v38 =	vld [tilespmem:$0x11B00];
	v62 =	vmul.f32 v52, v54;
	[tilespmem:$0x11A80] =	vst v58  }
0x1d6: {  	v40 =	vld [tilespmem:$0x11B10];
	v39 =	vmul.f32 v57, v63;
	[tilespmem:$0x11A90] =	vst v60  }
0x1d7: {  	v42 =	vld [tilespmem:$0x11B20];
	v41 =	vmul.f32 v59, v63;
	[tilespmem:$0x11AA0] =	vst v62  }
0x1d8: {  	v44 =	vperm.xlane v23, v13;
	v47 =	vld [tilespmem:$0x11B40];
	v43 =	vmul.f32 v61, v63;
	[tilespmem:$0x11AC0] =	vst v39  }
0x1d9: {  	v49 =	vld [tilespmem:$0x11B50];
	v46 =	vmul.f32 v36, v63;
	[tilespmem:$0x11AD0] =	vst v41  }
0x1da: {  	v51 =	vld [tilespmem:$0x11B60];
	v48 =	vmul.f32 v38, v44;
	[tilespmem:$0x11AE0] =	vst v43  }
0x1db: {  	v53 =	vperm.xlane v23, v14;
	v45 =	vld [tilespmem:$0x11B30];
	v50 =	vmul.f32 v40, v44;
	[tilespmem:$0x11AF0] =	vst v46  }
0x1dc: {  	v52 =	vmul.f32 v42, v44;
	v54 =	vld [tilespmem:$0x11B70];
	[tilespmem:$0x11B00] =	vst v48  }
0x1dd: {  	v57 =	vmul.f32 v47, v53;
	v63 =	vld [tilespmem:$0x11BB0];
	[tilespmem:$0x11B10] =	vst v50  }
0x1de: {  	v36 =	vld [tilespmem:$0x11BC0];
	[tilespmem:$0x11B20] =	vst v52;
	v59 =	vmul.f32 v49, v53  }
0x1df: {  	v38 =	vld [tilespmem:$0x11BD0];
	[tilespmem:$0x11B40] =	vst v57;
	v61 =	vmul.f32 v51, v53  }
0x1e0: {  	v40 =	vld [tilespmem:$0x11BE0];
	v62 =	vperm.xlane v23, v15;
	[tilespmem:$0x11B50] =	vst v59;
	v55 =	vmul.f32 v45, v44  }
0x1e1: {  	v42 =	vperm.xlane v23, v16;
	v47 =	vld [tilespmem:$0x11C10];
	[tilespmem:$0x11B60] =	vst v61;
	v35 =	vmul.f32 v54, v53  }
0x1e2: {  	v56 =	vld [tilespmem:$0x11B80];
	v44 =	vmul.f32 v63, v62;
	[tilespmem:$0x11B30] =	vst v55  }
0x1e3: {  	v58 =	vld [tilespmem:$0x11B90];
	v46 =	vmul.f32 v36, v42;
	[tilespmem:$0x11B70] =	vst v35  }
0x1e4: {  	v60 =	vld [tilespmem:$0x11BA0];
	v51 =	vperm.xlane v23, v17;
	v48 =	vmul.f32 v38, v42;
	[tilespmem:$0x11BB0] =	vst v44  }
0x1e5: {  	v43 =	vld [tilespmem:$0x11BF0];
	v50 =	vmul.f32 v40, v42;
	[tilespmem:$0x11BC0] =	vst v46  }
0x1e6: {  	v49 =	vld [tilespmem:$0x11C20];
	v57 =	vmul.f32 v47, v51;
	[tilespmem:$0x11BD0] =	vst v48  }
0x1e7: {  	v52 =	vld [tilespmem:$0x11C30];
	v37 =	vmul.f32 v56, v62;
	[tilespmem:$0x11BE0] =	vst v50  }
0x1e8: {  	v61 =	vld [tilespmem:$0x11C70];
	v39 =	vmul.f32 v58, v62;
	[tilespmem:$0x11C10] =	vst v57  }
0x1e9: {  	v45 =	vld [tilespmem:$0x11C00];
	v41 =	vmul.f32 v60, v62;
	[tilespmem:$0x11B80] =	vst v37  }
0x1ea: {  	v54 =	vld [tilespmem:$0x11C40];
	v53 =	vmul.f32 v43, v42;
	[tilespmem:$0x11B90] =	vst v39  }
0x1eb: {  	v63 =	vld [tilespmem:$0x11C80];
	v59 =	vmul.f32 v49, v51;
	v60 =	vperm.xlane v23, v18;
	[tilespmem:$0x11BA0] =	vst v41  }
0x1ec: {  	v56 =	vld [tilespmem:$0x11C50];
	v62 =	vmul.f32 v52, v51;
	[tilespmem:$0x11BF0] =	vst v53  }
0x1ed: {  	v58 =	vld [tilespmem:$0x11C60];
	[tilespmem:$0x11C20] =	vst v59;
	v43 =	vmul.f32 v61, v60  }
0x1ee: {  	v42 =	vld [tilespmem:$0x11CB0];
	[tilespmem:$0x11C30] =	vst v62;
	v41 =	vperm.xlane v23, v19;
	v55 =	vmul.f32 v45, v51  }
0x1ef: {  	v44 =	vld [tilespmem:$0x11CC0];
	v36 =	vmul.f32 v54, v60;
	[tilespmem:$0x11C70] =	vst v43  }
0x1f0: {  	v46 =	vld [tilespmem:$0x11CD0];
	v45 =	vmul.f32 v63, v41;
	[tilespmem:$0x11C00] =	vst v55  }
0x1f1: {  	v48 =	vld [tilespmem:$0x11CE0];
	v38 =	vmul.f32 v56, v60;
	[tilespmem:$0x11C40] =	vst v36  }
0x1f2: {  	v50 =	vperm.xlane v23, v20;
	v57 =	vld [tilespmem:$0x11D20];
	v40 =	vmul.f32 v58, v60;
	[tilespmem:$0x11C80] =	vst v45  }
0x1f3: {  	v37 =	vld [tilespmem:$0x11C90];
	v52 =	vmul.f32 v42, v41;
	[tilespmem:$0x11C50] =	vst v38  }
0x1f4: {  	v39 =	vld [tilespmem:$0x11CA0];
	v54 =	vmul.f32 v44, v50;
	[tilespmem:$0x11C60] =	vst v40  }
0x1f5: {  	v53 =	vld [tilespmem:$0x11D00];
	v23 =	vperm.xlane v23, v21;
	v56 =	vmul.f32 v46, v50;
	[tilespmem:$0x11CB0] =	vst v52  }
0x1f6: {  	v51 =	vld [tilespmem:$0x11CF0];
	v58 =	vmul.f32 v48, v50;
	[tilespmem:$0x11CC0] =	vst v54  }
0x1f7: {  	v55 =	vld [tilespmem:$0x11D10];
	v63 =	vmul.f32 v57, v23;
	[tilespmem:$0x11CD0] =	vst v56  }
0x1f8: {  	v59 =	vld [tilespmem:$0x11D30];
	v47 =	vmul.f32 v37, v41;
	[tilespmem:$0x11CE0] =	vst v58  }
0x1f9: {  	v49 =	vmul.f32 v39, v41;
	[tilespmem:$0x11D20] =	vst v63  }
0x1fa: {  	v61 =	vmul.f32 v53, v23;
	[tilespmem:$0x11C90] =	vst v47  }
.Ltmp8:
0x1fb: {  	v60 =	vmul.f32 v51, v50;
	[tilespmem:$0x11CA0] =	vst v49;
	(pc) =	sbr.rel .LBB2_10-.Ltmp8, $4  }
0x1fc: {  	[tilespmem:$0x11D00] =	vst v61;
	v62 =	vmul.f32 v55, v23  }
0x1fd: {  	[tilespmem:$0x11CF0] =	vst v60;
	v23 =	vmul.f32 v59, v23  }
0x1fe: {  	[tilespmem:$0x11D10] =	vst v62  }
0x1ff: {  	[tilespmem:$0x11D30] =	vst v23  }
.LBB2_12:
0x200: {  	_ =	sfence.sel $0x180000  }
0x201: {  	[bflag:$0x0] =	sbarrier.arrive $0xFFFF  }
0x202: {  	_ =	strace $0x90000047  }
0x203: {  	s0 =	stileid.u32;
	[bflag:$0x2] =	sbarrier.arrive $0xFFFF  }
0x204: {  	p0 =	sne.s32 s0, $0x0;
	s0 =	rddreg [dreg:$0x5]  }
0x205: {  	s0 =	sadd.s32 @!p0 $0x100000, s0  }
0x206: {  	[sflag:s0] =	ssyncadd.tile.s32 @!p0 $0x1;
	_ =	shalt  }
.Lfunc_end2:
_tile_overlayer_lowered:
.L_overlay_start_2:
0x207: {  	(tag) =	ssettag $0x2  }
0x208: {  	s0 =	rddreg [dreg:$0x0];
	s2 =	stileid.u32  }
0x209: {  	s1 =	rddreg [dreg:$0x1];
	p0 =	sne.s32 s2, $0x0  }
0x20a: {  	s3 =	rddreg [dreg:$0x2];
	[bflag:$0x3] =	sbarrier.arrive $0xFFFF;
	s2 =	simm.s32 @!p0 $0x1C01  }
0x20b: {  	[timem:s3], [sflag:s2] =	dma.local @!p0 [hbm:s0], s1  }
0x20c: {  	s0 =	simm.s32 @!p0 $0x1  }
0x20d: {  	_ =	swait.ge @!p0 [sflag:s0], s1  }
0x20e: {  	s1 =	ssub.s32 @!p0 $0x0, s1;
	[sflag:s0] =	ssyncset.done @!p0 $0x0  }
0x20f: {  	[sflag:s0] =	ssyncadd.s32 @!p0 s1  }
0x210: {  	[bflag:$0x3] =	sbarrier.arrive $0xFFFF  }
0x211: {  	_ =	shalt  }

</sc_bundles>
